<compile_context>
chip_gen: v7x
topology: tpu7x:2x2x1
jax: 0.10.2.dev20260603
libtpu: 0.0.44.dev20260713+nightly
codegen_flags: <defaults>
</compile_context>

<pallas_src>
import functools

import jax
import jax.numpy as jnp
from jax import lax
from jax.experimental import pallas as pl
from jax.experimental.pallas import tpu as pltpu
from jax.experimental.pallas import tpu_sc as plsc

N = 1000000
ROWS = N // 128
PAD_N = 1048576
PAD_ROWS = PAD_N // 128
CHUNK_ROWS = 512
N_CHUNKS = PAD_ROWS // CHUNK_ROWS

TOT_X = 16384 * 100
NW = 32
PER_W = TOT_X // NW
CH = 6400
N_ITERS = PER_W // CH


def _max_kernel(p_ref, m_ref):
    i = pl.program_id(0)

    @pl.when(i == 0)
    def _():
        m_ref[0, 0] = jnp.float32(-jnp.inf)

    m_ref[0, 0] = jnp.maximum(m_ref[0, 0], jnp.max(p_ref[...]))


def _table_kernel(m_ref, p_ref, pair_ref, tot_ref, carry_ref):
    i = pl.program_id(0)

    @pl.when(i == 0)
    def _():
        carry_ref[0, 0] = jnp.float32(0.0)

    e = jnp.exp(p_ref[...] - m_ref[0, 0])

    ids = lax.broadcasted_iota(jnp.int32, (128, 128), 0)
    jds = lax.broadcasted_iota(jnp.int32, (128, 128), 1)
    U = (ids <= jds).astype(jnp.float32)

    C = jnp.dot(e, U, preferred_element_type=jnp.float32)
    r_col = C[:, 127:128]

    ids2 = lax.broadcasted_iota(jnp.int32, (CHUNK_ROWS, CHUNK_ROWS), 0)
    jds2 = lax.broadcasted_iota(jnp.int32, (CHUNK_ROWS, CHUNK_ROWS), 1)
    Ls = (jds2 < ids2).astype(jnp.float32)
    offs = jnp.dot(Ls, r_col, preferred_element_type=jnp.float32)

    carry = carry_ref[0, 0]
    ce = C + offs + carry

    a_bits = lax.bitcast_convert_type(ce - e, jnp.int32)
    e_bits = lax.bitcast_convert_type(e, jnp.int32)
    au = (a_bits + 0x8000) >> 16
    eu = (e_bits + 0x8000) >> 16
    packed = (au << 16) | (eu & 0xFFFF)
    pair_ref[...] = packed.reshape(CHUNK_ROWS * 128)

    new_carry = carry + jnp.sum(r_col)
    carry_ref[0, 0] = new_carry
    tot_ref[0, 0] = new_carry


def _build_table(p):
    p_pad = jnp.full((PAD_N,), -jnp.inf, dtype=jnp.float32).at[:N].set(p)
    p2 = p_pad.reshape(PAD_ROWS, 128)

    m = pl.pallas_call(
        _max_kernel,
        grid=(PAD_ROWS // 2048,),
        in_specs=[pl.BlockSpec((2048, 128), lambda i: (i, 0))],
        out_specs=pl.BlockSpec(memory_space=pltpu.SMEM),
        out_shape=jax.ShapeDtypeStruct((1, 1), jnp.float32),
    )(p2)

    pairs, tot = pl.pallas_call(
        _table_kernel,
        grid=(N_CHUNKS,),
        in_specs=[
            pl.BlockSpec(memory_space=pltpu.SMEM),
            pl.BlockSpec((CHUNK_ROWS, 128), lambda i: (i, 0)),
        ],
        out_specs=[
            pl.BlockSpec((CHUNK_ROWS * 128,), lambda i: (i,)),
            pl.BlockSpec(memory_space=pltpu.SMEM),
        ],
        out_shape=[
            jax.ShapeDtypeStruct((PAD_N,), jnp.int32),
            jax.ShapeDtypeStruct((1, 1), jnp.float32),
        ],
        scratch_shapes=[pltpu.SMEM((1, 1), jnp.float32)],
    )(m, p2)
    return pairs, tot


def _gather_body(xf, pairs, tot, out, xv, idxv, fracv, pv, wv, totv,
                 sem_x, sem_g, sem_w):
    wid = lax.axis_index("s") * 2 + lax.axis_index("c")
    pltpu.sync_copy(tot, totv)
    inv = 1.0 / totv[...]

    def base(c):
        return wid * PER_W + c * CH

    def cidx(b):
        @plsc.parallel_loop(0, CH, 16, unroll=8)
        def idx_body(j):
            xs = xv[b][pl.ds(j, 16)]
            t = xs * jnp.float32(N) - jnp.float32(1e-5)
            n = t.astype(jnp.int32)
            idxv[b][pl.ds(j, 16)] = n
            fracv[b][pl.ds(j, 16)] = (
                xs * jnp.float32(N) - n.astype(jnp.float32))

    def cw(b):
        @plsc.parallel_loop(0, CH, 16, unroll=8)
        def w_body(j):
            v = pv[b][pl.ds(j, 16)]
            a = plsc.bitcast(v & jnp.int32(-65536), jnp.float32)
            e = plsc.bitcast(v << 16, jnp.float32)
            g = fracv[b][pl.ds(j, 16)]
            wv[b][pl.ds(j, 16)] = (a + g * e) * inv

    x_cp = [None, None]
    g_cp = [None, None]
    w_cp = [None, None]

    x_cp[0] = pltpu.async_copy(xf.at[pl.ds(base(0), CH)], xv[0], sem_x[0])
    for c in range(N_ITERS):
        b = c & 1
        nb = b ^ 1
        x_cp[b].wait()
        cidx(b)
        if c >= 1:
            g_cp[nb].wait()
        g_cp[b] = pltpu.async_copy(pairs.at[idxv[b]], pv[b], sem_g[b])
        if c + 1 < N_ITERS:
            x_cp[nb] = pltpu.async_copy(
                xf.at[pl.ds(base(c + 1), CH)], xv[nb], sem_x[nb])
        if c >= 1:
            if w_cp[nb] is not None:
                w_cp[nb].wait()
            cw(nb)
            w_cp[nb] = pltpu.async_copy(
                wv[nb], out.at[pl.ds(base(c - 1), CH)], sem_w[nb])
    lb = (N_ITERS - 1) & 1
    g_cp[lb].wait()
    if w_cp[lb] is not None:
        w_cp[lb].wait()
    cw(lb)
    w_cp[lb] = pltpu.async_copy(
        wv[lb], out.at[pl.ds(base(N_ITERS - 1), CH)], sem_w[lb])
    w_cp[lb ^ 1].wait()
    w_cp[lb].wait()


@functools.lru_cache(maxsize=None)
def _make_gather_kernel():
    @functools.partial(
        pl.kernel,
        out_type=jax.ShapeDtypeStruct((TOT_X,), jnp.float32),
        mesh=plsc.VectorSubcoreMesh(core_axis_name="c", subcore_axis_name="s"),
        compiler_params=pltpu.CompilerParams(needs_layout_passes=False),
        scratch_types=(
            [pltpu.VMEM((CH,), jnp.float32)] * 2
            + [pltpu.VMEM((CH,), jnp.int32)] * 2
            + [pltpu.VMEM((CH,), jnp.float32)] * 2
            + [pltpu.VMEM((CH,), jnp.int32)] * 2
            + [pltpu.VMEM((CH,), jnp.float32)] * 2
            + [pltpu.VMEM((16,), jnp.float32)]
            + [pltpu.SemaphoreType.DMA] * 6
        ),
    )
    def _gather_kernel(xf, pairs, tot, out, *s):
        xv, idxv, fracv, pv, wv = (s[0:2], s[2:4], s[4:6], s[6:8], s[8:10])
        totv = s[10]
        sem_x, sem_g, sem_w = s[11:13], s[13:15], s[15:17]
        _gather_body(xf, pairs, tot, out, xv, idxv, fracv, pv, wv, totv,
                     sem_x, sem_g, sem_w)

    return _gather_kernel


def kernel(x, p):
    pairs, tot = _build_table(p)
    tot16 = jnp.broadcast_to(tot.reshape(1), (16,))
    xf = x.reshape(TOT_X)
    w = _make_gather_kernel()(xf, pairs, tot16)
    return w.reshape(x.shape)

# --- scband reference (transcript-rebuilt; emitter-appended) ---
"""Pipeline reference for scband-a2-w-piecewise-inc-29085518528581 (READ-ONLY COPY).

The authoritative reference and input builder live on the scoring server;
editing this copy changes nothing except your own understanding.
"""

import jax, jax.numpy as jnp
import numpy as np

N = 1000000

def setup_inputs(seed: int = 0) -> dict:
    key = jax.random.key(seed)
    k1, k2 = jax.random.split(key)
    # x in [0,1); values below 1e-5/N (prob ~1e-11) would wrap in torch, negligible
    x = jax.random.uniform(k1, (16384, 100), dtype=jnp.float32, minval=1e-4, maxval=1.0)
    p = jax.random.normal(k2, (N,), dtype=jnp.float32)
    return {"x": x, "p": p}

def reference(x, p):
    delta = jax.nn.softmax(p, axis=0)
    steps = jnp.cumsum(delta, axis=0)
    # torch uses x.data (detached) for the bin index
    n = jnp.floor(N * jax.lax.stop_gradient(x) - 1e-05).astype(jnp.int32)
    w = jnp.take(steps, n, axis=0) + (x * N - n.astype(x.dtype) - 1.0) * jnp.take(delta, n, axis=0)
    return w

if __name__ == "__main__":
    import jax
    _d = setup_inputs()
    print(jax.jit(kernel)(*tuple(_d.values())))

</pallas_src>

<mosaic_0001>
#map = affine_map<(d0, d1) -> (0)>
module attributes {stable_mosaic.version = 14 : i64} {
  func.func @_gather_kernel(%arg0: i32, %arg1: i32, %arg2: memref<1638400xf32, #tpu.memory_space<hbm>>, %arg3: memref<1048576xi32, #tpu.memory_space<hbm>>, %arg4: memref<16xf32, #tpu.memory_space<hbm>>, %arg5: memref<1638400xf32, #tpu.memory_space<hbm>>, %arg6: memref<6400xf32, #tpu.memory_space<vmem>>, %arg7: memref<6400xf32, #tpu.memory_space<vmem>>, %arg8: memref<6400xi32, #tpu.memory_space<vmem>>, %arg9: memref<6400xi32, #tpu.memory_space<vmem>>, %arg10: memref<6400xf32, #tpu.memory_space<vmem>>, %arg11: memref<6400xf32, #tpu.memory_space<vmem>>, %arg12: memref<6400xi32, #tpu.memory_space<vmem>>, %arg13: memref<6400xi32, #tpu.memory_space<vmem>>, %arg14: memref<6400xf32, #tpu.memory_space<vmem>>, %arg15: memref<6400xf32, #tpu.memory_space<vmem>>, %arg16: memref<16xf32, #tpu.memory_space<vmem>>, %arg17: memref<!tpu.dma_semaphore, #tpu.memory_space<semaphore_mem>>, %arg18: memref<!tpu.dma_semaphore, #tpu.memory_space<semaphore_mem>>, %arg19: memref<!tpu.dma_semaphore, #tpu.memory_space<semaphore_mem>>, %arg20: memref<!tpu.dma_semaphore, #tpu.memory_space<semaphore_mem>>, %arg21: memref<!tpu.dma_semaphore, #tpu.memory_space<semaphore_mem>>, %arg22: memref<!tpu.dma_semaphore, #tpu.memory_space<semaphore_mem>>) attributes {dimension_semantics = [#tpu.dimension_semantics<core_parallel>, #tpu.dimension_semantics<subcore_parallel>], iteration_bounds = array<i64: 2, 16>, scalar_prefetch = 0 : i64, scratch_operands = 17 : i64, tpu.core_type = #tpu.core_type<sc_vector_subcore>, window_params = [{transform_indices = #map}, {transform_indices = #map}, {transform_indices = #map}, {transform_indices = #map}]} {
    %mul3A = arith.constant 2 : i32
    %mul3A_0 = arith.muli %arg1, %mul3A : i32
    %add3A = arith.addi %mul3A_0, %arg0 : i32
    "tpu.region"() ({
      %run_scoped3A = tpu.sem_alloc : memref<!tpu.dma_semaphore, #tpu.memory_space<semaphore_mem>>
      tpu.enqueue_dma source(%arg4 : memref<16xf32, #tpu.memory_space<hbm>>) target(%arg16 : memref<16xf32, #tpu.memory_space<vmem>>) target_semaphore(%run_scoped3A : memref<!tpu.dma_semaphore, #tpu.memory_space<semaphore_mem>>)
      tpu.wait_dma2 semaphore(%run_scoped3A : memref<!tpu.dma_semaphore, #tpu.memory_space<semaphore_mem>>) src(%arg4 : memref<16xf32, #tpu.memory_space<hbm>>) dst(%arg16 : memref<16xf32, #tpu.memory_space<vmem>>)
      tpu.yield
    }) : () -> ()
    %get3A = arith.constant 0 : index
    %get3A_1 = tpu.vector_load %arg16[%get3A] {strides = array<i32>} : memref<16xf32, #tpu.memory_space<vmem>>, vector<16xf32>,
    %div3A = arith.constant 1.000000e+00 : f32
    %div3A_2 = vector.broadcast %div3A : f32 to vector<16xf32>
    %div3A_3 = arith.divf %div3A_2, %get3A_1 : vector<16xf32>
    %mul3A_4 = arith.constant 51200 : i32
    %mul3A_5 = arith.muli %add3A, %mul3A_4 : i32
    %add3A_6 = arith.constant 0 : i32
    %add3A_7 = arith.addi %mul3A_5, %add3A_6 : i32
    %dma_start3A = tpu.memref_slice %arg2[%add3A_7] : memref<1638400xf32, #tpu.memory_space<hbm>> -> memref<6400xf32, #tpu.memory_space<hbm>>
    %dma_start3A_8 = tpu.memref_slice %arg2[%add3A_7] : memref<1638400xf32, #tpu.memory_space<hbm>> -> memref<6400xf32, #tpu.memory_space<hbm>>
    tpu.enqueue_dma source(%dma_start3A_8 : memref<6400xf32, #tpu.memory_space<hbm>>) target(%arg6 : memref<6400xf32, #tpu.memory_space<vmem>>) target_semaphore(%arg17 : memref<!tpu.dma_semaphore, #tpu.memory_space<semaphore_mem>>)
    %dma_wait3A = tpu.memref_slice %arg2[%add3A_7] : memref<1638400xf32, #tpu.memory_space<hbm>> -> memref<6400xf32, #tpu.memory_space<hbm>>
    %dma_wait3A_9 = tpu.memref_slice %arg2[%add3A_7] : memref<1638400xf32, #tpu.memory_space<hbm>> -> memref<6400xf32, #tpu.memory_space<hbm>>
    tpu.wait_dma2 semaphore(%arg17 : memref<!tpu.dma_semaphore, #tpu.memory_space<semaphore_mem>>) src(%dma_wait3A_9 : memref<6400xf32, #tpu.memory_space<hbm>>) dst(%arg6 : memref<6400xf32, #tpu.memory_space<vmem>>)
    %parallel_loop3A = arith.constant 0 : i32
    %parallel_loop3A_10 = arith.constant 6400 : i32
    %parallel_loop3A_11 = arith.constant 16 : i32
    scf.for %parallel_loop3A_209 = %parallel_loop3A to %parallel_loop3A_10 step %parallel_loop3A_11  : i32 {
      %parallel_loop3A_210 = arith.index_cast %parallel_loop3A_209 : i32 to index
      %parallel_loop3A_211 = tpu.vector_load %arg6[%parallel_loop3A_210] {strides = array<i32>} : memref<6400xf32, #tpu.memory_space<vmem>>, vector<16xf32>,
      %parallel_loop3A_212 = arith.constant 1.000000e+06 : f32
      %parallel_loop3A_213 = vector.broadcast %parallel_loop3A_212 : f32 to vector<16xf32>
      %parallel_loop3A_214 = arith.mulf %parallel_loop3A_211, %parallel_loop3A_213 : vector<16xf32>
      %parallel_loop3A_215 = arith.constant 9.99999974E-6 : f32
      %parallel_loop3A_216 = vector.broadcast %parallel_loop3A_215 : f32 to vector<16xf32>
      %parallel_loop3A_217 = arith.subf %parallel_loop3A_214, %parallel_loop3A_216 : vector<16xf32>
      %parallel_loop3A_218 = arith.fptosi %parallel_loop3A_217 : vector<16xf32> to vector<16xi32>
      %parallel_loop3A_219 = arith.index_cast %parallel_loop3A_209 : i32 to index
      %parallel_loop3A_220 = tpu.vector_load %arg8[%parallel_loop3A_219] {strides = array<i32>} : memref<6400xi32, #tpu.memory_space<vmem>>, vector<16xi32>,
      tpu.vector_store %arg8[%parallel_loop3A_219], %parallel_loop3A_218 {strides = array<i32>} : memref<6400xi32, #tpu.memory_space<vmem>>, vector<16xi32>,
      %parallel_loop3A_221 = arith.constant 1.000000e+06 : f32
      %parallel_loop3A_222 = vector.broadcast %parallel_loop3A_221 : f32 to vector<16xf32>
      %parallel_loop3A_223 = arith.mulf %parallel_loop3A_211, %parallel_loop3A_222 : vector<16xf32>
      %parallel_loop3A_224 = arith.sitofp %parallel_loop3A_218 : vector<16xi32> to vector<16xf32>
      %parallel_loop3A_225 = arith.subf %parallel_loop3A_223, %parallel_loop3A_224 : vector<16xf32>
      %parallel_loop3A_226 = arith.index_cast %parallel_loop3A_209 : i32 to index
      %parallel_loop3A_227 = tpu.vector_load %arg10[%parallel_loop3A_226] {strides = array<i32>} : memref<6400xf32, #tpu.memory_space<vmem>>, vector<16xf32>,
      tpu.vector_store %arg10[%parallel_loop3A_226], %parallel_loop3A_225 {strides = array<i32>} : memref<6400xf32, #tpu.memory_space<vmem>>, vector<16xf32>,
    } {sc.loop_unroll_factor = 8 : i64, sc.parallel_access}
    %dma_start3A_12 = arith.constant 0 : i32
    %dma_start3A_13 = tpu.memref_slice %arg3[%dma_start3A_12] : memref<1048576xi32, #tpu.memory_space<hbm>> -> memref<1048576xi32, #tpu.memory_space<hbm>>
    tpu.enqueue_indirect_dma source(%dma_start3A_13 : memref<1048576xi32, #tpu.memory_space<hbm>>) target(%arg12 : memref<6400xi32, #tpu.memory_space<vmem>>) offsets(%arg8 : memref<6400xi32, #tpu.memory_space<vmem>>) semaphore(%arg19 : memref<!tpu.dma_semaphore, #tpu.memory_space<semaphore_mem>>)
    %mul3A_14 = arith.constant 51200 : i32
    %mul3A_15 = arith.muli %add3A, %mul3A_14 : i32
    %add3A_16 = arith.constant 6400 : i32
    %add3A_17 = arith.addi %mul3A_15, %add3A_16 : i32
    %dma_start3A_18 = tpu.memref_slice %arg2[%add3A_17] : memref<1638400xf32, #tpu.memory_space<hbm>> -> memref<6400xf32, #tpu.memory_space<hbm>>
    %dma_start3A_19 = tpu.memref_slice %arg2[%add3A_17] : memref<1638400xf32, #tpu.memory_space<hbm>> -> memref<6400xf32, #tpu.memory_space<hbm>>
    tpu.enqueue_dma source(%dma_start3A_19 : memref<6400xf32, #tpu.memory_space<hbm>>) target(%arg7 : memref<6400xf32, #tpu.memory_space<vmem>>) target_semaphore(%arg18 : memref<!tpu.dma_semaphore, #tpu.memory_space<semaphore_mem>>)
    %dma_wait3A_20 = tpu.memref_slice %arg2[%add3A_17] : memref<1638400xf32, #tpu.memory_space<hbm>> -> memref<6400xf32, #tpu.memory_space<hbm>>
    %dma_wait3A_21 = tpu.memref_slice %arg2[%add3A_17] : memref<1638400xf32, #tpu.memory_space<hbm>> -> memref<6400xf32, #tpu.memory_space<hbm>>
    tpu.wait_dma2 semaphore(%arg18 : memref<!tpu.dma_semaphore, #tpu.memory_space<semaphore_mem>>) src(%dma_wait3A_21 : memref<6400xf32, #tpu.memory_space<hbm>>) dst(%arg7 : memref<6400xf32, #tpu.memory_space<vmem>>)
    %parallel_loop3A_22 = arith.constant 0 : i32
    %parallel_loop3A_23 = arith.constant 6400 : i32
    %parallel_loop3A_24 = arith.constant 16 : i32
    scf.for %parallel_loop3A_209 = %parallel_loop3A_22 to %parallel_loop3A_23 step %parallel_loop3A_24  : i32 {
      %parallel_loop3A_210 = arith.index_cast %parallel_loop3A_209 : i32 to index
      %parallel_loop3A_211 = tpu.vector_load %arg7[%parallel_loop3A_210] {strides = array<i32>} : memref<6400xf32, #tpu.memory_space<vmem>>, vector<16xf32>,
      %parallel_loop3A_212 = arith.constant 1.000000e+06 : f32
      %parallel_loop3A_213 = vector.broadcast %parallel_loop3A_212 : f32 to vector<16xf32>
      %parallel_loop3A_214 = arith.mulf %parallel_loop3A_211, %parallel_loop3A_213 : vector<16xf32>
      %parallel_loop3A_215 = arith.constant 9.99999974E-6 : f32
      %parallel_loop3A_216 = vector.broadcast %parallel_loop3A_215 : f32 to vector<16xf32>
      %parallel_loop3A_217 = arith.subf %parallel_loop3A_214, %parallel_loop3A_216 : vector<16xf32>
      %parallel_loop3A_218 = arith.fptosi %parallel_loop3A_217 : vector<16xf32> to vector<16xi32>
      %parallel_loop3A_219 = arith.index_cast %parallel_loop3A_209 : i32 to index
      %parallel_loop3A_220 = tpu.vector_load %arg9[%parallel_loop3A_219] {strides = array<i32>} : memref<6400xi32, #tpu.memory_space<vmem>>, vector<16xi32>,
      tpu.vector_store %arg9[%parallel_loop3A_219], %parallel_loop3A_218 {strides = array<i32>} : memref<6400xi32, #tpu.memory_space<vmem>>, vector<16xi32>,
      %parallel_loop3A_221 = arith.constant 1.000000e+06 : f32
      %parallel_loop3A_222 = vector.broadcast %parallel_loop3A_221 : f32 to vector<16xf32>
      %parallel_loop3A_223 = arith.mulf %parallel_loop3A_211, %parallel_loop3A_222 : vector<16xf32>
      %parallel_loop3A_224 = arith.sitofp %parallel_loop3A_218 : vector<16xi32> to vector<16xf32>
      %parallel_loop3A_225 = arith.subf %parallel_loop3A_223, %parallel_loop3A_224 : vector<16xf32>
      %parallel_loop3A_226 = arith.index_cast %parallel_loop3A_209 : i32 to index
      %parallel_loop3A_227 = tpu.vector_load %arg11[%parallel_loop3A_226] {strides = array<i32>} : memref<6400xf32, #tpu.memory_space<vmem>>, vector<16xf32>,
      tpu.vector_store %arg11[%parallel_loop3A_226], %parallel_loop3A_225 {strides = array<i32>} : memref<6400xf32, #tpu.memory_space<vmem>>, vector<16xf32>,
    } {sc.loop_unroll_factor = 8 : i64, sc.parallel_access}
    %dma_wait3A_25 = arith.constant 0 : i32
    %dma_wait3A_26 = tpu.memref_slice %arg3[%dma_wait3A_25] : memref<1048576xi32, #tpu.memory_space<hbm>> -> memref<1048576xi32, #tpu.memory_space<hbm>>
    tpu.wait_indirect_dma semaphore(%arg19 : memref<!tpu.dma_semaphore, #tpu.memory_space<semaphore_mem>>) src(%dma_wait3A_26 : memref<1048576xi32, #tpu.memory_space<hbm>>) dst(%arg12 : memref<6400xi32, #tpu.memory_space<vmem>>)
    %dma_start3A_27 = arith.constant 0 : i32
    %dma_start3A_28 = tpu.memref_slice %arg3[%dma_start3A_27] : memref<1048576xi32, #tpu.memory_space<hbm>> -> memref<1048576xi32, #tpu.memory_space<hbm>>
    tpu.enqueue_indirect_dma source(%dma_start3A_28 : memref<1048576xi32, #tpu.memory_space<hbm>>) target(%arg13 : memref<6400xi32, #tpu.memory_space<vmem>>) offsets(%arg9 : memref<6400xi32, #tpu.memory_space<vmem>>) semaphore(%arg20 : memref<!tpu.dma_semaphore, #tpu.memory_space<semaphore_mem>>)
    %mul3A_29 = arith.constant 51200 : i32
    %mul3A_30 = arith.muli %add3A, %mul3A_29 : i32
    %add3A_31 = arith.constant 12800 : i32
    %add3A_32 = arith.addi %mul3A_30, %add3A_31 : i32
    %dma_start3A_33 = tpu.memref_slice %arg2[%add3A_32] : memref<1638400xf32, #tpu.memory_space<hbm>> -> memref<6400xf32, #tpu.memory_space<hbm>>
    %dma_start3A_34 = tpu.memref_slice %arg2[%add3A_32] : memref<1638400xf32, #tpu.memory_space<hbm>> -> memref<6400xf32, #tpu.memory_space<hbm>>
    tpu.enqueue_dma source(%dma_start3A_34 : memref<6400xf32, #tpu.memory_space<hbm>>) target(%arg6 : memref<6400xf32, #tpu.memory_space<vmem>>) target_semaphore(%arg17 : memref<!tpu.dma_semaphore, #tpu.memory_space<semaphore_mem>>)
    %parallel_loop3A_35 = arith.constant 0 : i32
    %parallel_loop3A_36 = arith.constant 6400 : i32
    %parallel_loop3A_37 = arith.constant 16 : i32
    scf.for %parallel_loop3A_209 = %parallel_loop3A_35 to %parallel_loop3A_36 step %parallel_loop3A_37  : i32 {
      %parallel_loop3A_210 = arith.index_cast %parallel_loop3A_209 : i32 to index
      %parallel_loop3A_211 = tpu.vector_load %arg12[%parallel_loop3A_210] {strides = array<i32>} : memref<6400xi32, #tpu.memory_space<vmem>>, vector<16xi32>,
      %parallel_loop3A_212 = arith.constant -65536 : i32
      %parallel_loop3A_213 = vector.broadcast %parallel_loop3A_212 : i32 to vector<16xi32>
      %parallel_loop3A_214 = arith.andi %parallel_loop3A_211, %parallel_loop3A_213 : vector<16xi32>
      %parallel_loop3A_215 = vector.bitcast %parallel_loop3A_214 : vector<16xi32> to vector<16xf32>
      %parallel_loop3A_216 = arith.constant 16 : i32
      %parallel_loop3A_217 = vector.broadcast %parallel_loop3A_216 : i32 to vector<16xi32>
      %parallel_loop3A_218 = arith.shli %parallel_loop3A_211, %parallel_loop3A_217 : vector<16xi32>
      %parallel_loop3A_219 = vector.bitcast %parallel_loop3A_218 : vector<16xi32> to vector<16xf32>
      %parallel_loop3A_220 = arith.index_cast %parallel_loop3A_209 : i32 to index
      %parallel_loop3A_221 = tpu.vector_load %arg10[%parallel_loop3A_220] {strides = array<i32>} : memref<6400xf32, #tpu.memory_space<vmem>>, vector<16xf32>,
      %parallel_loop3A_222 = arith.mulf %parallel_loop3A_221, %parallel_loop3A_219 : vector<16xf32>
      %parallel_loop3A_223 = arith.addf %parallel_loop3A_215, %parallel_loop3A_222 : vector<16xf32>
      %parallel_loop3A_224 = arith.mulf %parallel_loop3A_223, %div3A_3 : vector<16xf32>
      %parallel_loop3A_225 = arith.index_cast %parallel_loop3A_209 : i32 to index
      %parallel_loop3A_226 = tpu.vector_load %arg14[%parallel_loop3A_225] {strides = array<i32>} : memref<6400xf32, #tpu.memory_space<vmem>>, vector<16xf32>,
      tpu.vector_store %arg14[%parallel_loop3A_225], %parallel_loop3A_224 {strides = array<i32>} : memref<6400xf32, #tpu.memory_space<vmem>>, vector<16xf32>,
    } {sc.loop_unroll_factor = 8 : i64, sc.parallel_access}
    %mul3A_38 = arith.constant 51200 : i32
    %mul3A_39 = arith.muli %add3A, %mul3A_38 : i32
    %add3A_40 = arith.constant 0 : i32
    %add3A_41 = arith.addi %mul3A_39, %add3A_40 : i32
    %dma_start3A_42 = tpu.memref_slice %arg5[%add3A_41] : memref<1638400xf32, #tpu.memory_space<hbm>> -> memref<6400xf32, #tpu.memory_space<hbm>>
    %dma_start3A_43 = tpu.memref_slice %arg5[%add3A_41] : memref<1638400xf32, #tpu.memory_space<hbm>> -> memref<6400xf32, #tpu.memory_space<hbm>>
    tpu.enqueue_dma source(%arg14 : memref<6400xf32, #tpu.memory_space<vmem>>) target(%dma_start3A_43 : memref<6400xf32, #tpu.memory_space<hbm>>) target_semaphore(%arg21 : memref<!tpu.dma_semaphore, #tpu.memory_space<semaphore_mem>>)
    %dma_wait3A_44 = tpu.memref_slice %arg2[%add3A_32] : memref<1638400xf32, #tpu.memory_space<hbm>> -> memref<6400xf32, #tpu.memory_space<hbm>>
    %dma_wait3A_45 = tpu.memref_slice %arg2[%add3A_32] : memref<1638400xf32, #tpu.memory_space<hbm>> -> memref<6400xf32, #tpu.memory_space<hbm>>
    tpu.wait_dma2 semaphore(%arg17 : memref<!tpu.dma_semaphore, #tpu.memory_space<semaphore_mem>>) src(%dma_wait3A_45 : memref<6400xf32, #tpu.memory_space<hbm>>) dst(%arg6 : memref<6400xf32, #tpu.memory_space<vmem>>)
    %parallel_loop3A_46 = arith.constant 0 : i32
    %parallel_loop3A_47 = arith.constant 6400 : i32
    %parallel_loop3A_48 = arith.constant 16 : i32
    scf.for %parallel_loop3A_209 = %parallel_loop3A_46 to %parallel_loop3A_47 step %parallel_loop3A_48  : i32 {
      %parallel_loop3A_210 = arith.index_cast %parallel_loop3A_209 : i32 to index
      %parallel_loop3A_211 = tpu.vector_load %arg6[%parallel_loop3A_210] {strides = array<i32>} : memref<6400xf32, #tpu.memory_space<vmem>>, vector<16xf32>,
      %parallel_loop3A_212 = arith.constant 1.000000e+06 : f32
      %parallel_loop3A_213 = vector.broadcast %parallel_loop3A_212 : f32 to vector<16xf32>
      %parallel_loop3A_214 = arith.mulf %parallel_loop3A_211, %parallel_loop3A_213 : vector<16xf32>
      %parallel_loop3A_215 = arith.constant 9.99999974E-6 : f32
      %parallel_loop3A_216 = vector.broadcast %parallel_loop3A_215 : f32 to vector<16xf32>
      %parallel_loop3A_217 = arith.subf %parallel_loop3A_214, %parallel_loop3A_216 : vector<16xf32>
      %parallel_loop3A_218 = arith.fptosi %parallel_loop3A_217 : vector<16xf32> to vector<16xi32>
      %parallel_loop3A_219 = arith.index_cast %parallel_loop3A_209 : i32 to index
      %parallel_loop3A_220 = tpu.vector_load %arg8[%parallel_loop3A_219] {strides = array<i32>} : memref<6400xi32, #tpu.memory_space<vmem>>, vector<16xi32>,
      tpu.vector_store %arg8[%parallel_loop3A_219], %parallel_loop3A_218 {strides = array<i32>} : memref<6400xi32, #tpu.memory_space<vmem>>, vector<16xi32>,
      %parallel_loop3A_221 = arith.constant 1.000000e+06 : f32
      %parallel_loop3A_222 = vector.broadcast %parallel_loop3A_221 : f32 to vector<16xf32>
      %parallel_loop3A_223 = arith.mulf %parallel_loop3A_211, %parallel_loop3A_222 : vector<16xf32>
      %parallel_loop3A_224 = arith.sitofp %parallel_loop3A_218 : vector<16xi32> to vector<16xf32>
      %parallel_loop3A_225 = arith.subf %parallel_loop3A_223, %parallel_loop3A_224 : vector<16xf32>
      %parallel_loop3A_226 = arith.index_cast %parallel_loop3A_209 : i32 to index
      %parallel_loop3A_227 = tpu.vector_load %arg10[%parallel_loop3A_226] {strides = array<i32>} : memref<6400xf32, #tpu.memory_space<vmem>>, vector<16xf32>,
      tpu.vector_store %arg10[%parallel_loop3A_226], %parallel_loop3A_225 {strides = array<i32>} : memref<6400xf32, #tpu.memory_space<vmem>>, vector<16xf32>,
    } {sc.loop_unroll_factor = 8 : i64, sc.parallel_access}
    %dma_wait3A_49 = arith.constant 0 : i32
    %dma_wait3A_50 = tpu.memref_slice %arg3[%dma_wait3A_49] : memref<1048576xi32, #tpu.memory_space<hbm>> -> memref<1048576xi32, #tpu.memory_space<hbm>>
    tpu.wait_indirect_dma semaphore(%arg20 : memref<!tpu.dma_semaphore, #tpu.memory_space<semaphore_mem>>) src(%dma_wait3A_50 : memref<1048576xi32, #tpu.memory_space<hbm>>) dst(%arg13 : memref<6400xi32, #tpu.memory_space<vmem>>)
    %dma_start3A_51 = arith.constant 0 : i32
    %dma_start3A_52 = tpu.memref_slice %arg3[%dma_start3A_51] : memref<1048576xi32, #tpu.memory_space<hbm>> -> memref<1048576xi32, #tpu.memory_space<hbm>>
    tpu.enqueue_indirect_dma source(%dma_start3A_52 : memref<1048576xi32, #tpu.memory_space<hbm>>) target(%arg12 : memref<6400xi32, #tpu.memory_space<vmem>>) offsets(%arg8 : memref<6400xi32, #tpu.memory_space<vmem>>) semaphore(%arg19 : memref<!tpu.dma_semaphore, #tpu.memory_space<semaphore_mem>>)
    %mul3A_53 = arith.constant 51200 : i32
    %mul3A_54 = arith.muli %add3A, %mul3A_53 : i32
    %add3A_55 = arith.constant 19200 : i32
    %add3A_56 = arith.addi %mul3A_54, %add3A_55 : i32
    %dma_start3A_57 = tpu.memref_slice %arg2[%add3A_56] : memref<1638400xf32, #tpu.memory_space<hbm>> -> memref<6400xf32, #tpu.memory_space<hbm>>
    %dma_start3A_58 = tpu.memref_slice %arg2[%add3A_56] : memref<1638400xf32, #tpu.memory_space<hbm>> -> memref<6400xf32, #tpu.memory_space<hbm>>
    tpu.enqueue_dma source(%dma_start3A_58 : memref<6400xf32, #tpu.memory_space<hbm>>) target(%arg7 : memref<6400xf32, #tpu.memory_space<vmem>>) target_semaphore(%arg18 : memref<!tpu.dma_semaphore, #tpu.memory_space<semaphore_mem>>)
    %parallel_loop3A_59 = arith.constant 0 : i32
    %parallel_loop3A_60 = arith.constant 6400 : i32
    %parallel_loop3A_61 = arith.constant 16 : i32
    scf.for %parallel_loop3A_209 = %parallel_loop3A_59 to %parallel_loop3A_60 step %parallel_loop3A_61  : i32 {
      %parallel_loop3A_210 = arith.index_cast %parallel_loop3A_209 : i32 to index
      %parallel_loop3A_211 = tpu.vector_load %arg13[%parallel_loop3A_210] {strides = array<i32>} : memref<6400xi32, #tpu.memory_space<vmem>>, vector<16xi32>,
      %parallel_loop3A_212 = arith.constant -65536 : i32
      %parallel_loop3A_213 = vector.broadcast %parallel_loop3A_212 : i32 to vector<16xi32>
      %parallel_loop3A_214 = arith.andi %parallel_loop3A_211, %parallel_loop3A_213 : vector<16xi32>
      %parallel_loop3A_215 = vector.bitcast %parallel_loop3A_214 : vector<16xi32> to vector<16xf32>
      %parallel_loop3A_216 = arith.constant 16 : i32
      %parallel_loop3A_217 = vector.broadcast %parallel_loop3A_216 : i32 to vector<16xi32>
      %parallel_loop3A_218 = arith.shli %parallel_loop3A_211, %parallel_loop3A_217 : vector<16xi32>
      %parallel_loop3A_219 = vector.bitcast %parallel_loop3A_218 : vector<16xi32> to vector<16xf32>
      %parallel_loop3A_220 = arith.index_cast %parallel_loop3A_209 : i32 to index
      %parallel_loop3A_221 = tpu.vector_load %arg11[%parallel_loop3A_220] {strides = array<i32>} : memref<6400xf32, #tpu.memory_space<vmem>>, vector<16xf32>,
      %parallel_loop3A_222 = arith.mulf %parallel_loop3A_221, %parallel_loop3A_219 : vector<16xf32>
      %parallel_loop3A_223 = arith.addf %parallel_loop3A_215, %parallel_loop3A_222 : vector<16xf32>
      %parallel_loop3A_224 = arith.mulf %parallel_loop3A_223, %div3A_3 : vector<16xf32>
      %parallel_loop3A_225 = arith.index_cast %parallel_loop3A_209 : i32 to index
      %parallel_loop3A_226 = tpu.vector_load %arg15[%parallel_loop3A_225] {strides = array<i32>} : memref<6400xf32, #tpu.memory_space<vmem>>, vector<16xf32>,
      tpu.vector_store %arg15[%parallel_loop3A_225], %parallel_loop3A_224 {strides = array<i32>} : memref<6400xf32, #tpu.memory_space<vmem>>, vector<16xf32>,
    } {sc.loop_unroll_factor = 8 : i64, sc.parallel_access}
    %mul3A_62 = arith.constant 51200 : i32
    %mul3A_63 = arith.muli %add3A, %mul3A_62 : i32
    %add3A_64 = arith.constant 6400 : i32
    %add3A_65 = arith.addi %mul3A_63, %add3A_64 : i32
    %dma_start3A_66 = tpu.memref_slice %arg5[%add3A_65] : memref<1638400xf32, #tpu.memory_space<hbm>> -> memref<6400xf32, #tpu.memory_space<hbm>>
    %dma_start3A_67 = tpu.memref_slice %arg5[%add3A_65] : memref<1638400xf32, #tpu.memory_space<hbm>> -> memref<6400xf32, #tpu.memory_space<hbm>>
    tpu.enqueue_dma source(%arg15 : memref<6400xf32, #tpu.memory_space<vmem>>) target(%dma_start3A_67 : memref<6400xf32, #tpu.memory_space<hbm>>) target_semaphore(%arg22 : memref<!tpu.dma_semaphore, #tpu.memory_space<semaphore_mem>>)
    %dma_wait3A_68 = tpu.memref_slice %arg2[%add3A_56] : memref<1638400xf32, #tpu.memory_space<hbm>> -> memref<6400xf32, #tpu.memory_space<hbm>>
    %dma_wait3A_69 = tpu.memref_slice %arg2[%add3A_56] : memref<1638400xf32, #tpu.memory_space<hbm>> -> memref<6400xf32, #tpu.memory_space<hbm>>
    tpu.wait_dma2 semaphore(%arg18 : memref<!tpu.dma_semaphore, #tpu.memory_space<semaphore_mem>>) src(%dma_wait3A_69 : memref<6400xf32, #tpu.memory_space<hbm>>) dst(%arg7 : memref<6400xf32, #tpu.memory_space<vmem>>)
    %parallel_loop3A_70 = arith.constant 0 : i32
    %parallel_loop3A_71 = arith.constant 6400 : i32
    %parallel_loop3A_72 = arith.constant 16 : i32
    scf.for %parallel_loop3A_209 = %parallel_loop3A_70 to %parallel_loop3A_71 step %parallel_loop3A_72  : i32 {
      %parallel_loop3A_210 = arith.index_cast %parallel_loop3A_209 : i32 to index
      %parallel_loop3A_211 = tpu.vector_load %arg7[%parallel_loop3A_210] {strides = array<i32>} : memref<6400xf32, #tpu.memory_space<vmem>>, vector<16xf32>,
      %parallel_loop3A_212 = arith.constant 1.000000e+06 : f32
      %parallel_loop3A_213 = vector.broadcast %parallel_loop3A_212 : f32 to vector<16xf32>
      %parallel_loop3A_214 = arith.mulf %parallel_loop3A_211, %parallel_loop3A_213 : vector<16xf32>
      %parallel_loop3A_215 = arith.constant 9.99999974E-6 : f32
      %parallel_loop3A_216 = vector.broadcast %parallel_loop3A_215 : f32 to vector<16xf32>
      %parallel_loop3A_217 = arith.subf %parallel_loop3A_214, %parallel_loop3A_216 : vector<16xf32>
      %parallel_loop3A_218 = arith.fptosi %parallel_loop3A_217 : vector<16xf32> to vector<16xi32>
      %parallel_loop3A_219 = arith.index_cast %parallel_loop3A_209 : i32 to index
      %parallel_loop3A_220 = tpu.vector_load %arg9[%parallel_loop3A_219] {strides = array<i32>} : memref<6400xi32, #tpu.memory_space<vmem>>, vector<16xi32>,
      tpu.vector_store %arg9[%parallel_loop3A_219], %parallel_loop3A_218 {strides = array<i32>} : memref<6400xi32, #tpu.memory_space<vmem>>, vector<16xi32>,
      %parallel_loop3A_221 = arith.constant 1.000000e+06 : f32
      %parallel_loop3A_222 = vector.broadcast %parallel_loop3A_221 : f32 to vector<16xf32>
      %parallel_loop3A_223 = arith.mulf %parallel_loop3A_211, %parallel_loop3A_222 : vector<16xf32>
      %parallel_loop3A_224 = arith.sitofp %parallel_loop3A_218 : vector<16xi32> to vector<16xf32>
      %parallel_loop3A_225 = arith.subf %parallel_loop3A_223, %parallel_loop3A_224 : vector<16xf32>
      %parallel_loop3A_226 = arith.index_cast %parallel_loop3A_209 : i32 to index
      %parallel_loop3A_227 = tpu.vector_load %arg11[%parallel_loop3A_226] {strides = array<i32>} : memref<6400xf32, #tpu.memory_space<vmem>>, vector<16xf32>,
      tpu.vector_store %arg11[%parallel_loop3A_226], %parallel_loop3A_225 {strides = array<i32>} : memref<6400xf32, #tpu.memory_space<vmem>>, vector<16xf32>,
    } {sc.loop_unroll_factor = 8 : i64, sc.parallel_access}
    %dma_wait3A_73 = arith.constant 0 : i32
    %dma_wait3A_74 = tpu.memref_slice %arg3[%dma_wait3A_73] : memref<1048576xi32, #tpu.memory_space<hbm>> -> memref<1048576xi32, #tpu.memory_space<hbm>>
    tpu.wait_indirect_dma semaphore(%arg19 : memref<!tpu.dma_semaphore, #tpu.memory_space<semaphore_mem>>) src(%dma_wait3A_74 : memref<1048576xi32, #tpu.memory_space<hbm>>) dst(%arg12 : memref<6400xi32, #tpu.memory_space<vmem>>)
    %dma_start3A_75 = arith.constant 0 : i32
    %dma_start3A_76 = tpu.memref_slice %arg3[%dma_start3A_75] : memref<1048576xi32, #tpu.memory_space<hbm>> -> memref<1048576xi32, #tpu.memory_space<hbm>>
    tpu.enqueue_indirect_dma source(%dma_start3A_76 : memref<1048576xi32, #tpu.memory_space<hbm>>) target(%arg13 : memref<6400xi32, #tpu.memory_space<vmem>>) offsets(%arg9 : memref<6400xi32, #tpu.memory_space<vmem>>) semaphore(%arg20 : memref<!tpu.dma_semaphore, #tpu.memory_space<semaphore_mem>>)
    %mul3A_77 = arith.constant 51200 : i32
    %mul3A_78 = arith.muli %add3A, %mul3A_77 : i32
    %add3A_79 = arith.constant 25600 : i32
    %add3A_80 = arith.addi %mul3A_78, %add3A_79 : i32
    %dma_start3A_81 = tpu.memref_slice %arg2[%add3A_80] : memref<1638400xf32, #tpu.memory_space<hbm>> -> memref<6400xf32, #tpu.memory_space<hbm>>
    %dma_start3A_82 = tpu.memref_slice %arg2[%add3A_80] : memref<1638400xf32, #tpu.memory_space<hbm>> -> memref<6400xf32, #tpu.memory_space<hbm>>
    tpu.enqueue_dma source(%dma_start3A_82 : memref<6400xf32, #tpu.memory_space<hbm>>) target(%arg6 : memref<6400xf32, #tpu.memory_space<vmem>>) target_semaphore(%arg17 : memref<!tpu.dma_semaphore, #tpu.memory_space<semaphore_mem>>)
    %dma_wait3A_83 = tpu.memref_slice %arg5[%add3A_41] : memref<1638400xf32, #tpu.memory_space<hbm>> -> memref<6400xf32, #tpu.memory_space<hbm>>
    %dma_wait3A_84 = tpu.memref_slice %arg5[%add3A_41] : memref<1638400xf32, #tpu.memory_space<hbm>> -> memref<6400xf32, #tpu.memory_space<hbm>>
    tpu.wait_dma2 semaphore(%arg21 : memref<!tpu.dma_semaphore, #tpu.memory_space<semaphore_mem>>) src(%arg14 : memref<6400xf32, #tpu.memory_space<vmem>>) dst(%dma_wait3A_84 : memref<6400xf32, #tpu.memory_space<hbm>>)
    %parallel_loop3A_85 = arith.constant 0 : i32
    %parallel_loop3A_86 = arith.constant 6400 : i32
    %parallel_loop3A_87 = arith.constant 16 : i32
    scf.for %parallel_loop3A_209 = %parallel_loop3A_85 to %parallel_loop3A_86 step %parallel_loop3A_87  : i32 {
      %parallel_loop3A_210 = arith.index_cast %parallel_loop3A_209 : i32 to index
      %parallel_loop3A_211 = tpu.vector_load %arg12[%parallel_loop3A_210] {strides = array<i32>} : memref<6400xi32, #tpu.memory_space<vmem>>, vector<16xi32>,
      %parallel_loop3A_212 = arith.constant -65536 : i32
      %parallel_loop3A_213 = vector.broadcast %parallel_loop3A_212 : i32 to vector<16xi32>
      %parallel_loop3A_214 = arith.andi %parallel_loop3A_211, %parallel_loop3A_213 : vector<16xi32>
      %parallel_loop3A_215 = vector.bitcast %parallel_loop3A_214 : vector<16xi32> to vector<16xf32>
      %parallel_loop3A_216 = arith.constant 16 : i32
      %parallel_loop3A_217 = vector.broadcast %parallel_loop3A_216 : i32 to vector<16xi32>
      %parallel_loop3A_218 = arith.shli %parallel_loop3A_211, %parallel_loop3A_217 : vector<16xi32>
      %parallel_loop3A_219 = vector.bitcast %parallel_loop3A_218 : vector<16xi32> to vector<16xf32>
      %parallel_loop3A_220 = arith.index_cast %parallel_loop3A_209 : i32 to index
      %parallel_loop3A_221 = tpu.vector_load %arg10[%parallel_loop3A_220] {strides = array<i32>} : memref<6400xf32, #tpu.memory_space<vmem>>, vector<16xf32>,
      %parallel_loop3A_222 = arith.mulf %parallel_loop3A_221, %parallel_loop3A_219 : vector<16xf32>
      %parallel_loop3A_223 = arith.addf %parallel_loop3A_215, %parallel_loop3A_222 : vector<16xf32>
      %parallel_loop3A_224 = arith.mulf %parallel_loop3A_223, %div3A_3 : vector<16xf32>
      %parallel_loop3A_225 = arith.index_cast %parallel_loop3A_209 : i32 to index
      %parallel_loop3A_226 = tpu.vector_load %arg14[%parallel_loop3A_225] {strides = array<i32>} : memref<6400xf32, #tpu.memory_space<vmem>>, vector<16xf32>,
      tpu.vector_store %arg14[%parallel_loop3A_225], %parallel_loop3A_224 {strides = array<i32>} : memref<6400xf32, #tpu.memory_space<vmem>>, vector<16xf32>,
    } {sc.loop_unroll_factor = 8 : i64, sc.parallel_access}
    %mul3A_88 = arith.constant 51200 : i32
    %mul3A_89 = arith.muli %add3A, %mul3A_88 : i32
    %add3A_90 = arith.constant 12800 : i32
    %add3A_91 = arith.addi %mul3A_89, %add3A_90 : i32
    %dma_start3A_92 = tpu.memref_slice %arg5[%add3A_91] : memref<1638400xf32, #tpu.memory_space<hbm>> -> memref<6400xf32, #tpu.memory_space<hbm>>
    %dma_start3A_93 = tpu.memref_slice %arg5[%add3A_91] : memref<1638400xf32, #tpu.memory_space<hbm>> -> memref<6400xf32, #tpu.memory_space<hbm>>
    tpu.enqueue_dma source(%arg14 : memref<6400xf32, #tpu.memory_space<vmem>>) target(%dma_start3A_93 : memref<6400xf32, #tpu.memory_space<hbm>>) target_semaphore(%arg21 : memref<!tpu.dma_semaphore, #tpu.memory_space<semaphore_mem>>)
    %dma_wait3A_94 = tpu.memref_slice %arg2[%add3A_80] : memref<1638400xf32, #tpu.memory_space<hbm>> -> memref<6400xf32, #tpu.memory_space<hbm>>
    %dma_wait3A_95 = tpu.memref_slice %arg2[%add3A_80] : memref<1638400xf32, #tpu.memory_space<hbm>> -> memref<6400xf32, #tpu.memory_space<hbm>>
    tpu.wait_dma2 semaphore(%arg17 : memref<!tpu.dma_semaphore, #tpu.memory_space<semaphore_mem>>) src(%dma_wait3A_95 : memref<6400xf32, #tpu.memory_space<hbm>>) dst(%arg6 : memref<6400xf32, #tpu.memory_space<vmem>>)
    %parallel_loop3A_96 = arith.constant 0 : i32
    %parallel_loop3A_97 = arith.constant 6400 : i32
    %parallel_loop3A_98 = arith.constant 16 : i32
    scf.for %parallel_loop3A_209 = %parallel_loop3A_96 to %parallel_loop3A_97 step %parallel_loop3A_98  : i32 {
      %parallel_loop3A_210 = arith.index_cast %parallel_loop3A_209 : i32 to index
      %parallel_loop3A_211 = tpu.vector_load %arg6[%parallel_loop3A_210] {strides = array<i32>} : memref<6400xf32, #tpu.memory_space<vmem>>, vector<16xf32>,
      %parallel_loop3A_212 = arith.constant 1.000000e+06 : f32
      %parallel_loop3A_213 = vector.broadcast %parallel_loop3A_212 : f32 to vector<16xf32>
      %parallel_loop3A_214 = arith.mulf %parallel_loop3A_211, %parallel_loop3A_213 : vector<16xf32>
      %parallel_loop3A_215 = arith.constant 9.99999974E-6 : f32
      %parallel_loop3A_216 = vector.broadcast %parallel_loop3A_215 : f32 to vector<16xf32>
      %parallel_loop3A_217 = arith.subf %parallel_loop3A_214, %parallel_loop3A_216 : vector<16xf32>
      %parallel_loop3A_218 = arith.fptosi %parallel_loop3A_217 : vector<16xf32> to vector<16xi32>
      %parallel_loop3A_219 = arith.index_cast %parallel_loop3A_209 : i32 to index
      %parallel_loop3A_220 = tpu.vector_load %arg8[%parallel_loop3A_219] {strides = array<i32>} : memref<6400xi32, #tpu.memory_space<vmem>>, vector<16xi32>,
      tpu.vector_store %arg8[%parallel_loop3A_219], %parallel_loop3A_218 {strides = array<i32>} : memref<6400xi32, #tpu.memory_space<vmem>>, vector<16xi32>,
      %parallel_loop3A_221 = arith.constant 1.000000e+06 : f32
      %parallel_loop3A_222 = vector.broadcast %parallel_loop3A_221 : f32 to vector<16xf32>
      %parallel_loop3A_223 = arith.mulf %parallel_loop3A_211, %parallel_loop3A_222 : vector<16xf32>
      %parallel_loop3A_224 = arith.sitofp %parallel_loop3A_218 : vector<16xi32> to vector<16xf32>
      %parallel_loop3A_225 = arith.subf %parallel_loop3A_223, %parallel_loop3A_224 : vector<16xf32>
      %parallel_loop3A_226 = arith.index_cast %parallel_loop3A_209 : i32 to index
      %parallel_loop3A_227 = tpu.vector_load %arg10[%parallel_loop3A_226] {strides = array<i32>} : memref<6400xf32, #tpu.memory_space<vmem>>, vector<16xf32>,
      tpu.vector_store %arg10[%parallel_loop3A_226], %parallel_loop3A_225 {strides = array<i32>} : memref<6400xf32, #tpu.memory_space<vmem>>, vector<16xf32>,
    } {sc.loop_unroll_factor = 8 : i64, sc.parallel_access}
    %dma_wait3A_99 = arith.constant 0 : i32
    %dma_wait3A_100 = tpu.memref_slice %arg3[%dma_wait3A_99] : memref<1048576xi32, #tpu.memory_space<hbm>> -> memref<1048576xi32, #tpu.memory_space<hbm>>
    tpu.wait_indirect_dma semaphore(%arg20 : memref<!tpu.dma_semaphore, #tpu.memory_space<semaphore_mem>>) src(%dma_wait3A_100 : memref<1048576xi32, #tpu.memory_space<hbm>>) dst(%arg13 : memref<6400xi32, #tpu.memory_space<vmem>>)
    %dma_start3A_101 = arith.constant 0 : i32
    %dma_start3A_102 = tpu.memref_slice %arg3[%dma_start3A_101] : memref<1048576xi32, #tpu.memory_space<hbm>> -> memref<1048576xi32, #tpu.memory_space<hbm>>
    tpu.enqueue_indirect_dma source(%dma_start3A_102 : memref<1048576xi32, #tpu.memory_space<hbm>>) target(%arg12 : memref<6400xi32, #tpu.memory_space<vmem>>) offsets(%arg8 : memref<6400xi32, #tpu.memory_space<vmem>>) semaphore(%arg19 : memref<!tpu.dma_semaphore, #tpu.memory_space<semaphore_mem>>)
    %mul3A_103 = arith.constant 51200 : i32
    %mul3A_104 = arith.muli %add3A, %mul3A_103 : i32
    %add3A_105 = arith.constant 32000 : i32
    %add3A_106 = arith.addi %mul3A_104, %add3A_105 : i32
    %dma_start3A_107 = tpu.memref_slice %arg2[%add3A_106] : memref<1638400xf32, #tpu.memory_space<hbm>> -> memref<6400xf32, #tpu.memory_space<hbm>>
    %dma_start3A_108 = tpu.memref_slice %arg2[%add3A_106] : memref<1638400xf32, #tpu.memory_space<hbm>> -> memref<6400xf32, #tpu.memory_space<hbm>>
    tpu.enqueue_dma source(%dma_start3A_108 : memref<6400xf32, #tpu.memory_space<hbm>>) target(%arg7 : memref<6400xf32, #tpu.memory_space<vmem>>) target_semaphore(%arg18 : memref<!tpu.dma_semaphore, #tpu.memory_space<semaphore_mem>>)
    %dma_wait3A_109 = tpu.memref_slice %arg5[%add3A_65] : memref<1638400xf32, #tpu.memory_space<hbm>> -> memref<6400xf32, #tpu.memory_space<hbm>>
    %dma_wait3A_110 = tpu.memref_slice %arg5[%add3A_65] : memref<1638400xf32, #tpu.memory_space<hbm>> -> memref<6400xf32, #tpu.memory_space<hbm>>
    tpu.wait_dma2 semaphore(%arg22 : memref<!tpu.dma_semaphore, #tpu.memory_space<semaphore_mem>>) src(%arg15 : memref<6400xf32, #tpu.memory_space<vmem>>) dst(%dma_wait3A_110 : memref<6400xf32, #tpu.memory_space<hbm>>)
    %parallel_loop3A_111 = arith.constant 0 : i32
    %parallel_loop3A_112 = arith.constant 6400 : i32
    %parallel_loop3A_113 = arith.constant 16 : i32
    scf.for %parallel_loop3A_209 = %parallel_loop3A_111 to %parallel_loop3A_112 step %parallel_loop3A_113  : i32 {
      %parallel_loop3A_210 = arith.index_cast %parallel_loop3A_209 : i32 to index
      %parallel_loop3A_211 = tpu.vector_load %arg13[%parallel_loop3A_210] {strides = array<i32>} : memref<6400xi32, #tpu.memory_space<vmem>>, vector<16xi32>,
      %parallel_loop3A_212 = arith.constant -65536 : i32
      %parallel_loop3A_213 = vector.broadcast %parallel_loop3A_212 : i32 to vector<16xi32>
      %parallel_loop3A_214 = arith.andi %parallel_loop3A_211, %parallel_loop3A_213 : vector<16xi32>
      %parallel_loop3A_215 = vector.bitcast %parallel_loop3A_214 : vector<16xi32> to vector<16xf32>
      %parallel_loop3A_216 = arith.constant 16 : i32
      %parallel_loop3A_217 = vector.broadcast %parallel_loop3A_216 : i32 to vector<16xi32>
      %parallel_loop3A_218 = arith.shli %parallel_loop3A_211, %parallel_loop3A_217 : vector<16xi32>
      %parallel_loop3A_219 = vector.bitcast %parallel_loop3A_218 : vector<16xi32> to vector<16xf32>
      %parallel_loop3A_220 = arith.index_cast %parallel_loop3A_209 : i32 to index
      %parallel_loop3A_221 = tpu.vector_load %arg11[%parallel_loop3A_220] {strides = array<i32>} : memref<6400xf32, #tpu.memory_space<vmem>>, vector<16xf32>,
      %parallel_loop3A_222 = arith.mulf %parallel_loop3A_221, %parallel_loop3A_219 : vector<16xf32>
      %parallel_loop3A_223 = arith.addf %parallel_loop3A_215, %parallel_loop3A_222 : vector<16xf32>
      %parallel_loop3A_224 = arith.mulf %parallel_loop3A_223, %div3A_3 : vector<16xf32>
      %parallel_loop3A_225 = arith.index_cast %parallel_loop3A_209 : i32 to index
      %parallel_loop3A_226 = tpu.vector_load %arg15[%parallel_loop3A_225] {strides = array<i32>} : memref<6400xf32, #tpu.memory_space<vmem>>, vector<16xf32>,
      tpu.vector_store %arg15[%parallel_loop3A_225], %parallel_loop3A_224 {strides = array<i32>} : memref<6400xf32, #tpu.memory_space<vmem>>, vector<16xf32>,
    } {sc.loop_unroll_factor = 8 : i64, sc.parallel_access}
    %mul3A_114 = arith.constant 51200 : i32
    %mul3A_115 = arith.muli %add3A, %mul3A_114 : i32
    %add3A_116 = arith.constant 19200 : i32
    %add3A_117 = arith.addi %mul3A_115, %add3A_116 : i32
    %dma_start3A_118 = tpu.memref_slice %arg5[%add3A_117] : memref<1638400xf32, #tpu.memory_space<hbm>> -> memref<6400xf32, #tpu.memory_space<hbm>>
    %dma_start3A_119 = tpu.memref_slice %arg5[%add3A_117] : memref<1638400xf32, #tpu.memory_space<hbm>> -> memref<6400xf32, #tpu.memory_space<hbm>>
    tpu.enqueue_dma source(%arg15 : memref<6400xf32, #tpu.memory_space<vmem>>) target(%dma_start3A_119 : memref<6400xf32, #tpu.memory_space<hbm>>) target_semaphore(%arg22 : memref<!tpu.dma_semaphore, #tpu.memory_space<semaphore_mem>>)
    %dma_wait3A_120 = tpu.memref_slice %arg2[%add3A_106] : memref<1638400xf32, #tpu.memory_space<hbm>> -> memref<6400xf32, #tpu.memory_space<hbm>>
    %dma_wait3A_121 = tpu.memref_slice %arg2[%add3A_106] : memref<1638400xf32, #tpu.memory_space<hbm>> -> memref<6400xf32, #tpu.memory_space<hbm>>
    tpu.wait_dma2 semaphore(%arg18 : memref<!tpu.dma_semaphore, #tpu.memory_space<semaphore_mem>>) src(%dma_wait3A_121 : memref<6400xf32, #tpu.memory_space<hbm>>) dst(%arg7 : memref<6400xf32, #tpu.memory_space<vmem>>)
    %parallel_loop3A_122 = arith.constant 0 : i32
    %parallel_loop3A_123 = arith.constant 6400 : i32
    %parallel_loop3A_124 = arith.constant 16 : i32
    scf.for %parallel_loop3A_209 = %parallel_loop3A_122 to %parallel_loop3A_123 step %parallel_loop3A_124  : i32 {
      %parallel_loop3A_210 = arith.index_cast %parallel_loop3A_209 : i32 to index
      %parallel_loop3A_211 = tpu.vector_load %arg7[%parallel_loop3A_210] {strides = array<i32>} : memref<6400xf32, #tpu.memory_space<vmem>>, vector<16xf32>,
      %parallel_loop3A_212 = arith.constant 1.000000e+06 : f32
      %parallel_loop3A_213 = vector.broadcast %parallel_loop3A_212 : f32 to vector<16xf32>
      %parallel_loop3A_214 = arith.mulf %parallel_loop3A_211, %parallel_loop3A_213 : vector<16xf32>
      %parallel_loop3A_215 = arith.constant 9.99999974E-6 : f32
      %parallel_loop3A_216 = vector.broadcast %parallel_loop3A_215 : f32 to vector<16xf32>
      %parallel_loop3A_217 = arith.subf %parallel_loop3A_214, %parallel_loop3A_216 : vector<16xf32>
      %parallel_loop3A_218 = arith.fptosi %parallel_loop3A_217 : vector<16xf32> to vector<16xi32>
      %parallel_loop3A_219 = arith.index_cast %parallel_loop3A_209 : i32 to index
      %parallel_loop3A_220 = tpu.vector_load %arg9[%parallel_loop3A_219] {strides = array<i32>} : memref<6400xi32, #tpu.memory_space<vmem>>, vector<16xi32>,
      tpu.vector_store %arg9[%parallel_loop3A_219], %parallel_loop3A_218 {strides = array<i32>} : memref<6400xi32, #tpu.memory_space<vmem>>, vector<16xi32>,
      %parallel_loop3A_221 = arith.constant 1.000000e+06 : f32
      %parallel_loop3A_222 = vector.broadcast %parallel_loop3A_221 : f32 to vector<16xf32>
      %parallel_loop3A_223 = arith.mulf %parallel_loop3A_211, %parallel_loop3A_222 : vector<16xf32>
      %parallel_loop3A_224 = arith.sitofp %parallel_loop3A_218 : vector<16xi32> to vector<16xf32>
      %parallel_loop3A_225 = arith.subf %parallel_loop3A_223, %parallel_loop3A_224 : vector<16xf32>
      %parallel_loop3A_226 = arith.index_cast %parallel_loop3A_209 : i32 to index
      %parallel_loop3A_227 = tpu.vector_load %arg11[%parallel_loop3A_226] {strides = array<i32>} : memref<6400xf32, #tpu.memory_space<vmem>>, vector<16xf32>,
      tpu.vector_store %arg11[%parallel_loop3A_226], %parallel_loop3A_225 {strides = array<i32>} : memref<6400xf32, #tpu.memory_space<vmem>>, vector<16xf32>,
    } {sc.loop_unroll_factor = 8 : i64, sc.parallel_access}
    %dma_wait3A_125 = arith.constant 0 : i32
    %dma_wait3A_126 = tpu.memref_slice %arg3[%dma_wait3A_125] : memref<1048576xi32, #tpu.memory_space<hbm>> -> memref<1048576xi32, #tpu.memory_space<hbm>>
    tpu.wait_indirect_dma semaphore(%arg19 : memref<!tpu.dma_semaphore, #tpu.memory_space<semaphore_mem>>) src(%dma_wait3A_126 : memref<1048576xi32, #tpu.memory_space<hbm>>) dst(%arg12 : memref<6400xi32, #tpu.memory_space<vmem>>)
    %dma_start3A_127 = arith.constant 0 : i32
    %dma_start3A_128 = tpu.memref_slice %arg3[%dma_start3A_127] : memref<1048576xi32, #tpu.memory_space<hbm>> -> memref<1048576xi32, #tpu.memory_space<hbm>>
    tpu.enqueue_indirect_dma source(%dma_start3A_128 : memref<1048576xi32, #tpu.memory_space<hbm>>) target(%arg13 : memref<6400xi32, #tpu.memory_space<vmem>>) offsets(%arg9 : memref<6400xi32, #tpu.memory_space<vmem>>) semaphore(%arg20 : memref<!tpu.dma_semaphore, #tpu.memory_space<semaphore_mem>>)
    %mul3A_129 = arith.constant 51200 : i32
    %mul3A_130 = arith.muli %add3A, %mul3A_129 : i32
    %add3A_131 = arith.constant 38400 : i32
    %add3A_132 = arith.addi %mul3A_130, %add3A_131 : i32
    %dma_start3A_133 = tpu.memref_slice %arg2[%add3A_132] : memref<1638400xf32, #tpu.memory_space<hbm>> -> memref<6400xf32, #tpu.memory_space<hbm>>
    %dma_start3A_134 = tpu.memref_slice %arg2[%add3A_132] : memref<1638400xf32, #tpu.memory_space<hbm>> -> memref<6400xf32, #tpu.memory_space<hbm>>
    tpu.enqueue_dma source(%dma_start3A_134 : memref<6400xf32, #tpu.memory_space<hbm>>) target(%arg6 : memref<6400xf32, #tpu.memory_space<vmem>>) target_semaphore(%arg17 : memref<!tpu.dma_semaphore, #tpu.memory_space<semaphore_mem>>)
    %dma_wait3A_135 = tpu.memref_slice %arg5[%add3A_91] : memref<1638400xf32, #tpu.memory_space<hbm>> -> memref<6400xf32, #tpu.memory_space<hbm>>
    %dma_wait3A_136 = tpu.memref_slice %arg5[%add3A_91] : memref<1638400xf32, #tpu.memory_space<hbm>> -> memref<6400xf32, #tpu.memory_space<hbm>>
    tpu.wait_dma2 semaphore(%arg21 : memref<!tpu.dma_semaphore, #tpu.memory_space<semaphore_mem>>) src(%arg14 : memref<6400xf32, #tpu.memory_space<vmem>>) dst(%dma_wait3A_136 : memref<6400xf32, #tpu.memory_space<hbm>>)
    %parallel_loop3A_137 = arith.constant 0 : i32
    %parallel_loop3A_138 = arith.constant 6400 : i32
    %parallel_loop3A_139 = arith.constant 16 : i32
    scf.for %parallel_loop3A_209 = %parallel_loop3A_137 to %parallel_loop3A_138 step %parallel_loop3A_139  : i32 {
      %parallel_loop3A_210 = arith.index_cast %parallel_loop3A_209 : i32 to index
      %parallel_loop3A_211 = tpu.vector_load %arg12[%parallel_loop3A_210] {strides = array<i32>} : memref<6400xi32, #tpu.memory_space<vmem>>, vector<16xi32>,
      %parallel_loop3A_212 = arith.constant -65536 : i32
      %parallel_loop3A_213 = vector.broadcast %parallel_loop3A_212 : i32 to vector<16xi32>
      %parallel_loop3A_214 = arith.andi %parallel_loop3A_211, %parallel_loop3A_213 : vector<16xi32>
      %parallel_loop3A_215 = vector.bitcast %parallel_loop3A_214 : vector<16xi32> to vector<16xf32>
      %parallel_loop3A_216 = arith.constant 16 : i32
      %parallel_loop3A_217 = vector.broadcast %parallel_loop3A_216 : i32 to vector<16xi32>
      %parallel_loop3A_218 = arith.shli %parallel_loop3A_211, %parallel_loop3A_217 : vector<16xi32>
      %parallel_loop3A_219 = vector.bitcast %parallel_loop3A_218 : vector<16xi32> to vector<16xf32>
      %parallel_loop3A_220 = arith.index_cast %parallel_loop3A_209 : i32 to index
      %parallel_loop3A_221 = tpu.vector_load %arg10[%parallel_loop3A_220] {strides = array<i32>} : memref<6400xf32, #tpu.memory_space<vmem>>, vector<16xf32>,
      %parallel_loop3A_222 = arith.mulf %parallel_loop3A_221, %parallel_loop3A_219 : vector<16xf32>
      %parallel_loop3A_223 = arith.addf %parallel_loop3A_215, %parallel_loop3A_222 : vector<16xf32>
      %parallel_loop3A_224 = arith.mulf %parallel_loop3A_223, %div3A_3 : vector<16xf32>
      %parallel_loop3A_225 = arith.index_cast %parallel_loop3A_209 : i32 to index
      %parallel_loop3A_226 = tpu.vector_load %arg14[%parallel_loop3A_225] {strides = array<i32>} : memref<6400xf32, #tpu.memory_space<vmem>>, vector<16xf32>,
      tpu.vector_store %arg14[%parallel_loop3A_225], %parallel_loop3A_224 {strides = array<i32>} : memref<6400xf32, #tpu.memory_space<vmem>>, vector<16xf32>,
    } {sc.loop_unroll_factor = 8 : i64, sc.parallel_access}
    %mul3A_140 = arith.constant 51200 : i32
    %mul3A_141 = arith.muli %add3A, %mul3A_140 : i32
    %add3A_142 = arith.constant 25600 : i32
    %add3A_143 = arith.addi %mul3A_141, %add3A_142 : i32
    %dma_start3A_144 = tpu.memref_slice %arg5[%add3A_143] : memref<1638400xf32, #tpu.memory_space<hbm>> -> memref<6400xf32, #tpu.memory_space<hbm>>
    %dma_start3A_145 = tpu.memref_slice %arg5[%add3A_143] : memref<1638400xf32, #tpu.memory_space<hbm>> -> memref<6400xf32, #tpu.memory_space<hbm>>
    tpu.enqueue_dma source(%arg14 : memref<6400xf32, #tpu.memory_space<vmem>>) target(%dma_start3A_145 : memref<6400xf32, #tpu.memory_space<hbm>>) target_semaphore(%arg21 : memref<!tpu.dma_semaphore, #tpu.memory_space<semaphore_mem>>)
    %dma_wait3A_146 = tpu.memref_slice %arg2[%add3A_132] : memref<1638400xf32, #tpu.memory_space<hbm>> -> memref<6400xf32, #tpu.memory_space<hbm>>
    %dma_wait3A_147 = tpu.memref_slice %arg2[%add3A_132] : memref<1638400xf32, #tpu.memory_space<hbm>> -> memref<6400xf32, #tpu.memory_space<hbm>>
    tpu.wait_dma2 semaphore(%arg17 : memref<!tpu.dma_semaphore, #tpu.memory_space<semaphore_mem>>) src(%dma_wait3A_147 : memref<6400xf32, #tpu.memory_space<hbm>>) dst(%arg6 : memref<6400xf32, #tpu.memory_space<vmem>>)
    %parallel_loop3A_148 = arith.constant 0 : i32
    %parallel_loop3A_149 = arith.constant 6400 : i32
    %parallel_loop3A_150 = arith.constant 16 : i32
    scf.for %parallel_loop3A_209 = %parallel_loop3A_148 to %parallel_loop3A_149 step %parallel_loop3A_150  : i32 {
      %parallel_loop3A_210 = arith.index_cast %parallel_loop3A_209 : i32 to index
      %parallel_loop3A_211 = tpu.vector_load %arg6[%parallel_loop3A_210] {strides = array<i32>} : memref<6400xf32, #tpu.memory_space<vmem>>, vector<16xf32>,
      %parallel_loop3A_212 = arith.constant 1.000000e+06 : f32
      %parallel_loop3A_213 = vector.broadcast %parallel_loop3A_212 : f32 to vector<16xf32>
      %parallel_loop3A_214 = arith.mulf %parallel_loop3A_211, %parallel_loop3A_213 : vector<16xf32>
      %parallel_loop3A_215 = arith.constant 9.99999974E-6 : f32
      %parallel_loop3A_216 = vector.broadcast %parallel_loop3A_215 : f32 to vector<16xf32>
      %parallel_loop3A_217 = arith.subf %parallel_loop3A_214, %parallel_loop3A_216 : vector<16xf32>
      %parallel_loop3A_218 = arith.fptosi %parallel_loop3A_217 : vector<16xf32> to vector<16xi32>
      %parallel_loop3A_219 = arith.index_cast %parallel_loop3A_209 : i32 to index
      %parallel_loop3A_220 = tpu.vector_load %arg8[%parallel_loop3A_219] {strides = array<i32>} : memref<6400xi32, #tpu.memory_space<vmem>>, vector<16xi32>,
      tpu.vector_store %arg8[%parallel_loop3A_219], %parallel_loop3A_218 {strides = array<i32>} : memref<6400xi32, #tpu.memory_space<vmem>>, vector<16xi32>,
      %parallel_loop3A_221 = arith.constant 1.000000e+06 : f32
      %parallel_loop3A_222 = vector.broadcast %parallel_loop3A_221 : f32 to vector<16xf32>
      %parallel_loop3A_223 = arith.mulf %parallel_loop3A_211, %parallel_loop3A_222 : vector<16xf32>
      %parallel_loop3A_224 = arith.sitofp %parallel_loop3A_218 : vector<16xi32> to vector<16xf32>
      %parallel_loop3A_225 = arith.subf %parallel_loop3A_223, %parallel_loop3A_224 : vector<16xf32>
      %parallel_loop3A_226 = arith.index_cast %parallel_loop3A_209 : i32 to index
      %parallel_loop3A_227 = tpu.vector_load %arg10[%parallel_loop3A_226] {strides = array<i32>} : memref<6400xf32, #tpu.memory_space<vmem>>, vector<16xf32>,
      tpu.vector_store %arg10[%parallel_loop3A_226], %parallel_loop3A_225 {strides = array<i32>} : memref<6400xf32, #tpu.memory_space<vmem>>, vector<16xf32>,
    } {sc.loop_unroll_factor = 8 : i64, sc.parallel_access}
    %dma_wait3A_151 = arith.constant 0 : i32
    %dma_wait3A_152 = tpu.memref_slice %arg3[%dma_wait3A_151] : memref<1048576xi32, #tpu.memory_space<hbm>> -> memref<1048576xi32, #tpu.memory_space<hbm>>
    tpu.wait_indirect_dma semaphore(%arg20 : memref<!tpu.dma_semaphore, #tpu.memory_space<semaphore_mem>>) src(%dma_wait3A_152 : memref<1048576xi32, #tpu.memory_space<hbm>>) dst(%arg13 : memref<6400xi32, #tpu.memory_space<vmem>>)
    %dma_start3A_153 = arith.constant 0 : i32
    %dma_start3A_154 = tpu.memref_slice %arg3[%dma_start3A_153] : memref<1048576xi32, #tpu.memory_space<hbm>> -> memref<1048576xi32, #tpu.memory_space<hbm>>
    tpu.enqueue_indirect_dma source(%dma_start3A_154 : memref<1048576xi32, #tpu.memory_space<hbm>>) target(%arg12 : memref<6400xi32, #tpu.memory_space<vmem>>) offsets(%arg8 : memref<6400xi32, #tpu.memory_space<vmem>>) semaphore(%arg19 : memref<!tpu.dma_semaphore, #tpu.memory_space<semaphore_mem>>)
    %mul3A_155 = arith.constant 51200 : i32
    %mul3A_156 = arith.muli %add3A, %mul3A_155 : i32
    %add3A_157 = arith.constant 44800 : i32
    %add3A_158 = arith.addi %mul3A_156, %add3A_157 : i32
    %dma_start3A_159 = tpu.memref_slice %arg2[%add3A_158] : memref<1638400xf32, #tpu.memory_space<hbm>> -> memref<6400xf32, #tpu.memory_space<hbm>>
    %dma_start3A_160 = tpu.memref_slice %arg2[%add3A_158] : memref<1638400xf32, #tpu.memory_space<hbm>> -> memref<6400xf32, #tpu.memory_space<hbm>>
    tpu.enqueue_dma source(%dma_start3A_160 : memref<6400xf32, #tpu.memory_space<hbm>>) target(%arg7 : memref<6400xf32, #tpu.memory_space<vmem>>) target_semaphore(%arg18 : memref<!tpu.dma_semaphore, #tpu.memory_space<semaphore_mem>>)
    %dma_wait3A_161 = tpu.memref_slice %arg5[%add3A_117] : memref<1638400xf32, #tpu.memory_space<hbm>> -> memref<6400xf32, #tpu.memory_space<hbm>>
    %dma_wait3A_162 = tpu.memref_slice %arg5[%add3A_117] : memref<1638400xf32, #tpu.memory_space<hbm>> -> memref<6400xf32, #tpu.memory_space<hbm>>
    tpu.wait_dma2 semaphore(%arg22 : memref<!tpu.dma_semaphore, #tpu.memory_space<semaphore_mem>>) src(%arg15 : memref<6400xf32, #tpu.memory_space<vmem>>) dst(%dma_wait3A_162 : memref<6400xf32, #tpu.memory_space<hbm>>)
    %parallel_loop3A_163 = arith.constant 0 : i32
    %parallel_loop3A_164 = arith.constant 6400 : i32
    %parallel_loop3A_165 = arith.constant 16 : i32
    scf.for %parallel_loop3A_209 = %parallel_loop3A_163 to %parallel_loop3A_164 step %parallel_loop3A_165  : i32 {
      %parallel_loop3A_210 = arith.index_cast %parallel_loop3A_209 : i32 to index
      %parallel_loop3A_211 = tpu.vector_load %arg13[%parallel_loop3A_210] {strides = array<i32>} : memref<6400xi32, #tpu.memory_space<vmem>>, vector<16xi32>,
      %parallel_loop3A_212 = arith.constant -65536 : i32
      %parallel_loop3A_213 = vector.broadcast %parallel_loop3A_212 : i32 to vector<16xi32>
      %parallel_loop3A_214 = arith.andi %parallel_loop3A_211, %parallel_loop3A_213 : vector<16xi32>
      %parallel_loop3A_215 = vector.bitcast %parallel_loop3A_214 : vector<16xi32> to vector<16xf32>
      %parallel_loop3A_216 = arith.constant 16 : i32
      %parallel_loop3A_217 = vector.broadcast %parallel_loop3A_216 : i32 to vector<16xi32>
      %parallel_loop3A_218 = arith.shli %parallel_loop3A_211, %parallel_loop3A_217 : vector<16xi32>
      %parallel_loop3A_219 = vector.bitcast %parallel_loop3A_218 : vector<16xi32> to vector<16xf32>
      %parallel_loop3A_220 = arith.index_cast %parallel_loop3A_209 : i32 to index
      %parallel_loop3A_221 = tpu.vector_load %arg11[%parallel_loop3A_220] {strides = array<i32>} : memref<6400xf32, #tpu.memory_space<vmem>>, vector<16xf32>,
      %parallel_loop3A_222 = arith.mulf %parallel_loop3A_221, %parallel_loop3A_219 : vector<16xf32>
      %parallel_loop3A_223 = arith.addf %parallel_loop3A_215, %parallel_loop3A_222 : vector<16xf32>
      %parallel_loop3A_224 = arith.mulf %parallel_loop3A_223, %div3A_3 : vector<16xf32>
      %parallel_loop3A_225 = arith.index_cast %parallel_loop3A_209 : i32 to index
      %parallel_loop3A_226 = tpu.vector_load %arg15[%parallel_loop3A_225] {strides = array<i32>} : memref<6400xf32, #tpu.memory_space<vmem>>, vector<16xf32>,
      tpu.vector_store %arg15[%parallel_loop3A_225], %parallel_loop3A_224 {strides = array<i32>} : memref<6400xf32, #tpu.memory_space<vmem>>, vector<16xf32>,
    } {sc.loop_unroll_factor = 8 : i64, sc.parallel_access}
    %mul3A_166 = arith.constant 51200 : i32
    %mul3A_167 = arith.muli %add3A, %mul3A_166 : i32
    %add3A_168 = arith.constant 32000 : i32
    %add3A_169 = arith.addi %mul3A_167, %add3A_168 : i32
    %dma_start3A_170 = tpu.memref_slice %arg5[%add3A_169] : memref<1638400xf32, #tpu.memory_space<hbm>> -> memref<6400xf32, #tpu.memory_space<hbm>>
    %dma_start3A_171 = tpu.memref_slice %arg5[%add3A_169] : memref<1638400xf32, #tpu.memory_space<hbm>> -> memref<6400xf32, #tpu.memory_space<hbm>>
    tpu.enqueue_dma source(%arg15 : memref<6400xf32, #tpu.memory_space<vmem>>) target(%dma_start3A_171 : memref<6400xf32, #tpu.memory_space<hbm>>) target_semaphore(%arg22 : memref<!tpu.dma_semaphore, #tpu.memory_space<semaphore_mem>>)
    %dma_wait3A_172 = tpu.memref_slice %arg2[%add3A_158] : memref<1638400xf32, #tpu.memory_space<hbm>> -> memref<6400xf32, #tpu.memory_space<hbm>>
    %dma_wait3A_173 = tpu.memref_slice %arg2[%add3A_158] : memref<1638400xf32, #tpu.memory_space<hbm>> -> memref<6400xf32, #tpu.memory_space<hbm>>
    tpu.wait_dma2 semaphore(%arg18 : memref<!tpu.dma_semaphore, #tpu.memory_space<semaphore_mem>>) src(%dma_wait3A_173 : memref<6400xf32, #tpu.memory_space<hbm>>) dst(%arg7 : memref<6400xf32, #tpu.memory_space<vmem>>)
    %parallel_loop3A_174 = arith.constant 0 : i32
    %parallel_loop3A_175 = arith.constant 6400 : i32
    %parallel_loop3A_176 = arith.constant 16 : i32
    scf.for %parallel_loop3A_209 = %parallel_loop3A_174 to %parallel_loop3A_175 step %parallel_loop3A_176  : i32 {
      %parallel_loop3A_210 = arith.index_cast %parallel_loop3A_209 : i32 to index
      %parallel_loop3A_211 = tpu.vector_load %arg7[%parallel_loop3A_210] {strides = array<i32>} : memref<6400xf32, #tpu.memory_space<vmem>>, vector<16xf32>,
      %parallel_loop3A_212 = arith.constant 1.000000e+06 : f32
      %parallel_loop3A_213 = vector.broadcast %parallel_loop3A_212 : f32 to vector<16xf32>
      %parallel_loop3A_214 = arith.mulf %parallel_loop3A_211, %parallel_loop3A_213 : vector<16xf32>
      %parallel_loop3A_215 = arith.constant 9.99999974E-6 : f32
      %parallel_loop3A_216 = vector.broadcast %parallel_loop3A_215 : f32 to vector<16xf32>
      %parallel_loop3A_217 = arith.subf %parallel_loop3A_214, %parallel_loop3A_216 : vector<16xf32>
      %parallel_loop3A_218 = arith.fptosi %parallel_loop3A_217 : vector<16xf32> to vector<16xi32>
      %parallel_loop3A_219 = arith.index_cast %parallel_loop3A_209 : i32 to index
      %parallel_loop3A_220 = tpu.vector_load %arg9[%parallel_loop3A_219] {strides = array<i32>} : memref<6400xi32, #tpu.memory_space<vmem>>, vector<16xi32>,
      tpu.vector_store %arg9[%parallel_loop3A_219], %parallel_loop3A_218 {strides = array<i32>} : memref<6400xi32, #tpu.memory_space<vmem>>, vector<16xi32>,
      %parallel_loop3A_221 = arith.constant 1.000000e+06 : f32
      %parallel_loop3A_222 = vector.broadcast %parallel_loop3A_221 : f32 to vector<16xf32>
      %parallel_loop3A_223 = arith.mulf %parallel_loop3A_211, %parallel_loop3A_222 : vector<16xf32>
      %parallel_loop3A_224 = arith.sitofp %parallel_loop3A_218 : vector<16xi32> to vector<16xf32>
      %parallel_loop3A_225 = arith.subf %parallel_loop3A_223, %parallel_loop3A_224 : vector<16xf32>
      %parallel_loop3A_226 = arith.index_cast %parallel_loop3A_209 : i32 to index
      %parallel_loop3A_227 = tpu.vector_load %arg11[%parallel_loop3A_226] {strides = array<i32>} : memref<6400xf32, #tpu.memory_space<vmem>>, vector<16xf32>,
      tpu.vector_store %arg11[%parallel_loop3A_226], %parallel_loop3A_225 {strides = array<i32>} : memref<6400xf32, #tpu.memory_space<vmem>>, vector<16xf32>,
    } {sc.loop_unroll_factor = 8 : i64, sc.parallel_access}
    %dma_wait3A_177 = arith.constant 0 : i32
    %dma_wait3A_178 = tpu.memref_slice %arg3[%dma_wait3A_177] : memref<1048576xi32, #tpu.memory_space<hbm>> -> memref<1048576xi32, #tpu.memory_space<hbm>>
    tpu.wait_indirect_dma semaphore(%arg19 : memref<!tpu.dma_semaphore, #tpu.memory_space<semaphore_mem>>) src(%dma_wait3A_178 : memref<1048576xi32, #tpu.memory_space<hbm>>) dst(%arg12 : memref<6400xi32, #tpu.memory_space<vmem>>)
    %dma_start3A_179 = arith.constant 0 : i32
    %dma_start3A_180 = tpu.memref_slice %arg3[%dma_start3A_179] : memref<1048576xi32, #tpu.memory_space<hbm>> -> memref<1048576xi32, #tpu.memory_space<hbm>>
    tpu.enqueue_indirect_dma source(%dma_start3A_180 : memref<1048576xi32, #tpu.memory_space<hbm>>) target(%arg13 : memref<6400xi32, #tpu.memory_space<vmem>>) offsets(%arg9 : memref<6400xi32, #tpu.memory_space<vmem>>) semaphore(%arg20 : memref<!tpu.dma_semaphore, #tpu.memory_space<semaphore_mem>>)
    %dma_wait3A_181 = tpu.memref_slice %arg5[%add3A_143] : memref<1638400xf32, #tpu.memory_space<hbm>> -> memref<6400xf32, #tpu.memory_space<hbm>>
    %dma_wait3A_182 = tpu.memref_slice %arg5[%add3A_143] : memref<1638400xf32, #tpu.memory_space<hbm>> -> memref<6400xf32, #tpu.memory_space<hbm>>
    tpu.wait_dma2 semaphore(%arg21 : memref<!tpu.dma_semaphore, #tpu.memory_space<semaphore_mem>>) src(%arg14 : memref<6400xf32, #tpu.memory_space<vmem>>) dst(%dma_wait3A_182 : memref<6400xf32, #tpu.memory_space<hbm>>)
    %parallel_loop3A_183 = arith.constant 0 : i32
    %parallel_loop3A_184 = arith.constant 6400 : i32
    %parallel_loop3A_185 = arith.constant 16 : i32
    scf.for %parallel_loop3A_209 = %parallel_loop3A_183 to %parallel_loop3A_184 step %parallel_loop3A_185  : i32 {
      %parallel_loop3A_210 = arith.index_cast %parallel_loop3A_209 : i32 to index
      %parallel_loop3A_211 = tpu.vector_load %arg12[%parallel_loop3A_210] {strides = array<i32>} : memref<6400xi32, #tpu.memory_space<vmem>>, vector<16xi32>,
      %parallel_loop3A_212 = arith.constant -65536 : i32
      %parallel_loop3A_213 = vector.broadcast %parallel_loop3A_212 : i32 to vector<16xi32>
      %parallel_loop3A_214 = arith.andi %parallel_loop3A_211, %parallel_loop3A_213 : vector<16xi32>
      %parallel_loop3A_215 = vector.bitcast %parallel_loop3A_214 : vector<16xi32> to vector<16xf32>
      %parallel_loop3A_216 = arith.constant 16 : i32
      %parallel_loop3A_217 = vector.broadcast %parallel_loop3A_216 : i32 to vector<16xi32>
      %parallel_loop3A_218 = arith.shli %parallel_loop3A_211, %parallel_loop3A_217 : vector<16xi32>
      %parallel_loop3A_219 = vector.bitcast %parallel_loop3A_218 : vector<16xi32> to vector<16xf32>
      %parallel_loop3A_220 = arith.index_cast %parallel_loop3A_209 : i32 to index
      %parallel_loop3A_221 = tpu.vector_load %arg10[%parallel_loop3A_220] {strides = array<i32>} : memref<6400xf32, #tpu.memory_space<vmem>>, vector<16xf32>,
      %parallel_loop3A_222 = arith.mulf %parallel_loop3A_221, %parallel_loop3A_219 : vector<16xf32>
      %parallel_loop3A_223 = arith.addf %parallel_loop3A_215, %parallel_loop3A_222 : vector<16xf32>
      %parallel_loop3A_224 = arith.mulf %parallel_loop3A_223, %div3A_3 : vector<16xf32>
      %parallel_loop3A_225 = arith.index_cast %parallel_loop3A_209 : i32 to index
      %parallel_loop3A_226 = tpu.vector_load %arg14[%parallel_loop3A_225] {strides = array<i32>} : memref<6400xf32, #tpu.memory_space<vmem>>, vector<16xf32>,
      tpu.vector_store %arg14[%parallel_loop3A_225], %parallel_loop3A_224 {strides = array<i32>} : memref<6400xf32, #tpu.memory_space<vmem>>, vector<16xf32>,
    } {sc.loop_unroll_factor = 8 : i64, sc.parallel_access}
    %mul3A_186 = arith.constant 51200 : i32
    %mul3A_187 = arith.muli %add3A, %mul3A_186 : i32
    %add3A_188 = arith.constant 38400 : i32
    %add3A_189 = arith.addi %mul3A_187, %add3A_188 : i32
    %dma_start3A_190 = tpu.memref_slice %arg5[%add3A_189] : memref<1638400xf32, #tpu.memory_space<hbm>> -> memref<6400xf32, #tpu.memory_space<hbm>>
    %dma_start3A_191 = tpu.memref_slice %arg5[%add3A_189] : memref<1638400xf32, #tpu.memory_space<hbm>> -> memref<6400xf32, #tpu.memory_space<hbm>>
    tpu.enqueue_dma source(%arg14 : memref<6400xf32, #tpu.memory_space<vmem>>) target(%dma_start3A_191 : memref<6400xf32, #tpu.memory_space<hbm>>) target_semaphore(%arg21 : memref<!tpu.dma_semaphore, #tpu.memory_space<semaphore_mem>>)
    %dma_wait3A_192 = arith.constant 0 : i32
    %dma_wait3A_193 = tpu.memref_slice %arg3[%dma_wait3A_192] : memref<1048576xi32, #tpu.memory_space<hbm>> -> memref<1048576xi32, #tpu.memory_space<hbm>>
    tpu.wait_indirect_dma semaphore(%arg20 : memref<!tpu.dma_semaphore, #tpu.memory_space<semaphore_mem>>) src(%dma_wait3A_193 : memref<1048576xi32, #tpu.memory_space<hbm>>) dst(%arg13 : memref<6400xi32, #tpu.memory_space<vmem>>)
    %dma_wait3A_194 = tpu.memref_slice %arg5[%add3A_169] : memref<1638400xf32, #tpu.memory_space<hbm>> -> memref<6400xf32, #tpu.memory_space<hbm>>
    %dma_wait3A_195 = tpu.memref_slice %arg5[%add3A_169] : memref<1638400xf32, #tpu.memory_space<hbm>> -> memref<6400xf32, #tpu.memory_space<hbm>>
    tpu.wait_dma2 semaphore(%arg22 : memref<!tpu.dma_semaphore, #tpu.memory_space<semaphore_mem>>) src(%arg15 : memref<6400xf32, #tpu.memory_space<vmem>>) dst(%dma_wait3A_195 : memref<6400xf32, #tpu.memory_space<hbm>>)
    %parallel_loop3A_196 = arith.constant 0 : i32
    %parallel_loop3A_197 = arith.constant 6400 : i32
    %parallel_loop3A_198 = arith.constant 16 : i32
    scf.for %parallel_loop3A_209 = %parallel_loop3A_196 to %parallel_loop3A_197 step %parallel_loop3A_198  : i32 {
      %parallel_loop3A_210 = arith.index_cast %parallel_loop3A_209 : i32 to index
      %parallel_loop3A_211 = tpu.vector_load %arg13[%parallel_loop3A_210] {strides = array<i32>} : memref<6400xi32, #tpu.memory_space<vmem>>, vector<16xi32>,
      %parallel_loop3A_212 = arith.constant -65536 : i32
      %parallel_loop3A_213 = vector.broadcast %parallel_loop3A_212 : i32 to vector<16xi32>
      %parallel_loop3A_214 = arith.andi %parallel_loop3A_211, %parallel_loop3A_213 : vector<16xi32>
      %parallel_loop3A_215 = vector.bitcast %parallel_loop3A_214 : vector<16xi32> to vector<16xf32>
      %parallel_loop3A_216 = arith.constant 16 : i32
      %parallel_loop3A_217 = vector.broadcast %parallel_loop3A_216 : i32 to vector<16xi32>
      %parallel_loop3A_218 = arith.shli %parallel_loop3A_211, %parallel_loop3A_217 : vector<16xi32>
      %parallel_loop3A_219 = vector.bitcast %parallel_loop3A_218 : vector<16xi32> to vector<16xf32>
      %parallel_loop3A_220 = arith.index_cast %parallel_loop3A_209 : i32 to index
      %parallel_loop3A_221 = tpu.vector_load %arg11[%parallel_loop3A_220] {strides = array<i32>} : memref<6400xf32, #tpu.memory_space<vmem>>, vector<16xf32>,
      %parallel_loop3A_222 = arith.mulf %parallel_loop3A_221, %parallel_loop3A_219 : vector<16xf32>
      %parallel_loop3A_223 = arith.addf %parallel_loop3A_215, %parallel_loop3A_222 : vector<16xf32>
      %parallel_loop3A_224 = arith.mulf %parallel_loop3A_223, %div3A_3 : vector<16xf32>
      %parallel_loop3A_225 = arith.index_cast %parallel_loop3A_209 : i32 to index
      %parallel_loop3A_226 = tpu.vector_load %arg15[%parallel_loop3A_225] {strides = array<i32>} : memref<6400xf32, #tpu.memory_space<vmem>>, vector<16xf32>,
      tpu.vector_store %arg15[%parallel_loop3A_225], %parallel_loop3A_224 {strides = array<i32>} : memref<6400xf32, #tpu.memory_space<vmem>>, vector<16xf32>,
    } {sc.loop_unroll_factor = 8 : i64, sc.parallel_access}
    %mul3A_199 = arith.constant 51200 : i32
    %mul3A_200 = arith.muli %add3A, %mul3A_199 : i32
    %add3A_201 = arith.constant 44800 : i32
    %add3A_202 = arith.addi %mul3A_200, %add3A_201 : i32
    %dma_start3A_203 = tpu.memref_slice %arg5[%add3A_202] : memref<1638400xf32, #tpu.memory_space<hbm>> -> memref<6400xf32, #tpu.memory_space<hbm>>
    %dma_start3A_204 = tpu.memref_slice %arg5[%add3A_202] : memref<1638400xf32, #tpu.memory_space<hbm>> -> memref<6400xf32, #tpu.memory_space<hbm>>
    tpu.enqueue_dma source(%arg15 : memref<6400xf32, #tpu.memory_space<vmem>>) target(%dma_start3A_204 : memref<6400xf32, #tpu.memory_space<hbm>>) target_semaphore(%arg22 : memref<!tpu.dma_semaphore, #tpu.memory_space<semaphore_mem>>)
    %dma_wait3A_205 = tpu.memref_slice %arg5[%add3A_189] : memref<1638400xf32, #tpu.memory_space<hbm>> -> memref<6400xf32, #tpu.memory_space<hbm>>
    %dma_wait3A_206 = tpu.memref_slice %arg5[%add3A_189] : memref<1638400xf32, #tpu.memory_space<hbm>> -> memref<6400xf32, #tpu.memory_space<hbm>>
    tpu.wait_dma2 semaphore(%arg21 : memref<!tpu.dma_semaphore, #tpu.memory_space<semaphore_mem>>) src(%arg14 : memref<6400xf32, #tpu.memory_space<vmem>>) dst(%dma_wait3A_206 : memref<6400xf32, #tpu.memory_space<hbm>>)
    %dma_wait3A_207 = tpu.memref_slice %arg5[%add3A_202] : memref<1638400xf32, #tpu.memory_space<hbm>> -> memref<6400xf32, #tpu.memory_space<hbm>>
    %dma_wait3A_208 = tpu.memref_slice %arg5[%add3A_202] : memref<1638400xf32, #tpu.memory_space<hbm>> -> memref<6400xf32, #tpu.memory_space<hbm>>
    tpu.wait_dma2 semaphore(%arg22 : memref<!tpu.dma_semaphore, #tpu.memory_space<semaphore_mem>>) src(%arg15 : memref<6400xf32, #tpu.memory_space<vmem>>) dst(%dma_wait3A_208 : memref<6400xf32, #tpu.memory_space<hbm>>)
    return
  }
}

module attributes {stable_mosaic.version = 14 : i64} {
  func.func @_max_kernel(%arg0: i32, %arg1: memref<2048x128xf32, #tpu.memory_space<vmem>>, %arg2: memref<1x1xf32, #tpu.memory_space<smem>>) attributes {dimension_semantics = [#tpu.dimension_semantics<arbitrary>], iteration_bounds = array<i64: 4>, scalar_prefetch = 0 : i64, scratch_operands = 0 : i64, tpu.core_type = #tpu.core_type<tc>, window_params = [{transform_indices = @transform_0, window_bounds = array<i64: 2048, 128>}, {transform_indices = @transform_1, window_bounds = array<i64: 1, 1>}]} {
    %eq3A = arith.constant 0 : i32
    %eq3A_0 = arith.cmpi eq, %arg0, %eq3A : i32
    %convert_element_type3A = arith.extui %eq3A_0 : i1 to i32
    %cond3A = arith.constant 0 : i32
    %cond3A_1 = arith.cmpi ne, %convert_element_type3A, %cond3A : i32
    scf.if %cond3A_1 {
      %swap3A_13 = arith.constant 0xFF800000 : f32
      %swap3A_14 = arith.constant 0 : index
      %swap3A_15 = arith.constant 0 : index
      %swap3A_16 = memref.load %arg2[%swap3A_14, %swap3A_15] : memref<1x1xf32, #tpu.memory_space<smem>>
      memref.store %swap3A_13, %arg2[%swap3A_14, %swap3A_15] : memref<1x1xf32, #tpu.memory_space<smem>>
    } else {
    }
    %get3A = arith.constant 0 : index
    %get3A_2 = arith.constant 0 : index
    %get3A_3 = memref.load %arg2[%get3A, %get3A_2] : memref<1x1xf32, #tpu.memory_space<smem>>
    %get3A_4 = arith.constant 0 : index
    %get3A_5 = arith.constant 0 : index
    %get3A_6 = vector.load %arg1[%get3A_4, %get3A_5] : memref<2048x128xf32, #tpu.memory_space<vmem>>, vector<2048x128xf32>
    %reduce_max3A = vector.shape_cast %get3A_6 : vector<2048x128xf32> to vector<1x2048x128xf32>
    %reduce_max3A_7 = arith.constant dense<0xFF800000> : vector<1xf32>
    %reduce_max3A_8 = vector.multi_reduction <maximumf>, %reduce_max3A, %reduce_max3A_7 [1, 2] : vector<1x2048x128xf32> to vector<1xf32>
    %reduce_max3A_9 = vector.shape_cast %reduce_max3A_8 : vector<1xf32> to vector<1x1x1xf32>
    %reduce_max3A_10 = vector.extract %reduce_max3A_9[0, 0, 0] : f32 from vector<1x1x1xf32>
    %max3A = arith.maximumf %get3A_3, %reduce_max3A_10 : f32
    %swap3A = arith.constant 0 : index
    %swap3A_11 = arith.constant 0 : index
    %swap3A_12 = memref.load %arg2[%swap3A, %swap3A_11] : memref<1x1xf32, #tpu.memory_space<smem>>
    memref.store %max3A, %arg2[%swap3A, %swap3A_11] : memref<1x1xf32, #tpu.memory_space<smem>>
    return
  }
  func.func @transform_0(%arg0: i32) -> (i32, i32) {
    %c0_i32 = arith.constant 0 : i32
    %c0_i32_0 = arith.constant 0 : i32
    return %arg0, %c0_i32 : i32, i32
  }
  func.func @transform_1(%arg0: i32) -> (i32, i32) {
    %c0_i32 = arith.constant 0 : i32
    %c0_i32_0 = arith.constant 0 : i32
    %c0_i32_1 = arith.constant 0 : i32
    return %c0_i32, %c0_i32_0 : i32, i32
  }
}

module attributes {stable_mosaic.version = 14 : i64} {
  func.func @_table_kernel(%arg0: i32, %arg1: memref<1x1xf32, #tpu.memory_space<smem>>, %arg2: memref<512x128xf32, #tpu.memory_space<vmem>>, %arg3: memref<65536xi32, #tpu.memory_space<vmem>>, %arg4: memref<1x1xf32, #tpu.memory_space<smem>>, %arg5: memref<1x1xf32, #tpu.memory_space<smem>>) attributes {dimension_semantics = [#tpu.dimension_semantics<arbitrary>], iteration_bounds = array<i64: 16>, scalar_prefetch = 0 : i64, scratch_operands = 1 : i64, tpu.core_type = #tpu.core_type<tc>, window_params = [{transform_indices = @transform_0, window_bounds = array<i64: 1, 1>}, {transform_indices = @transform_1, window_bounds = array<i64: 512, 128>}, {transform_indices = @transform_2, window_bounds = array<i64: 65536>}, {transform_indices = @transform_3, window_bounds = array<i64: 1, 1>}]} {
    %eq3A = arith.constant 0 : i32
    %eq3A_0 = arith.cmpi eq, %arg0, %eq3A : i32
    %convert_element_type3A = arith.extui %eq3A_0 : i1 to i32
    %cond3A = arith.constant 0 : i32
    %cond3A_1 = arith.cmpi ne, %convert_element_type3A, %cond3A : i32
    scf.if %cond3A_1 {
      %swap3A_53 = arith.constant 0.000000e+00 : f32
      %swap3A_54 = arith.constant 0 : index
      %swap3A_55 = arith.constant 0 : index
      %swap3A_56 = memref.load %arg5[%swap3A_54, %swap3A_55] : memref<1x1xf32, #tpu.memory_space<smem>>
      memref.store %swap3A_53, %arg5[%swap3A_54, %swap3A_55] : memref<1x1xf32, #tpu.memory_space<smem>>
    } else {
    }
    %get3A = arith.constant 0 : index
    %get3A_2 = arith.constant 0 : index
    %get3A_3 = vector.load %arg2[%get3A, %get3A_2] : memref<512x128xf32, #tpu.memory_space<vmem>>, vector<512x128xf32>
    %get3A_4 = arith.constant 0 : index
    %get3A_5 = arith.constant 0 : index
    %get3A_6 = memref.load %arg1[%get3A_4, %get3A_5] : memref<1x1xf32, #tpu.memory_space<smem>>
    %sub3A = vector.broadcast %get3A_6 : f32 to vector<512x128xf32>
    %sub3A_7 = arith.subf %get3A_3, %sub3A : vector<512x128xf32>
    %exp3A = math.exp %sub3A_7 : vector<512x128xf32>
    %iota3A = tpu.iota {dimensions = array<i32: 0>} : vector<128x128xi32>
    %iota3A_8 = tpu.iota {dimensions = array<i32: 1>} : vector<128x128xi32>
    %le3A = arith.cmpi sle, %iota3A, %iota3A_8 : vector<128x128xi32>
    %convert_element_type3A_9 = arith.extui %le3A : vector<128x128xi1> to vector<128x128xi32>
    %convert_element_type3A_10 = arith.sitofp %convert_element_type3A_9 : vector<128x128xi32> to vector<128x128xf32>
    %dot_general3A = arith.constant dense<0.000000e+00> : vector<512x128xf32>
    %dot_general3A_11 = tpu.matmul %exp3A, %convert_element_type3A_10, %dot_general3A {dimension_numbers = #tpu.dot_dimension_numbers<[1], [0], [0], [1], [0, 0, 1, 1], [], []>, transpose_lhs_hint = false} : vector<512x128xf32>, vector<128x128xf32>, vector<512x128xf32> -> vector<512x128xf32>
    %slice3A = vector.extract_strided_slice %dot_general3A_11 {offsets = [0, 127], sizes = [512, 1], strides = [1, 1]} : vector<512x128xf32> to vector<512x1xf32>
    %iota3A_12 = tpu.iota {dimensions = array<i32: 0>} : vector<512x512xi32>
    %iota3A_13 = tpu.iota {dimensions = array<i32: 1>} : vector<512x512xi32>
    %lt3A = arith.cmpi slt, %iota3A_13, %iota3A_12 : vector<512x512xi32>
    %convert_element_type3A_14 = arith.extui %lt3A : vector<512x512xi1> to vector<512x512xi32>
    %convert_element_type3A_15 = arith.sitofp %convert_element_type3A_14 : vector<512x512xi32> to vector<512x512xf32>
    %dot_general3A_16 = arith.constant dense<0.000000e+00> : vector<512x1xf32>
    %dot_general3A_17 = tpu.matmul %convert_element_type3A_15, %slice3A, %dot_general3A_16 {dimension_numbers = #tpu.dot_dimension_numbers<[1], [0], [0], [1], [0, 0, 1, 1], [], []>, transpose_lhs_hint = false} : vector<512x512xf32>, vector<512x1xf32>, vector<512x1xf32> -> vector<512x1xf32>
    %get3A_18 = arith.constant 0 : index
    %get3A_19 = arith.constant 0 : index
    %get3A_20 = memref.load %arg5[%get3A_18, %get3A_19] : memref<1x1xf32, #tpu.memory_space<smem>>
    %add3A = vector.broadcast %dot_general3A_17 : vector<512x1xf32> to vector<512x128xf32>
    %add3A_21 = arith.addf %dot_general3A_11, %add3A : vector<512x128xf32>
    %add3A_22 = vector.broadcast %get3A_20 : f32 to vector<512x128xf32>
    %add3A_23 = arith.addf %add3A_21, %add3A_22 : vector<512x128xf32>
    %sub3A_24 = arith.subf %add3A_23, %exp3A : vector<512x128xf32>
    %bitcast_convert_type3A = tpu.bitcast %sub3A_24 : vector<512x128xf32> -> vector<512x128xi32>
    %bitcast_convert_type3A_25 = tpu.bitcast %exp3A : vector<512x128xf32> -> vector<512x128xi32>
    %add3A_26 = arith.constant 32768 : i32
    %add3A_27 = vector.broadcast %add3A_26 : i32 to vector<512x128xi32>
    %add3A_28 = arith.addi %bitcast_convert_type3A, %add3A_27 : vector<512x128xi32>
    %shift_right_arithmetic3A = arith.constant 16 : i32
    %shift_right_arithmetic3A_29 = vector.broadcast %shift_right_arithmetic3A : i32 to vector<512x128xi32>
    %shift_right_arithmetic3A_30 = arith.shrsi %add3A_28, %shift_right_arithmetic3A_29 : vector<512x128xi32>
    %add3A_31 = arith.constant 32768 : i32
    %add3A_32 = vector.broadcast %add3A_31 : i32 to vector<512x128xi32>
    %add3A_33 = arith.addi %bitcast_convert_type3A_25, %add3A_32 : vector<512x128xi32>
    %shift_right_arithmetic3A_34 = arith.constant 16 : i32
    %shift_right_arithmetic3A_35 = vector.broadcast %shift_right_arithmetic3A_34 : i32 to vector<512x128xi32>
    %shift_right_arithmetic3A_36 = arith.shrsi %add3A_33, %shift_right_arithmetic3A_35 : vector<512x128xi32>
    %shift_left3A = arith.constant 16 : i32
    %shift_left3A_37 = vector.broadcast %shift_left3A : i32 to vector<512x128xi32>
    %shift_left3A_38 = arith.shli %shift_right_arithmetic3A_30, %shift_left3A_37 : vector<512x128xi32>
    %and3A = arith.constant 65535 : i32
    %and3A_39 = vector.broadcast %and3A : i32 to vector<512x128xi32>
    %and3A_40 = arith.andi %shift_right_arithmetic3A_36, %and3A_39 : vector<512x128xi32>
    %or3A = arith.ori %shift_left3A_38, %and3A_40 : vector<512x128xi32>
    %reshape3A = vector.shape_cast %or3A : vector<512x128xi32> to vector<65536xi32>
    %swap3A = arith.constant 0 : index
    %swap3A_41 = vector.load %arg3[%swap3A] : memref<65536xi32, #tpu.memory_space<vmem>>, vector<65536xi32>
    tpu.vector_store %arg3[%swap3A], %reshape3A {strides = array<i32>} : memref<65536xi32, #tpu.memory_space<vmem>>, vector<65536xi32>,
    %reduce_sum3A = vector.shape_cast %slice3A : vector<512x1xf32> to vector<1x512x1xf32>
    %reduce_sum3A_42 = arith.constant dense<0.000000e+00> : vector<1xf32>
    %reduce_sum3A_43 = vector.multi_reduction <add>, %reduce_sum3A, %reduce_sum3A_42 [1, 2] : vector<1x512x1xf32> to vector<1xf32>
    %reduce_sum3A_44 = vector.shape_cast %reduce_sum3A_43 : vector<1xf32> to vector<1x1x1xf32>
    %reduce_sum3A_45 = vector.extract %reduce_sum3A_44[0, 0, 0] : f32 from vector<1x1x1xf32>
    %add3A_46 = arith.addf %get3A_20, %reduce_sum3A_45 : f32
    %swap3A_47 = arith.constant 0 : index
    %swap3A_48 = arith.constant 0 : index
    %swap3A_49 = memref.load %arg5[%swap3A_47, %swap3A_48] : memref<1x1xf32, #tpu.memory_space<smem>>
    memref.store %add3A_46, %arg5[%swap3A_47, %swap3A_48] : memref<1x1xf32, #tpu.memory_space<smem>>
    %swap3A_50 = arith.constant 0 : index
    %swap3A_51 = arith.constant 0 : index
    %swap3A_52 = memref.load %arg4[%swap3A_50, %swap3A_51] : memref<1x1xf32, #tpu.memory_space<smem>>
    memref.store %add3A_46, %arg4[%swap3A_50, %swap3A_51] : memref<1x1xf32, #tpu.memory_space<smem>>
    return
  }
  func.func @transform_0(%arg0: i32) -> (i32, i32) {
    %c0_i32 = arith.constant 0 : i32
    %c0_i32_0 = arith.constant 0 : i32
    %c0_i32_1 = arith.constant 0 : i32
    return %c0_i32, %c0_i32_0 : i32, i32
  }
  func.func @transform_1(%arg0: i32) -> (i32, i32) {
    %c0_i32 = arith.constant 0 : i32
    %c0_i32_0 = arith.constant 0 : i32
    return %arg0, %c0_i32 : i32, i32
  }
  func.func @transform_2(%arg0: i32) -> i32 {
    %c0_i32 = arith.constant 0 : i32
    return %arg0 : i32
  }
  func.func @transform_3(%arg0: i32) -> (i32, i32) {
    %c0_i32 = arith.constant 0 : i32
    %c0_i32_0 = arith.constant 0 : i32
    %c0_i32_1 = arith.constant 0 : i32
    return %c0_i32, %c0_i32_0 : i32, i32
  }
}

</mosaic_0001>

<sc_bundles>
// kernel: kernel.5.cloned.1.call-start
scs
__scs_entry_jumppad:
0x0: {  	(pc) =	sbr.rel $0x88, $3  }
0x1: {  	(tag) =	ssettag $0x0;
	lr =	simm.s32 $0x1  }
0x2: {  	[smem:$0x3F9F] =	sst lr;
	_ =	strace $0xD0000000  }
0x3: {  	_ = 	snop  }
0x4: {  	_ = 	snop  }
0x5: {  	_ = 	snop  }
0x6: {  	_ = 	snop  }
0x7: {  	_ = 	snop  }
__scs_overlays_trampoline_lowered:
0x8: {  	[smem:$0x3FAE] =	sst s0  }
0x9: {  	[smem:$0x3FAF] =	sst s1  }
0xa: {  	[smem:$0x3FB0] =	sst s2  }
0xb: {  	[smem:$0x3FB1] =	sst s3  }
0xc: {  	[smem:$0x3FB2] =	sst s4  }
0xd: {  	[smem:$0x3FB3] =	sst s5  }
0xe: {  	[smem:$0x3FB4] =	sst s6  }
0xf: {  	[smem:$0x3FB5] =	sst s7  }
0x10: {  	[smem:$0x3FB6] =	sst s8  }
0x11: {  	[smem:$0x3FB7] =	sst s9;
	s0 =	simm.s32 @!p0 $0x0  }
0x12: {  	s1 =	sld [smem:$0x3F9D];
	s0 =	simm.s32 @p0 $0x1  }
0x13: {  	[smem:$0x3FB8] =	sst s0;
	s0 =	simm.s32 @!p1 $0x0  }
0x14: {  	s2 =	sld [smem:$0x3F9C];
	s0 =	simm.s32 @p1 $0x1  }
0x15: {  	[smem:$0x3FB9] =	sst s0;
	s0 =	simm.s32 @!p2 $0x0  }
0x16: {  	s3 =	sld [smem:$0x3FDB];
	s0 =	simm.s32 @p2 $0x1  }
0x17: {  	s4 =	simm.s32 $0x1BF5;
	[smem:$0x3FBB] =	sst s0  }
0x18: {  	s0 =	sld [smem:$0x3F9E];
	_ =	swait.ge [sflag:s4], $0x0  }
0x19: {  	s7 =	sld [smem:$0x3F9F]  }
0x1a: {  	s8 =	sadd.s32 $0xFFFFE003, lr  }
0x1b: {  	s9 =	sadd.s32 $0xFFFFFEF7, lr;
	s5 =	simm.s32 $0xFFFFFFFF;
	p2 =	slt.u32 s8, $0xFFFFF086  }
0x1c: {  	p1 =	slt.u32 s9, $0xF7A;
	s5 =	simm.s32 @!p2 $0x0  }
0x1d: {  	s5 =	simm.s32 @p1 $0x1;
	p0 =	seq.s32 s7, s2  }
0x1e: {  	s7 =	smul.u32 @!p0 $0xF7A, s2;
	p2 =	seq.s32 @!p0 s5, $0x0  }
0x1f: {  	s9 =	smul.u32 $0xF7A, s1;
	s8 =	simm.s32 @!p0 $0x1BF5;
	p2 =	por !p2, p0  }
0x20: {  	[sflag:s8] =	ssyncset.s32 @!p0 $0xFFFFF086;
	s6 =	sadd.s32 @!p0 s3, s7;
	s7 =	simm.s32 @!p0 $0x108  }
0x21: {  	s3 =	sadd.s32 s3, s9;
	s6 =	sadd.s32 @!p0 $0x88, s6;
	s7 =	simm.s32 @p2 $0x1082  }
0x22: {  	[simem:s7], [sflag:s8] =	dma.local @!p0 [hbm:s6], $0xF7A  }
0x23: {  	s9 =	sor.u32 $0xD0000000, s2;
	s6 =	simm.s32 $0x108;
	_ =	swait.ge @!p0 [sflag:s8], $0x0  }
0x24: {  	s3 =	sadd.s32 $0x88, s3;
	s6 =	simm.s32 @!p1 $0x1082;
	[sflag:s4] =	ssyncset.s32 $0xFFFFF086  }
0x25: {  	[simem:s6], [sflag:s4] =	dma.local [hbm:s3], $0xF7A  }
0x26: {  	[smem:$0x3F9F] =	sst s1;
	(tag) =	ssettag s2;
	_ =	strace s9  }
0x27: {  	s1 =	sld [smem:$0x3FAF]  }
0x28: {  	s2 =	sld [smem:$0x3FB0]  }
0x29: {  	s4 =	sld [smem:$0x3FB2]  }
0x2a: {  	p0 =	seq.s32 s5, $0x0;
	s5 =	sld [smem:$0x3FB3]  }
0x2b: {  	s6 =	sld [smem:$0x3FB4]  }
0x2c: {  	s7 =	sld [smem:$0x3FB5]  }
0x2d: {  	s3 =	simm.s32 $0x108;
	s8 =	sld [smem:$0x3FB6]  }
0x2e: {  	s3 =	simm.s32 @!p0 $0x1082;
	s9 =	sld [smem:$0x3FB7]  }
0x2f: {  	lr =	sadd.s32 s0, s3;
	s0 =	sld [smem:$0x3FAE]  }
0x30: {  	s3 =	sld [smem:$0x3FB1]  }
0x31: {  	[smem:$0x3FBA] =	sst s10  }
0x32: {  	s10 =	sld [smem:$0x3FB8];
	_ =	sdelay $0x3  }
0x33: {  	p0 =	seq.s32 s10, $0x1;
	s10 =	sld [smem:$0x3FBA];
	_ =	sdelay $0x3  }
0x34: {  	[smem:$0x3FBA] =	sst s10  }
0x35: {  	s10 =	sld [smem:$0x3FB9];
	_ =	sdelay $0x3  }
0x36: {  	p1 =	seq.s32 s10, $0x1;
	s10 =	sld [smem:$0x3FBA];
	_ =	sdelay $0x3  }
0x37: {  	[smem:$0x3FBA] =	sst s10  }
0x38: {  	s10 =	sld [smem:$0x3FBB]  }
0x39: {  	_ = 	snop;
	(pc) =	sbr.ind lr, $3  }
0x3a: {  	_ = 	snop  }
0x3b: {  	_ = 	snop  }
0x3c: {  	p2 =	seq.s32 s10, $0x1;
	s10 =	sld [smem:$0x3FBA]  }
0x3d: {  	_ =	shalt  }
0x3e: {  	_ =	shalt  }
0x3f: {  	_ =	shalt  }
0x40: {  	_ =	shalt  }
0x41: {  	_ =	shalt  }
0x42: {  	_ =	shalt  }
0x43: {  	_ =	shalt  }
0x44: {  	_ =	shalt  }
0x45: {  	_ =	shalt  }
0x46: {  	_ =	shalt  }
0x47: {  	_ =	shalt  }
0x48: {  	_ =	shalt  }
0x49: {  	_ =	shalt  }
0x4a: {  	_ =	shalt  }
0x4b: {  	_ =	shalt  }
0x4c: {  	_ =	shalt  }
0x4d: {  	_ =	shalt  }
0x4e: {  	_ =	shalt  }
0x4f: {  	_ =	shalt  }
0x50: {  	_ =	shalt  }
0x51: {  	_ =	shalt  }
0x52: {  	_ =	shalt  }
0x53: {  	_ =	shalt  }
0x54: {  	_ =	shalt  }
0x55: {  	_ =	shalt  }
0x56: {  	_ =	shalt  }
0x57: {  	_ =	shalt  }
0x58: {  	_ =	shalt  }
0x59: {  	_ =	shalt  }
0x5a: {  	_ =	shalt  }
0x5b: {  	_ =	shalt  }
0x5c: {  	_ =	shalt  }
0x5d: {  	_ =	shalt  }
0x5e: {  	_ =	shalt  }
0x5f: {  	_ =	shalt  }
0x60: {  	_ =	shalt  }
0x61: {  	_ =	shalt  }
0x62: {  	_ =	shalt  }
0x63: {  	_ =	shalt  }
0x64: {  	_ =	shalt  }
0x65: {  	_ =	shalt  }
0x66: {  	_ =	shalt  }
0x67: {  	_ =	shalt  }
0x68: {  	_ =	shalt  }
0x69: {  	_ =	shalt  }
0x6a: {  	_ =	shalt  }
0x6b: {  	_ =	shalt  }
0x6c: {  	_ =	shalt  }
0x6d: {  	_ =	shalt  }
0x6e: {  	_ =	shalt  }
0x6f: {  	_ =	shalt  }
0x70: {  	_ =	shalt  }
0x71: {  	_ =	shalt  }
0x72: {  	_ =	shalt  }
0x73: {  	_ =	shalt  }
0x74: {  	_ =	shalt  }
0x75: {  	_ =	shalt  }
0x76: {  	_ =	shalt  }
0x77: {  	_ =	shalt  }
0x78: {  	_ =	shalt  }
0x79: {  	_ =	shalt  }
0x7a: {  	_ =	shalt  }
0x7b: {  	_ =	shalt  }
0x7c: {  	_ =	shalt  }
0x7d: {  	_ =	shalt  }
0x7e: {  	_ =	shalt  }
0x7f: {  	_ =	shalt  }
0x80: {  	_ =	shalt  }
0x81: {  	_ =	shalt  }
0x82: {  	_ =	shalt  }
0x83: {  	_ =	shalt  }
0x84: {  	_ =	shalt  }
0x85: {  	_ =	shalt  }
0x86: {  	_ =	shalt  }
0x87: {  	_ =	shalt  }
.Lfunc_end0:
.L_simem_size_0:
called_computation_lowered:
.L_overlay_start_0:
0x88: {  	s2 =	sld [smem:$0x3FD9]  }
0x89: {  	s3 =	sld [smem:$0x3FFE];
	_ =	sdelay $0x1  }
0x8a: {  	s1 =	srdreg.scid  }
0x8b: {  	s0 =	sand.u32 $0x1, s1  }
0x8c: {  	s17 =	sshll.u32 s0, $0xA;
	s2 =	sadd.s32 s3, s2  }
0x8d: {  	s2 =	sadd.s32 s2, s17  }
0x8e: {  	[smem:$0x3FC6] =	sst s2  }
0x8f: {  	_ = 	snop  }
0x90: {  	s2 =	sld [smem:$0x3FD0];
	(tm) =	ssettm $0x1  }
0x91: {  	s18 =	sld [smem:$0x3FFB];
	_ =	sdelay $0x3  }
0x92: {  	_ =	strace s18  }
0x93: {  	s3 =	sld [smem:$0x3FFC];
	_ =	sdelay $0x3  }
0x94: {  	_ =	strace s3  }
0x95: {  	s3 =	sld [smem:$0x3FFD];
	_ =	sdelay $0x3  }
0x96: {  	_ =	strace s3  }
0x97: {  	_ =	strace $0x8FFFFFFF  }
0x98: {  	s19 =	sld [smem:$0x3FDB];
	_ =	sdelay $0x1  }
0x99: {  	s4 =	simm.s32 $_scs_section_size  }
0x9a: {  	s5 =	simm.s32 $_size__tile_overlayer_lowered;
	s6 =	simm.s32 $_tile_overlayer_lowered  }
0x9b: {  	s22 =	simm.s32 $0x1BFF;
	s21 =	sshll.u32 s6, $0x1;
	s3 =	sadd.s32 s4, s19  }
0x9c: {  	s7 =	simm.s32 $0x0;
	s20 =	sshll.u32 s5, $0x1;
	s5 =	sadd.s32 s21, s3  }
0x9d: {  	[timem:s7], [sflag:s22] =	dma.local [hbm:s5], s20  }
0x9e: {  	_ =	swait.ge [sflag:s22], s20  }
0x9f: {  	s4 =	ssub.s32 $0x0, s20;
	[sflag:s22] =	ssyncset.done $0x0  }
0xa0: {  	[sflag:s22] =	ssyncadd.s32 s4;
	_ =	sdelay $0x1  }
0xa1: {  	s23 =	simm.s32 $0x1B8B  }
0xa2: {  	_ =	swait.ge [sflag:s23], $0x1  }
0xa3: {  	[sflag:s23] =	ssyncset.done $0x0  }
0xa4: {  	s25 =	simm.s32 $0x1B8E;
	s24 =	sld [smem:$0x3FFE];
	[sflag:s23] =	ssyncadd.s32 $0xFFFFFFFF  }
0xa5: {  	s26 =	simm.s32 $execute0_lowered;
	[smem:$0x3FD2] =	sst s25  }
0xa6: {  	s5 =	sshll.u32 s26, $0x1;
	_ =	strace $0x80000046;
	[dreg:$0x1] =	wrdreg $0xFFFFFFFF  }
0xa7: {  	s28 =	simm.s32 $_size_execute0_lowered;
	s3 =	sadd.s32 s3, s5;
	[dreg:$0x0] =	wrdreg $0x0  }
0xa8: {  	s5 =	sshll.u32 s28, $0x1;
	[dreg:$0x2] =	wrdreg s3  }
0xa9: {  	[dreg:$0x3] =	wrdreg s5  }
0xaa: {  	[dreg:$0x4] =	wrdreg $0xC0  }
0xab: {  	_ =	task [dreg:s7], $0x5FFFF  }
0xac: {  	[dreg:$0x1] =	wrdreg $0xFFFFFFFF  }
0xad: {  	[dreg:$0x0] =	wrdreg $0x60  }
0xae: {  	[dreg:$0x2] =	wrdreg s2  }
0xaf: {  	[dreg:$0x3] =	wrdreg s24  }
0xb0: {  	[dreg:$0x4] =	wrdreg $0x9  }
0xb1: {  	_ =	task.clear_ibuf [dreg:s7], $0x5FFFF;
	_ =	strace $0x90000046  }
0xb2: {  	s29 =	simm.s32 $0x9;
	_ =	strace $0x80000048  }
0xb3: {  	_ =	swait.ge [sflag:s29], $0x1  }
0xb4: {  	[sflag:s29] =	ssyncadd.s32 $0xFFFFFFFF  }
0xb5: {  	_ =	strace $0x90000048  }
0xb6: {  	_ =	sfence  }
0xb7: {  	s30 =	sld [smem:$0x0];
	_ =	sdelay $0x2  }
0xb8: {  	s31 =	sshll.u32 s1, $0xD;
	s1 =	sshrl.u32 s1, $0x2  }
0xb9: {  	s3 =	sand.u32 $0x4000, s31;
	s1 =	sadd.s32 s1, s30  }
0xba: {  	s0 =	sor.u32 s3, s0;
	s1 =	sshll.u32 s1, $0x11  }
0xbb: {  	s0 =	sor.u32 s1, s0  }
0xbc: {  	s0 =	sadd.s32 $0x8F2B, s0  }
0xbd: {  	[sflag:s0] =	ssyncadd.remote.s32 $0x1  }
0xbe: {  	_ =	sfence.sel $0xFFFF  }
0xbf: {  	[dreg:$0x0] =	wrdreg $0xFFFFFFFF;
	(pc) =	sbr.abs _section_cstart, $3  }
0xc0: {  	[dreg:$0x1] =	wrdreg $0xFFFFFFFF  }
0xc1: {  	_ =	task.clear_ibuf [dreg:s7], $0x2FFFF;
	_ =	strace $0x9FFFFFFF  }
0xc2: {  	(tm) =	ssettm $0x7FFFFFFF  }
0xc3: {  	_ =	shalt  }
tec
execute0_lowered:
.L_overlay_start_1:
0x0: {  	(tag) =	ssettag $0x1  }
0x1: {  	s0 =	rddreg [dreg:$0x0]  }
0x2: {  	s1 =	srdreg.scid;
	s2 =	stileid.u32  }
0x3: {  	s4 =	rddreg [dreg:$0x1];
	s28 =	simm.s32 $0x9600;
	s29 =	simm.s32 $0x2  }
0x4: {  	s30 =	simm.s32 $0x3;
	s1 =	sand.u32 $0x1, s1;
	s3 =	sshll.u32 s2, $0x1  }
0x5: {  	s31 =	simm.s32 $0x4B00;
	s2 =	simm.s32 $0x0;
	s3 =	sor.u32 s1, s3  }
0x6: {  	s6 =	sadd.s32 $0xA00, s4;
	[smem:$0x7FF] =	sst s2;
	s5 =	smul.u32 $0xC800, s3  }
0x7: {  	s1 =	ssub.s32 $0x2, s1;
	_ =	strace $0x80000047;
	s3 =	sadd.s32 $0xE00, s4  }
0x8: {  	[dreg:$0x3] =	wrdreg s6;
	s17 =	sshrl.u32 s1, $0x1;
	s5 =	sshrl.u32 s5, $0x3  }
0x9: {  	s4 =	sadd.s32 $0x20E00, s4;
	s1 =	ssub.s32 s1, s17;
	s18 =	sadd.s32 $0x320, s5  }
0xa: {  	s7 =	sadd.s32 s0, s5;
	s20 =	sadd.s32 $0x640, s5;
	s21 =	sadd.s32 s4, s5  }
0xb: {  	s22 =	sadd.s32 $0x960, s5;
	s23 =	sadd.s32 $0xC80, s5;
	s25 =	sadd.s32 $0xFA0, s5  }
0xc: {  	s26 =	sadd.s32 $0x12C0, s5;
	s5 =	sadd.s32 $0x15E0, s5;
	[dreg:$0x4] =	wrdreg s7  }
0xd: {  	s19 =	sadd.s32 s0, s18;
	s8 =	sadd.s32 s0, s20;
	[dreg:$0x7] =	wrdreg s21  }
0xe: {  	s9 =	sadd.s32 s0, s22;
	s6 =	sadd.s32 s4, s18;
	s24 =	sadd.s32 s0, s23  }
0xf: {  	s7 =	sadd.s32 s4, s20;
	s13 =	sadd.s32 s0, s25;
	s14 =	sadd.s32 s4, s22  }
0x10: {  	s15 =	sadd.s32 s0, s26;
	s16 =	sadd.s32 s4, s23;
	[dreg:$0x5] =	wrdreg s19  }
0x11: {  	s17 =	sadd.s32 s0, s5;
	s18 =	sadd.s32 s4, s25;
	[dreg:$0x6] =	wrdreg s8  }
0x12: {  	s20 =	sadd.s32 s4, s5;
	s21 =	smax.u32 s1, $0x1;
	[dreg:$0x8] =	wrdreg s9  }
0x13: {  	s23 =	simm.s32 $0x7;
	s25 =	simm.s32 $0x1900;
	[dreg:$0x9] =	wrdreg s6  }
0x14: {  	s1 =	simm.s32 $0xAF00;
	s0 =	simm.s32 $0xC800;
	[dreg:$0xa] =	wrdreg s24  }
0x15: {  	s22 =	simm.s32 $0x4;
	s5 =	simm.s32 $0x5;
	[dreg:$0xb] =	wrdreg s7  }
0x16: {  	s19 =	sadd.s32 s4, s26;
	s24 =	simm.s32 $0x1;
	s26 =	simm.s32 $0x3200  }
0x17: {  	s4 =	simm.s32 $0xE100;
	s6 =	simm.s32 $0x6;
	s7 =	simm.s32 $0x0  }
.LBB2_1:
0x18: {  	s8 =	rddreg [dreg:$0x3];
	s9 =	simm.s32 $0xFA00  }
0x19: {  	[tilespmem:s9], [sflag:$0x7] =	stream.linear.gather [hbm4b:s8+s2], $0x80, $0x38;
	[tilespmem:$0xFA80] =	vst v63  }
0x1a: {  	_ =	swait.ge [sflag:s23], $0x80  }
0x1b: {  	[sflag:s23] =	ssyncset.done $0x0  }
0x1c: {  	s10 =	rddreg [dreg:$0x4];
	[sflag:s23] =	ssyncadd.s32 $0xFFFFFF80  }
0x1d: {  	v0 =	vld [tilespmem:$0xFA00];
	[tilespmem:s2], [sflag:$0x1] =	stream.linear.gather [hbm4b:s10+s2], $0x1900, $0x38  }
0x1e: {  	_ =	swait.ge [sflag:s24], $0x1900  }
0x1f: {  	[sflag:s24] =	ssyncset.done $0x0  }
0x20: {  	s11 =	simm.s32 $0x40;
	[sflag:s24] =	ssyncadd.s32 $0xFFFFE700  }
0x21: {  	v1 =	vld [tilespmem:s11+$0x30]  }
0x22: {  	v2 =	vld [tilespmem:s11+$0xFFFFFFD0]  }
0x23: {  	v3 =	vld [tilespmem:s11+$0xFFFFFFE0]  }
0x24: {  	v4 =	vld [tilespmem:s11+$0xFFFFFFF0]  }
0x25: {  	v5 =	vld [tilespmem:s11+$0x0]  }
0x26: {  	s12 =	simm.s32 $0xC0;
	v10 =	vld [tilespmem:s11+$0xFFFFFFC0]  }
0x27: {  	v17 =	vld [tilespmem:s12+$0x30];
	_ =	sdelay $0x1  }
0x28: {  	v6 =	vld [tilespmem:s11+$0x10];
	v7 =	vmul.f32 $1.000000000e+06, v1  }
0x29: {  	v8 =	vld [tilespmem:s11+$0x20];
	v9 =	vmul.f32 $1.000000000e+06, v2;
	v11 =	vmul.f32 $1.000000000e+06, v3  }
0x2a: {  	v16 =	vmul.f32 $1.000000000e+06, v4;
	v19 =	vmul.f32 $1.000000000e+06, v5;
	v1 =	vadd.f32 $-9.999999740e-06, v7  }
0x2b: {  	v10 =	vmul.f32 $1.000000000e+06, v10;
	v25 =	vmul.f32 $1.000000000e+06, v17;
	v2 =	vadd.f32 $-9.999999740e-06, v9  }
0x2c: {  	v4 =	vadd.f32 $-9.999999740e-06, v11;
	v5 =	vadd.f32 $-9.999999740e-06, v16;
	v3 =	vtrunc.f32 v1  }
0x2d: {  	v15 =	vadd.f32 $-9.999999740e-06, v10;
	v1 =	vmul.f32 $1.000000000e+06, v6;
	v6 =	vtrunc.f32 v2  }
0x2e: {  	v2 =	vmul.f32 $1.000000000e+06, v8;
	v4 =	vtrunc.f32 v4  }
0x2f: {  	v5 =	vtrunc.f32 v5;
	v15 =	vtrunc.f32 v15  }
0x30: {  	v22 =	vld [tilespmem:s12+$0x0];
	v8 =	vadd.f32 $-9.999999740e-06, v19;
	v3 =	vcvt.f32.s32 v3;
	v6 =	vcvt.f32.s32 v6  }
0x31: {  	v15 =	vcvt.f32.s32 v15;
	v4 =	vcvt.f32.s32 v4  }
0x32: {  	v20 =	vcvt.f32.s32 v5;
	v8 =	vtrunc.f32 v8  }
0x33: {  	v14 =	vadd.f32 $-9.999999740e-06, v2;
	v13 =	vcvt.s32.f32 v3;
	v21 =	vcvt.f32.s32 v8  }
0x34: {  	s10 =	simm.s32 $0x3240;
	v18 =	vld [tilespmem:s12+$0xFFFFFFD0];
	v12 =	vadd.f32 $-9.999999740e-06, v1;
	v23 =	vcvt.s32.f32 v4;
	v24 =	vcvt.s32.f32 v20  }
0x35: {  	v8 =	vld [tilespmem:s12+$0xFFFFFFE0];
	[tilespmem:s10+$0xFFFFFFE0] =	vst v4;
	v4 =	vmul.f32 $1.000000000e+06, v22;
	v14 =	vtrunc.f32 v14  }
0x36: {  	[tilespmem:s10+$0x30] =	vst v3;
	v3 =	vld [tilespmem:s12+$0xFFFFFFF0];
	v12 =	vtrunc.f32 v12;
	v5 =	vsub.f32 v7, v13;
	v13 =	vcvt.f32.s32 v14  }
0x37: {  	v7 =	vcvt.s32.f32 v15;
	v14 =	vcvt.s32.f32 v6  }
0x38: {  	s8 =	simm.s32 $0x6440;
	[tilespmem:s10+$0xFFFFFFC0] =	vst v15;
	v12 =	vcvt.f32.s32 v12;
	v15 =	vld [tilespmem:s12+$0x10];
	v26 =	vcvt.s32.f32 v21  }
0x39: {  	v17 =	vld [tilespmem:s12+$0x20];
	[tilespmem:s8+$0x30] =	vst v5;
	v10 =	vsub.f32 v10, v7;
	v5 =	vmul.f32 $1.000000000e+06, v18;
	v9 =	vsub.f32 v9, v14  }
0x3a: {  	[tilespmem:s10+$0xFFFFFFD0] =	vst v6;
	v7 =	vcvt.s32.f32 v12;
	v14 =	vld [tilespmem:s12+$0xFFFFFFC0];
	v18 =	vadd.f32 $-9.999999740e-06, v25;
	v6 =	vmul.f32 $1.000000000e+06, v8  }
0x3b: {  	[tilespmem:s10+$0xFFFFFFF0] =	vst v20;
	v11 =	vsub.f32 v11, v23;
	v8 =	vcvt.s32.f32 v13;
	v3 =	vmul.f32 $1.000000000e+06, v3  }
0x3c: {  	[tilespmem:s8+$0xFFFFFFC0] =	vst v10;
	v10 =	vadd.f32 $-9.999999740e-06, v5;
	v18 =	vtrunc.f32 v18;
	v23 =	vadd.f32 $-9.999999740e-06, v6  }
0x3d: {  	[tilespmem:s8+$0xFFFFFFD0] =	vst v9;
	v20 =	vadd.f32 $-9.999999740e-06, v3;
	v9 =	vmul.f32 $1.000000000e+06, v15;
	v18 =	vcvt.f32.s32 v18  }
0x3e: {  	[tilespmem:s10+$0x0] =	vst v21;
	v15 =	vadd.f32 $-9.999999740e-06, v4;
	v22 =	vtrunc.f32 v10;
	v10 =	vmul.f32 $1.000000000e+06, v17  }
0x3f: {  	[tilespmem:s8+$0xFFFFFFE0] =	vst v11;
	v11 =	vmul.f32 $1.000000000e+06, v14;
	v14 =	vadd.f32 $-9.999999740e-06, v9;
	v21 =	vcvt.s32.f32 v18  }
0x40: {  	[tilespmem:s10+$0x10] =	vst v12;
	v17 =	vtrunc.f32 v23;
	v12 =	vtrunc.f32 v20;
	v20 =	vadd.f32 $-9.999999740e-06, v10  }
0x41: {  	[tilespmem:s10+$0x20] =	vst v13;
	s10 =	simm.s32 $0x32C0;
	v15 =	vtrunc.f32 v15;
	v23 =	vadd.f32 $-9.999999740e-06, v11;
	v21 =	vsub.f32 v25, v21  }
0x42: {  	s9 =	simm.s32 $0x64C0;
	[tilespmem:s10+$0x30] =	vst v18;
	v18 =	vsub.f32 v16, v24;
	v16 =	vcvt.f32.s32 v22;
	v14 =	vtrunc.f32 v14  }
0x43: {  	s11 =	simm.s32 $0x80;
	s12 =	simm.s32 $0x140;
	v19 =	vsub.f32 v19, v26;
	v13 =	vtrunc.f32 v20;
	v20 =	vtrunc.f32 v23;
	[tilespmem:s9+$0x30] =	vst v21  }
.LBB2_2:
0x44: {  	v21 =	vld [tilespmem:s12+$0x30];
	s11 =	sadd.s32 $0x80, s11;
	v20 =	vcvt.f32.s32 v20;
	v17 =	vcvt.f32.s32 v17;
	[tilespmem:s8+$0xFFFFFFF0] =	vst v18;
	v7 =	vsub.f32 v1, v7;
	v1 =	vmovc v9  }
0x45: {  	v12 =	vcvt.f32.s32 v12;
	v15 =	vcvt.f32.s32 v15;
	v8 =	vsub.f32 v2, v8;
	v2 =	vmovc v10;
	v9 =	vld [tilespmem:s12+$0xFFFFFFD0];
	p0 =	slt.u32 s11, $0x1880;
	[tilespmem:s8+$0x0] =	vst v19  }
0x46: {  	v14 =	vcvt.f32.s32 v14;
	v13 =	vcvt.f32.s32 v13;
	v10 =	vld [tilespmem:s12+$0xFFFFFFE0];
	[tilespmem:s8+$0x10] =	vst v7  }
0x47: {  	v19 =	vcvt.s32.f32 v16;
	v7 =	vcvt.s32.f32 v20;
	v18 =	vld [tilespmem:s12+$0xFFFFFFF0];
	[tilespmem:s8+$0x20] =	vst v8;
	s8 =	smov.u32 s9  }
0x48: {  	v23 =	vcvt.s32.f32 v12;
	v22 =	vld [tilespmem:s12+$0x0];
	[tilespmem:s10+$0xFFFFFFC0] =	vst v20;
	v20 =	vcvt.s32.f32 v17  }
0x49: {  	v25 =	vcvt.s32.f32 v15;
	v8 =	vsub.f32 v11, v7;
	v24 =	vld [tilespmem:s12+$0x10];
	v21 =	vmul.f32 $1.000000000e+06, v21;
	[tilespmem:s10+$0xFFFFFFD0] =	vst v16  }
0x4a: {  	v7 =	vcvt.s32.f32 v14;
	v16 =	vsub.f32 v5, v19;
	v11 =	vld [tilespmem:s12+$0x20];
	v5 =	vmul.f32 $1.000000000e+06, v9;
	[tilespmem:s10+$0xFFFFFFE0] =	vst v17  }
0x4b: {  	v17 =	vld [tilespmem:s12+$0xFFFFFFC0];
	v9 =	vmul.f32 $1.000000000e+06, v10  }
0x4c: {  	v10 =	vadd.f32 $-9.999999740e-06, v21;
	[tilespmem:s9+$0xFFFFFFC0] =	vst v8;
	v8 =	vcvt.s32.f32 v13;
	v19 =	vadd.f32 $-9.999999740e-06, v5  }
0x4d: {  	v26 =	vmul.f32 $1.000000000e+06, v18;
	[tilespmem:s9+$0xFFFFFFD0] =	vst v16;
	v16 =	vsub.f32 v6, v20;
	v22 =	vmul.f32 $1.000000000e+06, v22  }
0x4e: {  	v18 =	vadd.f32 $-9.999999740e-06, v9;
	v10 =	vtrunc.f32 v10;
	[tilespmem:s10+$0xFFFFFFF0] =	vst v12;
	v6 =	vmovc v9;
	v9 =	vmul.f32 $1.000000000e+06, v24  }
0x4f: {  	v12 =	vadd.f32 $-9.999999740e-06, v26;
	v20 =	vcvt.f32.s32 v10;
	[tilespmem:s9+$0xFFFFFFE0] =	vst v16;
	v16 =	vtrunc.f32 v19  }
0x50: {  	v19 =	vadd.f32 $-9.999999740e-06, v22;
	v10 =	vmul.f32 $1.000000000e+06, v11;
	[tilespmem:s10+$0x0] =	vst v15;
	v11 =	vmul.f32 $1.000000000e+06, v17  }
.Ltmp0:
0x51: {  	v24 =	vadd.f32 $-9.999999740e-06, v9;
	v27 =	vcvt.s32.f32 v20;
	[tilespmem:s10+$0x10] =	vst v14;
	(pc) =	sbr.rel @p0 .LBB2_2-.Ltmp0, $4  }
0x52: {  	v17 =	vtrunc.f32 v18;
	v12 =	vtrunc.f32 v12;
	v18 =	vadd.f32 $-9.999999740e-06, v10;
	[tilespmem:s10+$0x20] =	vst v13  }
0x53: {  	v15 =	vtrunc.f32 v19;
	s10 =	sadd.s32 $0x80, s10;
	v28 =	vadd.f32 $-9.999999740e-06, v11;
	v19 =	vsub.f32 v21, v27  }
0x54: {  	s9 =	sadd.s32 $0x80, s9;
	v14 =	vtrunc.f32 v24;
	v13 =	vtrunc.f32 v18;
	[tilespmem:s10+$0x30] =	vst v20;
	v18 =	vsub.f32 v3, v23;
	v3 =	vmovc v26  }
0x55: {  	s12 =	sadd.s32 $0x80, s12;
	v16 =	vcvt.f32.s32 v16;
	v20 =	vtrunc.f32 v28;
	[tilespmem:s9+$0x30] =	vst v19;
	v19 =	vsub.f32 v4, v25;
	v4 =	vmovc v22  }
0x56: {  	[tilespmem:s8+$0xFFFFFFF0] =	vst v18  }
0x57: {  	v1 =	vsub.f32 v1, v7;
	[tilespmem:s8+$0x0] =	vst v19  }
0x58: {  	v7 =	vcvt.f32.s32 v20;
	v2 =	vsub.f32 v2, v8;
	[tilespmem:s10+$0xFFFFFFD0] =	vst v16  }
0x59: {  	v8 =	vcvt.s32.f32 v16;
	[tilespmem:s8+$0x10] =	vst v1  }
0x5a: {  	v1 =	vcvt.s32.f32 v7;
	[tilespmem:s8+$0x20] =	vst v2;
	v2 =	vcvt.f32.s32 v17  }
0x5b: {  	[tilespmem:s10+$0xFFFFFFC0] =	vst v7;
	v5 =	vsub.f32 v5, v8  }
0x5c: {  	v1 =	vsub.f32 v11, v1;
	[tilespmem:s10+$0xFFFFFFE0] =	vst v2  }
0x5d: {  	v7 =	vcvt.s32.f32 v2;
	v2 =	vcvt.f32.s32 v12;
	[tilespmem:s9+$0xFFFFFFD0] =	vst v5  }
0x5e: {  	v5 =	vcvt.f32.s32 v15;
	[tilespmem:s9+$0xFFFFFFC0] =	vst v1  }
0x5f: {  	v1 =	vsub.f32 v6, v7;
	[tilespmem:s10+$0xFFFFFFF0] =	vst v2  }
0x60: {  	v6 =	vcvt.f32.s32 v14;
	v2 =	vcvt.s32.f32 v2;
	[tilespmem:s10+$0x0] =	vst v5  }
0x61: {  	v7 =	vcvt.s32.f32 v5;
	[tilespmem:s9+$0xFFFFFFE0] =	vst v1;
	v1 =	vcvt.f32.s32 v13  }
0x62: {  	v5 =	vcvt.s32.f32 v6;
	[tilespmem:s10+$0x10] =	vst v6;
	v2 =	vsub.f32 v3, v2  }
0x63: {  	v3 =	vcvt.s32.f32 v1;
	[tilespmem:s10+$0x20] =	vst v1;
	v1 =	vsub.f32 v4, v7  }
0x64: {  	[tilespmem:s9+$0xFFFFFFF0] =	vst v2;
	v2 =	vsub.f32 v9, v5  }
0x65: {  	[tilespmem:s9+$0x0] =	vst v1;
	v1 =	vsub.f32 v10, v3  }
0x66: {  	[tilespmem:s9+$0x10] =	vst v2  }
0x67: {  	[tilespmem:s9+$0x20] =	vst v1  }
0x68: {  	[tilespmem:s28], [sflag:$0x3] =	stream.indirect.gather [hbm4b:s3+s25], $0x1, s26, s25, $0xb8;
	[tilespmem:$0xFA80] =	vst v63  }
0x69: {  	s8 =	rddreg [dreg:$0x5]  }
0x6a: {  	[tilespmem:s25], [sflag:$0x2] =	stream.linear.gather [hbm4b:s8+s2], $0x1900, $0x38;
	[tilespmem:$0xFA80] =	vst v63  }
0x6b: {  	_ =	swait.ge [sflag:s29], $0x1900  }
0x6c: {  	[sflag:s29] =	ssyncset.done $0x0  }
0x6d: {  	s10 =	simm.s32 $0x1940;
	[sflag:s29] =	ssyncadd.s32 $0xFFFFE700  }
0x6e: {  	v1 =	vld [tilespmem:s10+$0x30]  }
0x6f: {  	v2 =	vld [tilespmem:s10+$0xFFFFFFD0]  }
0x70: {  	v3 =	vld [tilespmem:s10+$0xFFFFFFE0]  }
0x71: {  	v4 =	vld [tilespmem:s10+$0xFFFFFFF0]  }
0x72: {  	v5 =	vld [tilespmem:s10+$0x0]  }
0x73: {  	s11 =	simm.s32 $0x19C0;
	v10 =	vld [tilespmem:s10+$0xFFFFFFC0]  }
0x74: {  	v17 =	vld [tilespmem:s11+$0x30];
	_ =	sdelay $0x1  }
0x75: {  	v6 =	vld [tilespmem:s10+$0x10];
	v7 =	vmul.f32 $1.000000000e+06, v1  }
0x76: {  	v8 =	vld [tilespmem:s10+$0x20];
	v9 =	vmul.f32 $1.000000000e+06, v2;
	v11 =	vmul.f32 $1.000000000e+06, v3  }
0x77: {  	v16 =	vmul.f32 $1.000000000e+06, v4;
	v19 =	vmul.f32 $1.000000000e+06, v5;
	v1 =	vadd.f32 $-9.999999740e-06, v7  }
0x78: {  	v10 =	vmul.f32 $1.000000000e+06, v10;
	v25 =	vmul.f32 $1.000000000e+06, v17;
	v2 =	vadd.f32 $-9.999999740e-06, v9  }
0x79: {  	v4 =	vadd.f32 $-9.999999740e-06, v11;
	v5 =	vadd.f32 $-9.999999740e-06, v16;
	v3 =	vtrunc.f32 v1  }
0x7a: {  	v15 =	vadd.f32 $-9.999999740e-06, v10;
	v1 =	vmul.f32 $1.000000000e+06, v6;
	v6 =	vtrunc.f32 v2  }
0x7b: {  	v2 =	vmul.f32 $1.000000000e+06, v8;
	v4 =	vtrunc.f32 v4  }
0x7c: {  	v5 =	vtrunc.f32 v5;
	v15 =	vtrunc.f32 v15  }
0x7d: {  	v22 =	vld [tilespmem:s11+$0x0];
	v8 =	vadd.f32 $-9.999999740e-06, v19;
	v3 =	vcvt.f32.s32 v3;
	v6 =	vcvt.f32.s32 v6  }
0x7e: {  	v15 =	vcvt.f32.s32 v15;
	v4 =	vcvt.f32.s32 v4  }
0x7f: {  	v20 =	vcvt.f32.s32 v5;
	v8 =	vtrunc.f32 v8  }
0x80: {  	v14 =	vadd.f32 $-9.999999740e-06, v2;
	v13 =	vcvt.s32.f32 v3;
	v21 =	vcvt.f32.s32 v8  }
0x81: {  	s12 =	simm.s32 $0x4B40;
	v18 =	vld [tilespmem:s11+$0xFFFFFFD0];
	v12 =	vadd.f32 $-9.999999740e-06, v1;
	v23 =	vcvt.s32.f32 v4;
	v24 =	vcvt.s32.f32 v20  }
0x82: {  	v8 =	vld [tilespmem:s11+$0xFFFFFFE0];
	[tilespmem:s12+$0xFFFFFFE0] =	vst v4;
	v4 =	vmul.f32 $1.000000000e+06, v22;
	v14 =	vtrunc.f32 v14  }
0x83: {  	[tilespmem:s12+$0x30] =	vst v3;
	v3 =	vld [tilespmem:s11+$0xFFFFFFF0];
	v12 =	vtrunc.f32 v12;
	v5 =	vsub.f32 v7, v13;
	v13 =	vcvt.f32.s32 v14  }
0x84: {  	v7 =	vcvt.s32.f32 v15;
	v14 =	vcvt.s32.f32 v6  }
0x85: {  	s8 =	simm.s32 $0x7D40;
	[tilespmem:s12+$0xFFFFFFC0] =	vst v15;
	v12 =	vcvt.f32.s32 v12;
	v15 =	vld [tilespmem:s11+$0x10];
	v26 =	vcvt.s32.f32 v21  }
0x86: {  	v17 =	vld [tilespmem:s11+$0x20];
	[tilespmem:s8+$0x30] =	vst v5;
	v10 =	vsub.f32 v10, v7;
	v5 =	vmul.f32 $1.000000000e+06, v18;
	v14 =	vsub.f32 v9, v14  }
0x87: {  	[tilespmem:s12+$0xFFFFFFD0] =	vst v6;
	v7 =	vcvt.s32.f32 v12;
	v18 =	vld [tilespmem:s11+$0xFFFFFFC0];
	v6 =	vmul.f32 $1.000000000e+06, v8;
	v8 =	vadd.f32 $-9.999999740e-06, v25  }
0x88: {  	v11 =	vsub.f32 v11, v23;
	v9 =	vcvt.s32.f32 v13;
	v3 =	vmul.f32 $1.000000000e+06, v3;
	[tilespmem:s8+$0xFFFFFFC0] =	vst v10  }
0x89: {  	v10 =	vadd.f32 $-9.999999740e-06, v5;
	[tilespmem:s8+$0xFFFFFFD0] =	vst v14;
	v14 =	vadd.f32 $-9.999999740e-06, v6;
	v22 =	vtrunc.f32 v8  }
0x8a: {  	[tilespmem:s12+$0xFFFFFFF0] =	vst v20;
	v20 =	vadd.f32 $-9.999999740e-06, v3;
	v8 =	vmul.f32 $1.000000000e+06, v15;
	v22 =	vcvt.f32.s32 v22  }
0x8b: {  	[tilespmem:s12+$0x0] =	vst v21;
	v15 =	vadd.f32 $-9.999999740e-06, v4;
	v23 =	vtrunc.f32 v10;
	v10 =	vmul.f32 $1.000000000e+06, v17  }
0x8c: {  	[tilespmem:s8+$0xFFFFFFE0] =	vst v11;
	v11 =	vmul.f32 $1.000000000e+06, v18;
	v18 =	vadd.f32 $-9.999999740e-06, v8;
	v21 =	vcvt.s32.f32 v22  }
0x8d: {  	[tilespmem:s12+$0x10] =	vst v12;
	v17 =	vtrunc.f32 v14;
	v12 =	vtrunc.f32 v20;
	v20 =	vadd.f32 $-9.999999740e-06, v10  }
0x8e: {  	s10 =	simm.s32 $0x4BC0;
	[tilespmem:s12+$0x20] =	vst v13;
	v15 =	vtrunc.f32 v15;
	v27 =	vadd.f32 $-9.999999740e-06, v11;
	v21 =	vsub.f32 v25, v21  }
0x8f: {  	s9 =	simm.s32 $0x7DC0;
	[tilespmem:s10+$0x30] =	vst v22;
	v14 =	vtrunc.f32 v18;
	v18 =	vsub.f32 v16, v24;
	v16 =	vcvt.f32.s32 v23  }
0x90: {  	s11 =	simm.s32 $0x80;
	s12 =	simm.s32 $0x1A40;
	v19 =	vsub.f32 v19, v26;
	v13 =	vtrunc.f32 v20;
	v20 =	vtrunc.f32 v27;
	[tilespmem:s9+$0x30] =	vst v21  }
.LBB2_4:
0x91: {  	v21 =	vld [tilespmem:s12+$0x30];
	s11 =	sadd.s32 $0x80, s11;
	v20 =	vcvt.f32.s32 v20;
	v17 =	vcvt.f32.s32 v17;
	[tilespmem:s8+$0xFFFFFFF0] =	vst v18;
	v7 =	vsub.f32 v1, v7;
	v1 =	vmovc v8  }
0x92: {  	v12 =	vcvt.f32.s32 v12;
	v15 =	vcvt.f32.s32 v15;
	v9 =	vsub.f32 v2, v9;
	v2 =	vmovc v10;
	v8 =	vld [tilespmem:s12+$0xFFFFFFD0];
	p0 =	slt.u32 s11, $0x1880;
	[tilespmem:s8+$0x0] =	vst v19  }
0x93: {  	v14 =	vcvt.f32.s32 v14;
	v13 =	vcvt.f32.s32 v13;
	v10 =	vld [tilespmem:s12+$0xFFFFFFE0];
	[tilespmem:s8+$0x10] =	vst v7  }
0x94: {  	v19 =	vcvt.s32.f32 v16;
	v7 =	vcvt.s32.f32 v20;
	v18 =	vld [tilespmem:s12+$0xFFFFFFF0];
	[tilespmem:s8+$0x20] =	vst v9;
	s8 =	smov.u32 s9  }
0x95: {  	v23 =	vcvt.s32.f32 v12;
	v22 =	vld [tilespmem:s12+$0x0];
	[tilespmem:s10+$0xFFFFFFC0] =	vst v20;
	v20 =	vcvt.s32.f32 v17  }
0x96: {  	v25 =	vcvt.s32.f32 v15;
	v9 =	vsub.f32 v11, v7;
	v24 =	vld [tilespmem:s12+$0x10];
	v21 =	vmul.f32 $1.000000000e+06, v21;
	[tilespmem:s10+$0xFFFFFFD0] =	vst v16  }
0x97: {  	v7 =	vcvt.s32.f32 v14;
	v16 =	vsub.f32 v5, v19;
	v11 =	vld [tilespmem:s12+$0x20];
	v5 =	vmul.f32 $1.000000000e+06, v8;
	[tilespmem:s10+$0xFFFFFFE0] =	vst v17  }
0x98: {  	v17 =	vld [tilespmem:s12+$0xFFFFFFC0];
	v8 =	vmul.f32 $1.000000000e+06, v10  }
0x99: {  	v10 =	vadd.f32 $-9.999999740e-06, v21;
	[tilespmem:s9+$0xFFFFFFC0] =	vst v9;
	v9 =	vcvt.s32.f32 v13;
	v19 =	vadd.f32 $-9.999999740e-06, v5  }
0x9a: {  	v26 =	vmul.f32 $1.000000000e+06, v18;
	[tilespmem:s9+$0xFFFFFFD0] =	vst v16;
	v16 =	vsub.f32 v6, v20;
	v22 =	vmul.f32 $1.000000000e+06, v22  }
0x9b: {  	v18 =	vadd.f32 $-9.999999740e-06, v8;
	v10 =	vtrunc.f32 v10;
	[tilespmem:s10+$0xFFFFFFF0] =	vst v12;
	v6 =	vmovc v8;
	v8 =	vmul.f32 $1.000000000e+06, v24  }
0x9c: {  	v12 =	vadd.f32 $-9.999999740e-06, v26;
	v20 =	vcvt.f32.s32 v10;
	[tilespmem:s9+$0xFFFFFFE0] =	vst v16;
	v16 =	vtrunc.f32 v19  }
0x9d: {  	v19 =	vadd.f32 $-9.999999740e-06, v22;
	v10 =	vmul.f32 $1.000000000e+06, v11;
	[tilespmem:s10+$0x0] =	vst v15;
	v11 =	vmul.f32 $1.000000000e+06, v17  }
.Ltmp1:
0x9e: {  	v24 =	vadd.f32 $-9.999999740e-06, v8;
	v27 =	vcvt.s32.f32 v20;
	[tilespmem:s10+$0x10] =	vst v14;
	(pc) =	sbr.rel @p0 .LBB2_4-.Ltmp1, $4  }
0x9f: {  	v17 =	vtrunc.f32 v18;
	v12 =	vtrunc.f32 v12;
	v18 =	vadd.f32 $-9.999999740e-06, v10;
	[tilespmem:s10+$0x20] =	vst v13  }
0xa0: {  	v15 =	vtrunc.f32 v19;
	s10 =	sadd.s32 $0x80, s10;
	v28 =	vadd.f32 $-9.999999740e-06, v11;
	v19 =	vsub.f32 v21, v27  }
0xa1: {  	s9 =	sadd.s32 $0x80, s9;
	v14 =	vtrunc.f32 v24;
	v13 =	vtrunc.f32 v18;
	[tilespmem:s10+$0x30] =	vst v20;
	v18 =	vsub.f32 v3, v23;
	v3 =	vmovc v26  }
0xa2: {  	s12 =	sadd.s32 $0x80, s12;
	v16 =	vcvt.f32.s32 v16;
	v20 =	vtrunc.f32 v28;
	[tilespmem:s9+$0x30] =	vst v19;
	v19 =	vsub.f32 v4, v25;
	v4 =	vmovc v22  }
0xa3: {  	[tilespmem:s8+$0xFFFFFFF0] =	vst v18  }
0xa4: {  	v1 =	vsub.f32 v1, v7;
	[tilespmem:s8+$0x0] =	vst v19  }
0xa5: {  	v2 =	vsub.f32 v2, v9;
	[tilespmem:s10+$0xFFFFFFD0] =	vst v16  }
0xa6: {  	v7 =	vcvt.f32.s32 v20;
	(erf) = vrcp.f32 v0;
	[tilespmem:s8+$0x10] =	vst v1  }
0xa7: {  	v0 =	vcvt.f32.s32 v15;
	v9 =	vcvt.s32.f32 v16;
	[tilespmem:s8+$0x20] =	vst v2  }
0xa8: {  	v1 =	vcvt.s32.f32 v7;
	v2 =	vcvt.f32.s32 v17;
	[tilespmem:s10+$0xFFFFFFC0] =	vst v7  }
0xa9: {  	[tilespmem:s10+$0x0] =	vst v0;
	v5 =	vsub.f32 v5, v9  }
0xaa: {  	v1 =	vsub.f32 v11, v1;
	v7 =	vcvt.s32.f32 v2;
	[tilespmem:s10+$0xFFFFFFE0] =	vst v2  }
0xab: {  	v2 =	vcvt.f32.s32 v12;
	[tilespmem:s9+$0xFFFFFFD0] =	vst v5  }
0xac: {  	v5 =	vcvt.f32.s32 v14;
	[tilespmem:s9+$0xFFFFFFC0] =	vst v1;
	v1 =	vsub.f32 v6, v7  }
0xad: {  	[tilespmem:s10+$0xFFFFFFF0] =	vst v2;
	v2 =	vcvt.s32.f32 v2;
	v6 =	vcvt.s32.f32 v0  }
0xae: {  	v0 =	vcvt.s32.f32 v5;
	[tilespmem:s9+$0xFFFFFFE0] =	vst v1;
	v1 =	vcvt.f32.s32 v13  }
0xaf: {  	[tilespmem:s10+$0x10] =	vst v5;
	v2 =	vsub.f32 v3, v2  }
0xb0: {  	v0 =	vsub.f32 v8, v0;
	v3 =	vcvt.s32.f32 v1;
	[tilespmem:s10+$0x20] =	vst v1;
	v1 =	vsub.f32 v4, v6  }
0xb1: {  	[tilespmem:s9+$0xFFFFFFF0] =	vst v2  }
0xb2: {  	[tilespmem:s9+$0x0] =	vst v1;
	v1 =	vsub.f32 v10, v3  }
0xb3: {  	[tilespmem:s9+$0x10] =	vst v0  }
0xb4: {  	v0 =	vpop (erf);
	[tilespmem:s9+$0x20] =	vst v1  }
0xb5: {  	_ =	swait.ge [sflag:s30], $0x1900  }
0xb6: {  	[sflag:s30] =	ssyncset.done $0x0  }
0xb7: {  	[sflag:s30] =	ssyncadd.s32 $0xFFFFE700  }
0xb8: {  	[tilespmem:s1], [sflag:$0x4] =	stream.indirect.gather [hbm4b:s3+s25], $0x1, s31, s25, $0xb8;
	[tilespmem:$0xFA80] =	vst v63  }
0xb9: {  	s12 =	simm.s32 $0x9640;
	s11 =	rddreg [dreg:$0x6]  }
0xba: {  	[tilespmem:s2], [sflag:$0x1] =	stream.linear.gather [hbm4b:s11+s2], $0x1900, $0x38;
	[tilespmem:$0xFA80] =	vst v63  }
0xbb: {  	s8 =	simm.s32 $0x6440;
	v2 =	vld [tilespmem:s12+$0x30]  }
0xbc: {  	v1 =	vld [tilespmem:s8+$0x30]  }
0xbd: {  	v3 =	vld [tilespmem:s12+$0xFFFFFFD0]  }
0xbe: {  	v4 =	vld [tilespmem:s12+$0xFFFFFFE0]  }
0xbf: {  	v5 =	vld [tilespmem:s12+$0xFFFFFFF0]  }
0xc0: {  	v8 =	vld [tilespmem:s12+$0x0]  }
0xc1: {  	v15 =	vld [tilespmem:s12+$0xFFFFFFC0]  }
0xc2: {  	v18 =	vld [tilespmem:s8+$0xFFFFFFC0]  }
0xc3: {  	v21 =	vld [tilespmem:s8+$0xFFFFFFD0];
	v6 =	vshll.u32 v2, $0x10  }
0xc4: {  	v11 =	vld [tilespmem:s12+$0x20];
	v20 =	vshll.u32 v3, $0x10;
	v6 =	vmul.f32 v6, v1  }
0xc5: {  	v10 =	vld [tilespmem:s12+$0x10];
	v2 =	vand.u32 $0xFFFF0000, v2;
	v7 =	vshll.u32 v4, $0x10;
	v9 =	vshll.u32 v5, $0x10  }
0xc6: {  	v12 =	vld [tilespmem:s8+$0xFFFFFFE0];
	v19 =	vshll.u32 v15, $0x10;
	v1 =	vand.u32 $0xFFFF0000, v3;
	v2 =	vadd.f32 v2, v6  }
0xc7: {  	v13 =	vld [tilespmem:s8+$0xFFFFFFF0];
	v3 =	vand.u32 $0xFFFF0000, v4;
	v4 =	vand.u32 $0xFFFF0000, v8;
	v19 =	vmul.f32 v19, v18  }
0xc8: {  	v14 =	vld [tilespmem:s8+$0x0];
	v8 =	vshll.u32 v8, $0x10;
	v18 =	vmul.f32 v20, v21;
	v17 =	vmul.f32 v2, v0  }
0xc9: {  	s9 =	simm.s32 $0xC840;
	v16 =	vld [tilespmem:s8+$0x10];
	v6 =	vand.u32 $0xFFFF0000, v5;
	v5 =	vand.u32 $0xFFFF0000, v11;
	v11 =	vshll.u32 v11, $0x10  }
0xca: {  	s10 =	simm.s32 $0xC840;
	s11 =	simm.s32 $0x0;
	s12 =	simm.s32 $0x96C0;
	v2 =	vand.u32 $0xFFFF0000, v10;
	v10 =	vshll.u32 v10, $0x10;
	[tilespmem:s9+$0x30] =	vst v17;
	v17 =	vand.u32 $0xFFFF0000, v15;
	v15 =	vld [tilespmem:s8+$0x20]  }
.LBB2_6:
0xcb: {  	v20 =	vld [tilespmem:s12+$0x30];
	s11 =	sadd.s32 $0x80, s11;
	v17 =	vadd.f32 v17, v19;
	v7 =	vmul.f32 v7, v12;
	s8 =	sadd.s32 $0x80, s8  }
0xcc: {  	v12 =	vld [tilespmem:s8+$0x30];
	p0 =	slt.u32 s11, $0x1880;
	v1 =	vadd.f32 v1, v18;
	v9 =	vmul.f32 v9, v13  }
0xcd: {  	v13 =	vld [tilespmem:s12+$0xFFFFFFD0];
	v17 =	vmul.f32 v17, v0;
	v3 =	vadd.f32 v3, v7;
	v7 =	vmul.f32 v8, v14  }
0xce: {  	v8 =	vld [tilespmem:s12+$0xFFFFFFE0];
	v1 =	vmul.f32 v1, v0;
	v6 =	vadd.f32 v6, v9;
	v9 =	vmul.f32 v10, v16  }
0xcf: {  	v10 =	vld [tilespmem:s12+$0xFFFFFFF0];
	[tilespmem:s9+$0xFFFFFFC0] =	vst v17;
	v3 =	vmul.f32 v3, v0;
	v4 =	vadd.f32 v4, v7;
	v7 =	vmul.f32 v11, v15  }
0xd0: {  	v11 =	vld [tilespmem:s12+$0x0];
	v14 =	vshll.u32 v20, $0x10;
	[tilespmem:s9+$0xFFFFFFD0] =	vst v1;
	v6 =	vmul.f32 v6, v0;
	v2 =	vadd.f32 v2, v9  }
0xd1: {  	v15 =	vld [tilespmem:s12+$0x10];
	v9 =	vmul.f32 v14, v12;
	[tilespmem:s9+$0xFFFFFFE0] =	vst v3;
	v4 =	vmul.f32 v4, v0;
	v5 =	vadd.f32 v5, v7  }
0xd2: {  	v12 =	vand.u32 $0xFFFF0000, v20;
	v1 =	vand.u32 $0xFFFF0000, v13;
	v18 =	vshll.u32 v13, $0x10;
	v14 =	vld [tilespmem:s12+$0x20];
	[tilespmem:s9+$0xFFFFFFF0] =	vst v6  }
0xd3: {  	v16 =	vld [tilespmem:s12+$0xFFFFFFC0];
	v3 =	vand.u32 $0xFFFF0000, v8;
	v7 =	vshll.u32 v8, $0x10;
	v12 =	vadd.f32 v12, v9;
	[tilespmem:s9+$0x0] =	vst v4  }
0xd4: {  	v13 =	vmul.f32 v2, v0;
	v19 =	vld [tilespmem:s8+$0xFFFFFFC0];
	v6 =	vand.u32 $0xFFFF0000, v10;
	v9 =	vshll.u32 v10, $0x10  }
0xd5: {  	v20 =	vld [tilespmem:s8+$0xFFFFFFD0];
	v4 =	vand.u32 $0xFFFF0000, v11;
	v8 =	vshll.u32 v11, $0x10;
	v17 =	vmul.f32 v12, v0  }
.Ltmp2:
0xd6: {  	s9 =	sadd.s32 $0x80, s9;
	v12 =	vld [tilespmem:s8+$0xFFFFFFE0];
	v2 =	vand.u32 $0xFFFF0000, v15;
	v10 =	vshll.u32 v15, $0x10;
	[tilespmem:s10+$0x10] =	vst v13;
	v15 =	vmul.f32 v5, v0;
	(pc) =	sbr.rel @p0 .LBB2_6-.Ltmp2, $4  }
0xd7: {  	v13 =	vld [tilespmem:s8+$0xFFFFFFF0];
	v5 =	vand.u32 $0xFFFF0000, v14;
	v11 =	vshll.u32 v14, $0x10;
	[tilespmem:s9+$0x30] =	vst v17  }
0xd8: {  	v17 =	vand.u32 $0xFFFF0000, v16;
	v16 =	vshll.u32 v16, $0x10;
	v14 =	vld [tilespmem:s8+$0x0];
	[tilespmem:s10+$0x20] =	vst v15;
	s10 =	smov.u32 s9  }
0xd9: {  	v19 =	vmul.f32 v16, v19;
	v16 =	vld [tilespmem:s8+$0x10]  }
0xda: {  	s12 =	sadd.s32 $0x80, s12;
	v18 =	vmul.f32 v18, v20;
	v15 =	vld [tilespmem:s8+$0x20]  }
0xdb: {  	v17 =	vadd.f32 v17, v19;
	v7 =	vmul.f32 v7, v12  }
0xdc: {  	v1 =	vadd.f32 v1, v18;
	v9 =	vmul.f32 v9, v13  }
0xdd: {  	v12 =	vmul.f32 v17, v0;
	v3 =	vadd.f32 v3, v7;
	v7 =	vmul.f32 v8, v14  }
0xde: {  	v1 =	vmul.f32 v1, v0;
	v6 =	vadd.f32 v6, v9;
	v8 =	vmul.f32 v10, v16  }
0xdf: {  	[tilespmem:s9+$0xFFFFFFC0] =	vst v12;
	v3 =	vmul.f32 v3, v0;
	v4 =	vadd.f32 v4, v7;
	v7 =	vmul.f32 v11, v15  }
0xe0: {  	[tilespmem:s9+$0xFFFFFFD0] =	vst v1;
	v1 =	vmul.f32 v6, v0;
	v2 =	vadd.f32 v2, v8  }
0xe1: {  	[tilespmem:s9+$0xFFFFFFE0] =	vst v3;
	v3 =	vmul.f32 v4, v0;
	v4 =	vadd.f32 v5, v7  }
0xe2: {  	[tilespmem:s9+$0xFFFFFFF0] =	vst v1;
	v1 =	vmul.f32 v2, v0  }
0xe3: {  	[tilespmem:s9+$0x0] =	vst v3;
	v2 =	vmul.f32 v4, v0  }
0xe4: {  	[tilespmem:s10+$0x10] =	vst v1  }
0xe5: {  	[tilespmem:s10+$0x20] =	vst v2  }
0xe6: {  	s8 =	rddreg [dreg:$0x7]  }
0xe7: {  	[hbm4b:s8+s2] =	stream.linear.scatter [tilespmem:s0], [sflag:$0x5], $0x1900, $0x38;
	[tilespmem:$0xFA80] =	vst v63  }
0xe8: {  	_ =	swait.ge [sflag:s24], $0x1900  }
0xe9: {  	[sflag:s24] =	ssyncset.done $0x0  }
0xea: {  	s10 =	simm.s32 $0x40;
	[sflag:s24] =	ssyncadd.s32 $0xFFFFE700  }
0xeb: {  	v1 =	vld [tilespmem:s10+$0x30]  }
0xec: {  	v2 =	vld [tilespmem:s10+$0xFFFFFFD0]  }
0xed: {  	v3 =	vld [tilespmem:s10+$0xFFFFFFE0]  }
0xee: {  	v4 =	vld [tilespmem:s10+$0xFFFFFFF0]  }
0xef: {  	v5 =	vld [tilespmem:s10+$0x0]  }
0xf0: {  	s11 =	simm.s32 $0xC0;
	v10 =	vld [tilespmem:s10+$0xFFFFFFC0]  }
0xf1: {  	v17 =	vld [tilespmem:s11+$0x30];
	_ =	sdelay $0x1  }
0xf2: {  	v6 =	vld [tilespmem:s10+$0x10];
	v7 =	vmul.f32 $1.000000000e+06, v1  }
0xf3: {  	v8 =	vld [tilespmem:s10+$0x20];
	v9 =	vmul.f32 $1.000000000e+06, v2;
	v11 =	vmul.f32 $1.000000000e+06, v3  }
0xf4: {  	v16 =	vmul.f32 $1.000000000e+06, v4;
	v19 =	vmul.f32 $1.000000000e+06, v5;
	v1 =	vadd.f32 $-9.999999740e-06, v7  }
0xf5: {  	v10 =	vmul.f32 $1.000000000e+06, v10;
	v25 =	vmul.f32 $1.000000000e+06, v17;
	v2 =	vadd.f32 $-9.999999740e-06, v9  }
0xf6: {  	v4 =	vadd.f32 $-9.999999740e-06, v11;
	v5 =	vadd.f32 $-9.999999740e-06, v16;
	v3 =	vtrunc.f32 v1  }
0xf7: {  	v15 =	vadd.f32 $-9.999999740e-06, v10;
	v1 =	vmul.f32 $1.000000000e+06, v6;
	v6 =	vtrunc.f32 v2  }
0xf8: {  	v2 =	vmul.f32 $1.000000000e+06, v8;
	v4 =	vtrunc.f32 v4  }
0xf9: {  	v5 =	vtrunc.f32 v5;
	v15 =	vtrunc.f32 v15  }
0xfa: {  	v22 =	vld [tilespmem:s11+$0x0];
	v8 =	vadd.f32 $-9.999999740e-06, v19;
	v3 =	vcvt.f32.s32 v3;
	v6 =	vcvt.f32.s32 v6  }
0xfb: {  	v15 =	vcvt.f32.s32 v15;
	v4 =	vcvt.f32.s32 v4  }
0xfc: {  	v20 =	vcvt.f32.s32 v5;
	v8 =	vtrunc.f32 v8  }
0xfd: {  	v14 =	vadd.f32 $-9.999999740e-06, v2;
	v13 =	vcvt.s32.f32 v3;
	v21 =	vcvt.f32.s32 v8  }
0xfe: {  	s12 =	simm.s32 $0x3240;
	v18 =	vld [tilespmem:s11+$0xFFFFFFD0];
	v12 =	vadd.f32 $-9.999999740e-06, v1;
	v23 =	vcvt.s32.f32 v4;
	v24 =	vcvt.s32.f32 v20  }
0xff: {  	v8 =	vld [tilespmem:s11+$0xFFFFFFE0];
	[tilespmem:s12+$0xFFFFFFE0] =	vst v4;
	v4 =	vmul.f32 $1.000000000e+06, v22;
	v14 =	vtrunc.f32 v14  }
0x100: {  	[tilespmem:s12+$0x30] =	vst v3;
	v3 =	vld [tilespmem:s11+$0xFFFFFFF0];
	v12 =	vtrunc.f32 v12;
	v5 =	vsub.f32 v7, v13;
	v13 =	vcvt.f32.s32 v14  }
0x101: {  	v7 =	vcvt.s32.f32 v15;
	v14 =	vcvt.s32.f32 v6  }
0x102: {  	s8 =	simm.s32 $0x6440;
	[tilespmem:s12+$0xFFFFFFC0] =	vst v15;
	v12 =	vcvt.f32.s32 v12;
	v15 =	vld [tilespmem:s11+$0x10];
	v26 =	vcvt.s32.f32 v21  }
0x103: {  	v17 =	vld [tilespmem:s11+$0x20];
	[tilespmem:s8+$0x30] =	vst v5;
	v10 =	vsub.f32 v10, v7;
	v5 =	vmul.f32 $1.000000000e+06, v18;
	v9 =	vsub.f32 v9, v14  }
0x104: {  	[tilespmem:s12+$0xFFFFFFD0] =	vst v6;
	v7 =	vcvt.s32.f32 v12;
	v14 =	vld [tilespmem:s11+$0xFFFFFFC0];
	v18 =	vadd.f32 $-9.999999740e-06, v25;
	v6 =	vmul.f32 $1.000000000e+06, v8  }
0x105: {  	[tilespmem:s12+$0xFFFFFFF0] =	vst v20;
	v11 =	vsub.f32 v11, v23;
	v8 =	vcvt.s32.f32 v13;
	v3 =	vmul.f32 $1.000000000e+06, v3  }
0x106: {  	[tilespmem:s8+$0xFFFFFFC0] =	vst v10;
	v10 =	vadd.f32 $-9.999999740e-06, v5;
	v18 =	vtrunc.f32 v18;
	v23 =	vadd.f32 $-9.999999740e-06, v6  }
0x107: {  	[tilespmem:s8+$0xFFFFFFD0] =	vst v9;
	v20 =	vadd.f32 $-9.999999740e-06, v3;
	v9 =	vmul.f32 $1.000000000e+06, v15;
	v18 =	vcvt.f32.s32 v18  }
0x108: {  	[tilespmem:s12+$0x0] =	vst v21;
	v15 =	vadd.f32 $-9.999999740e-06, v4;
	v22 =	vtrunc.f32 v10;
	v10 =	vmul.f32 $1.000000000e+06, v17  }
0x109: {  	[tilespmem:s8+$0xFFFFFFE0] =	vst v11;
	v11 =	vmul.f32 $1.000000000e+06, v14;
	v14 =	vadd.f32 $-9.999999740e-06, v9;
	v21 =	vcvt.s32.f32 v18  }
0x10a: {  	[tilespmem:s12+$0x10] =	vst v12;
	v17 =	vtrunc.f32 v23;
	v12 =	vtrunc.f32 v20;
	v20 =	vadd.f32 $-9.999999740e-06, v10  }
0x10b: {  	s10 =	simm.s32 $0x32C0;
	[tilespmem:s12+$0x20] =	vst v13;
	v15 =	vtrunc.f32 v15;
	v23 =	vadd.f32 $-9.999999740e-06, v11;
	v21 =	vsub.f32 v25, v21  }
0x10c: {  	s9 =	simm.s32 $0x64C0;
	[tilespmem:s10+$0x30] =	vst v18;
	v18 =	vsub.f32 v16, v24;
	v16 =	vcvt.f32.s32 v22;
	v14 =	vtrunc.f32 v14  }
0x10d: {  	s11 =	simm.s32 $0x80;
	s12 =	simm.s32 $0x140;
	v19 =	vsub.f32 v19, v26;
	v13 =	vtrunc.f32 v20;
	v20 =	vtrunc.f32 v23;
	[tilespmem:s9+$0x30] =	vst v21  }
.LBB2_8:
0x10e: {  	v21 =	vld [tilespmem:s12+$0x30];
	s11 =	sadd.s32 $0x80, s11;
	v20 =	vcvt.f32.s32 v20;
	v17 =	vcvt.f32.s32 v17;
	[tilespmem:s8+$0xFFFFFFF0] =	vst v18;
	v7 =	vsub.f32 v1, v7;
	v1 =	vmovc v9  }
0x10f: {  	v12 =	vcvt.f32.s32 v12;
	v15 =	vcvt.f32.s32 v15;
	v8 =	vsub.f32 v2, v8;
	v2 =	vmovc v10;
	v9 =	vld [tilespmem:s12+$0xFFFFFFD0];
	p0 =	slt.u32 s11, $0x1880;
	[tilespmem:s8+$0x0] =	vst v19  }
0x110: {  	v14 =	vcvt.f32.s32 v14;
	v13 =	vcvt.f32.s32 v13;
	v10 =	vld [tilespmem:s12+$0xFFFFFFE0];
	[tilespmem:s8+$0x10] =	vst v7  }
0x111: {  	v19 =	vcvt.s32.f32 v16;
	v7 =	vcvt.s32.f32 v20;
	v18 =	vld [tilespmem:s12+$0xFFFFFFF0];
	[tilespmem:s8+$0x20] =	vst v8;
	s8 =	smov.u32 s9  }
0x112: {  	v23 =	vcvt.s32.f32 v12;
	v22 =	vld [tilespmem:s12+$0x0];
	[tilespmem:s10+$0xFFFFFFC0] =	vst v20;
	v20 =	vcvt.s32.f32 v17  }
0x113: {  	v25 =	vcvt.s32.f32 v15;
	v8 =	vsub.f32 v11, v7;
	v24 =	vld [tilespmem:s12+$0x10];
	v21 =	vmul.f32 $1.000000000e+06, v21;
	[tilespmem:s10+$0xFFFFFFD0] =	vst v16  }
0x114: {  	v7 =	vcvt.s32.f32 v14;
	v16 =	vsub.f32 v5, v19;
	v11 =	vld [tilespmem:s12+$0x20];
	v5 =	vmul.f32 $1.000000000e+06, v9;
	[tilespmem:s10+$0xFFFFFFE0] =	vst v17  }
0x115: {  	v17 =	vld [tilespmem:s12+$0xFFFFFFC0];
	v9 =	vmul.f32 $1.000000000e+06, v10  }
0x116: {  	v10 =	vadd.f32 $-9.999999740e-06, v21;
	[tilespmem:s9+$0xFFFFFFC0] =	vst v8;
	v8 =	vcvt.s32.f32 v13;
	v19 =	vadd.f32 $-9.999999740e-06, v5  }
0x117: {  	v26 =	vmul.f32 $1.000000000e+06, v18;
	[tilespmem:s9+$0xFFFFFFD0] =	vst v16;
	v16 =	vsub.f32 v6, v20;
	v22 =	vmul.f32 $1.000000000e+06, v22  }
0x118: {  	v18 =	vadd.f32 $-9.999999740e-06, v9;
	v10 =	vtrunc.f32 v10;
	[tilespmem:s10+$0xFFFFFFF0] =	vst v12;
	v6 =	vmovc v9;
	v9 =	vmul.f32 $1.000000000e+06, v24  }
0x119: {  	v12 =	vadd.f32 $-9.999999740e-06, v26;
	v20 =	vcvt.f32.s32 v10;
	[tilespmem:s9+$0xFFFFFFE0] =	vst v16;
	v16 =	vtrunc.f32 v19  }
0x11a: {  	v19 =	vadd.f32 $-9.999999740e-06, v22;
	v10 =	vmul.f32 $1.000000000e+06, v11;
	[tilespmem:s10+$0x0] =	vst v15;
	v11 =	vmul.f32 $1.000000000e+06, v17  }
.Ltmp3:
0x11b: {  	v24 =	vadd.f32 $-9.999999740e-06, v9;
	v27 =	vcvt.s32.f32 v20;
	[tilespmem:s10+$0x10] =	vst v14;
	(pc) =	sbr.rel @p0 .LBB2_8-.Ltmp3, $4  }
0x11c: {  	v17 =	vtrunc.f32 v18;
	v12 =	vtrunc.f32 v12;
	v18 =	vadd.f32 $-9.999999740e-06, v10;
	[tilespmem:s10+$0x20] =	vst v13  }
0x11d: {  	v15 =	vtrunc.f32 v19;
	s10 =	sadd.s32 $0x80, s10;
	v28 =	vadd.f32 $-9.999999740e-06, v11;
	v19 =	vsub.f32 v21, v27  }
0x11e: {  	s9 =	sadd.s32 $0x80, s9;
	v14 =	vtrunc.f32 v24;
	v13 =	vtrunc.f32 v18;
	[tilespmem:s10+$0x30] =	vst v20;
	v18 =	vsub.f32 v3, v23;
	v3 =	vmovc v26  }
0x11f: {  	s12 =	sadd.s32 $0x80, s12;
	v16 =	vcvt.f32.s32 v16;
	v20 =	vtrunc.f32 v28;
	[tilespmem:s9+$0x30] =	vst v19;
	v19 =	vsub.f32 v4, v25;
	v4 =	vmovc v22  }
0x120: {  	[tilespmem:s8+$0xFFFFFFF0] =	vst v18  }
0x121: {  	v1 =	vsub.f32 v1, v7;
	[tilespmem:s8+$0x0] =	vst v19  }
0x122: {  	v7 =	vcvt.f32.s32 v20;
	v2 =	vsub.f32 v2, v8;
	[tilespmem:s10+$0xFFFFFFD0] =	vst v16  }
0x123: {  	v8 =	vcvt.s32.f32 v16;
	[tilespmem:s8+$0x10] =	vst v1  }
0x124: {  	v1 =	vcvt.s32.f32 v7;
	[tilespmem:s8+$0x20] =	vst v2;
	v2 =	vcvt.f32.s32 v17  }
0x125: {  	[tilespmem:s10+$0xFFFFFFC0] =	vst v7;
	v5 =	vsub.f32 v5, v8  }
0x126: {  	v1 =	vsub.f32 v11, v1;
	[tilespmem:s10+$0xFFFFFFE0] =	vst v2  }
0x127: {  	v7 =	vcvt.s32.f32 v2;
	v2 =	vcvt.f32.s32 v12;
	[tilespmem:s9+$0xFFFFFFD0] =	vst v5  }
0x128: {  	v5 =	vcvt.f32.s32 v15;
	[tilespmem:s9+$0xFFFFFFC0] =	vst v1  }
0x129: {  	v1 =	vsub.f32 v6, v7;
	[tilespmem:s10+$0xFFFFFFF0] =	vst v2  }
0x12a: {  	v6 =	vcvt.f32.s32 v14;
	v2 =	vcvt.s32.f32 v2;
	[tilespmem:s10+$0x0] =	vst v5  }
0x12b: {  	v7 =	vcvt.s32.f32 v5;
	[tilespmem:s9+$0xFFFFFFE0] =	vst v1;
	v1 =	vcvt.f32.s32 v13  }
0x12c: {  	v5 =	vcvt.s32.f32 v6;
	[tilespmem:s10+$0x10] =	vst v6;
	v2 =	vsub.f32 v3, v2  }
0x12d: {  	v3 =	vcvt.s32.f32 v1;
	[tilespmem:s10+$0x20] =	vst v1;
	v1 =	vsub.f32 v4, v7  }
0x12e: {  	[tilespmem:s9+$0xFFFFFFF0] =	vst v2;
	v2 =	vsub.f32 v9, v5  }
0x12f: {  	[tilespmem:s9+$0x0] =	vst v1;
	v1 =	vsub.f32 v10, v3  }
0x130: {  	[tilespmem:s9+$0x10] =	vst v2  }
0x131: {  	[tilespmem:s9+$0x20] =	vst v1  }
0x132: {  	_ =	swait.ge [sflag:s22], $0x1900  }
0x133: {  	[sflag:s22] =	ssyncset.done $0x0  }
0x134: {  	[sflag:s22] =	ssyncadd.s32 $0xFFFFE700  }
0x135: {  	[tilespmem:s28], [sflag:$0x3] =	stream.indirect.gather [hbm4b:s3+s25], $0x1, s26, s25, $0xb8;
	[tilespmem:$0xFA80] =	vst v63  }
0x136: {  	s12 =	simm.s32 $0xAF40;
	s11 =	rddreg [dreg:$0x8]  }
0x137: {  	[tilespmem:s25], [sflag:$0x2] =	stream.linear.gather [hbm4b:s11+s2], $0x1900, $0x38;
	[tilespmem:$0xFA80] =	vst v63  }
0x138: {  	s8 =	simm.s32 $0x7D40;
	v2 =	vld [tilespmem:s12+$0x30]  }
0x139: {  	v1 =	vld [tilespmem:s8+$0x30]  }
0x13a: {  	v3 =	vld [tilespmem:s12+$0xFFFFFFD0]  }
0x13b: {  	v4 =	vld [tilespmem:s12+$0xFFFFFFE0]  }
0x13c: {  	v5 =	vld [tilespmem:s12+$0xFFFFFFF0]  }
0x13d: {  	v8 =	vld [tilespmem:s12+$0x0]  }
0x13e: {  	v15 =	vld [tilespmem:s12+$0xFFFFFFC0]  }
0x13f: {  	v18 =	vld [tilespmem:s8+$0xFFFFFFC0]  }
0x140: {  	v21 =	vld [tilespmem:s8+$0xFFFFFFD0];
	v6 =	vshll.u32 v2, $0x10  }
0x141: {  	v11 =	vld [tilespmem:s12+$0x20];
	v20 =	vshll.u32 v3, $0x10;
	v6 =	vmul.f32 v6, v1  }
0x142: {  	v10 =	vld [tilespmem:s12+$0x10];
	v2 =	vand.u32 $0xFFFF0000, v2;
	v7 =	vshll.u32 v4, $0x10;
	v9 =	vshll.u32 v5, $0x10  }
0x143: {  	v12 =	vld [tilespmem:s8+$0xFFFFFFE0];
	v19 =	vshll.u32 v15, $0x10;
	v1 =	vand.u32 $0xFFFF0000, v3;
	v2 =	vadd.f32 v2, v6  }
0x144: {  	v13 =	vld [tilespmem:s8+$0xFFFFFFF0];
	v3 =	vand.u32 $0xFFFF0000, v4;
	v4 =	vand.u32 $0xFFFF0000, v8;
	v19 =	vmul.f32 v19, v18  }
0x145: {  	v14 =	vld [tilespmem:s8+$0x0];
	v8 =	vshll.u32 v8, $0x10;
	v18 =	vmul.f32 v20, v21;
	v17 =	vmul.f32 v2, v0  }
0x146: {  	s9 =	simm.s32 $0xE140;
	v16 =	vld [tilespmem:s8+$0x10];
	v6 =	vand.u32 $0xFFFF0000, v5;
	v5 =	vand.u32 $0xFFFF0000, v11;
	v11 =	vshll.u32 v11, $0x10  }
0x147: {  	s10 =	simm.s32 $0xE140;
	s11 =	simm.s32 $0x0;
	s12 =	simm.s32 $0xAFC0;
	v2 =	vand.u32 $0xFFFF0000, v10;
	v10 =	vshll.u32 v10, $0x10;
	[tilespmem:s9+$0x30] =	vst v17;
	v17 =	vand.u32 $0xFFFF0000, v15;
	v15 =	vld [tilespmem:s8+$0x20]  }
.LBB2_10:
0x148: {  	v20 =	vld [tilespmem:s12+$0x30];
	s11 =	sadd.s32 $0x80, s11;
	v17 =	vadd.f32 v17, v19;
	v7 =	vmul.f32 v7, v12;
	s8 =	sadd.s32 $0x80, s8  }
0x149: {  	v12 =	vld [tilespmem:s8+$0x30];
	p0 =	slt.u32 s11, $0x1880;
	v1 =	vadd.f32 v1, v18;
	v9 =	vmul.f32 v9, v13  }
0x14a: {  	v13 =	vld [tilespmem:s12+$0xFFFFFFD0];
	v17 =	vmul.f32 v17, v0;
	v3 =	vadd.f32 v3, v7;
	v7 =	vmul.f32 v8, v14  }
0x14b: {  	v8 =	vld [tilespmem:s12+$0xFFFFFFE0];
	v1 =	vmul.f32 v1, v0;
	v6 =	vadd.f32 v6, v9;
	v9 =	vmul.f32 v10, v16  }
0x14c: {  	v10 =	vld [tilespmem:s12+$0xFFFFFFF0];
	[tilespmem:s9+$0xFFFFFFC0] =	vst v17;
	v3 =	vmul.f32 v3, v0;
	v4 =	vadd.f32 v4, v7;
	v7 =	vmul.f32 v11, v15  }
0x14d: {  	v11 =	vld [tilespmem:s12+$0x0];
	v14 =	vshll.u32 v20, $0x10;
	[tilespmem:s9+$0xFFFFFFD0] =	vst v1;
	v6 =	vmul.f32 v6, v0;
	v2 =	vadd.f32 v2, v9  }
0x14e: {  	v15 =	vld [tilespmem:s12+$0x10];
	v9 =	vmul.f32 v14, v12;
	[tilespmem:s9+$0xFFFFFFE0] =	vst v3;
	v4 =	vmul.f32 v4, v0;
	v5 =	vadd.f32 v5, v7  }
0x14f: {  	v12 =	vand.u32 $0xFFFF0000, v20;
	v1 =	vand.u32 $0xFFFF0000, v13;
	v18 =	vshll.u32 v13, $0x10;
	v14 =	vld [tilespmem:s12+$0x20];
	[tilespmem:s9+$0xFFFFFFF0] =	vst v6  }
0x150: {  	v16 =	vld [tilespmem:s12+$0xFFFFFFC0];
	v3 =	vand.u32 $0xFFFF0000, v8;
	v7 =	vshll.u32 v8, $0x10;
	v12 =	vadd.f32 v12, v9;
	[tilespmem:s9+$0x0] =	vst v4  }
0x151: {  	v13 =	vmul.f32 v2, v0;
	v19 =	vld [tilespmem:s8+$0xFFFFFFC0];
	v6 =	vand.u32 $0xFFFF0000, v10;
	v9 =	vshll.u32 v10, $0x10  }
0x152: {  	v20 =	vld [tilespmem:s8+$0xFFFFFFD0];
	v4 =	vand.u32 $0xFFFF0000, v11;
	v8 =	vshll.u32 v11, $0x10;
	v17 =	vmul.f32 v12, v0  }
.Ltmp4:
0x153: {  	s9 =	sadd.s32 $0x80, s9;
	v12 =	vld [tilespmem:s8+$0xFFFFFFE0];
	v2 =	vand.u32 $0xFFFF0000, v15;
	v10 =	vshll.u32 v15, $0x10;
	[tilespmem:s10+$0x10] =	vst v13;
	v15 =	vmul.f32 v5, v0;
	(pc) =	sbr.rel @p0 .LBB2_10-.Ltmp4, $4  }
0x154: {  	v13 =	vld [tilespmem:s8+$0xFFFFFFF0];
	v5 =	vand.u32 $0xFFFF0000, v14;
	v11 =	vshll.u32 v14, $0x10;
	[tilespmem:s9+$0x30] =	vst v17  }
0x155: {  	v17 =	vand.u32 $0xFFFF0000, v16;
	v16 =	vshll.u32 v16, $0x10;
	v14 =	vld [tilespmem:s8+$0x0];
	[tilespmem:s10+$0x20] =	vst v15;
	s10 =	smov.u32 s9  }
0x156: {  	v19 =	vmul.f32 v16, v19;
	v16 =	vld [tilespmem:s8+$0x10]  }
0x157: {  	s12 =	sadd.s32 $0x80, s12;
	v18 =	vmul.f32 v18, v20;
	v15 =	vld [tilespmem:s8+$0x20]  }
0x158: {  	v17 =	vadd.f32 v17, v19;
	v7 =	vmul.f32 v7, v12  }
0x159: {  	v1 =	vadd.f32 v1, v18;
	v9 =	vmul.f32 v9, v13  }
0x15a: {  	v12 =	vmul.f32 v17, v0;
	v3 =	vadd.f32 v3, v7;
	v7 =	vmul.f32 v8, v14  }
0x15b: {  	v1 =	vmul.f32 v1, v0;
	v6 =	vadd.f32 v6, v9;
	v8 =	vmul.f32 v10, v16  }
0x15c: {  	[tilespmem:s9+$0xFFFFFFC0] =	vst v12;
	v3 =	vmul.f32 v3, v0;
	v4 =	vadd.f32 v4, v7;
	v7 =	vmul.f32 v11, v15  }
0x15d: {  	[tilespmem:s9+$0xFFFFFFD0] =	vst v1;
	v1 =	vmul.f32 v6, v0;
	v2 =	vadd.f32 v2, v8  }
0x15e: {  	[tilespmem:s9+$0xFFFFFFE0] =	vst v3;
	v3 =	vmul.f32 v4, v0;
	v4 =	vadd.f32 v5, v7  }
0x15f: {  	[tilespmem:s9+$0xFFFFFFF0] =	vst v1;
	v1 =	vmul.f32 v2, v0  }
0x160: {  	[tilespmem:s9+$0x0] =	vst v3;
	v2 =	vmul.f32 v4, v0  }
0x161: {  	[tilespmem:s10+$0x10] =	vst v1  }
0x162: {  	[tilespmem:s10+$0x20] =	vst v2  }
0x163: {  	s8 =	rddreg [dreg:$0x9]  }
0x164: {  	[hbm4b:s8+s2] =	stream.linear.scatter [tilespmem:s4], [sflag:$0x6], $0x1900, $0x38;
	[tilespmem:$0xFA80] =	vst v63  }
0x165: {  	_ =	swait.ge [sflag:s29], $0x1900  }
0x166: {  	[sflag:s29] =	ssyncset.done $0x0  }
0x167: {  	s10 =	simm.s32 $0x1940;
	[sflag:s29] =	ssyncadd.s32 $0xFFFFE700  }
0x168: {  	v1 =	vld [tilespmem:s10+$0x30]  }
0x169: {  	v2 =	vld [tilespmem:s10+$0xFFFFFFD0]  }
0x16a: {  	v3 =	vld [tilespmem:s10+$0xFFFFFFE0]  }
0x16b: {  	v4 =	vld [tilespmem:s10+$0xFFFFFFF0]  }
0x16c: {  	v5 =	vld [tilespmem:s10+$0x0]  }
0x16d: {  	s11 =	simm.s32 $0x19C0;
	v10 =	vld [tilespmem:s10+$0xFFFFFFC0]  }
0x16e: {  	v17 =	vld [tilespmem:s11+$0x30];
	_ =	sdelay $0x1  }
0x16f: {  	v6 =	vld [tilespmem:s10+$0x10];
	v7 =	vmul.f32 $1.000000000e+06, v1  }
0x170: {  	v8 =	vld [tilespmem:s10+$0x20];
	v9 =	vmul.f32 $1.000000000e+06, v2;
	v11 =	vmul.f32 $1.000000000e+06, v3  }
0x171: {  	v16 =	vmul.f32 $1.000000000e+06, v4;
	v19 =	vmul.f32 $1.000000000e+06, v5;
	v1 =	vadd.f32 $-9.999999740e-06, v7  }
0x172: {  	v10 =	vmul.f32 $1.000000000e+06, v10;
	v25 =	vmul.f32 $1.000000000e+06, v17;
	v2 =	vadd.f32 $-9.999999740e-06, v9  }
0x173: {  	v4 =	vadd.f32 $-9.999999740e-06, v11;
	v5 =	vadd.f32 $-9.999999740e-06, v16;
	v3 =	vtrunc.f32 v1  }
0x174: {  	v15 =	vadd.f32 $-9.999999740e-06, v10;
	v1 =	vmul.f32 $1.000000000e+06, v6;
	v6 =	vtrunc.f32 v2  }
0x175: {  	v2 =	vmul.f32 $1.000000000e+06, v8;
	v4 =	vtrunc.f32 v4  }
0x176: {  	v5 =	vtrunc.f32 v5;
	v15 =	vtrunc.f32 v15  }
0x177: {  	v22 =	vld [tilespmem:s11+$0x0];
	v8 =	vadd.f32 $-9.999999740e-06, v19;
	v3 =	vcvt.f32.s32 v3;
	v6 =	vcvt.f32.s32 v6  }
0x178: {  	v15 =	vcvt.f32.s32 v15;
	v4 =	vcvt.f32.s32 v4  }
0x179: {  	v20 =	vcvt.f32.s32 v5;
	v8 =	vtrunc.f32 v8  }
0x17a: {  	v14 =	vadd.f32 $-9.999999740e-06, v2;
	v13 =	vcvt.s32.f32 v3;
	v21 =	vcvt.f32.s32 v8  }
0x17b: {  	s12 =	simm.s32 $0x4B40;
	v18 =	vld [tilespmem:s11+$0xFFFFFFD0];
	v12 =	vadd.f32 $-9.999999740e-06, v1;
	v23 =	vcvt.s32.f32 v4;
	v24 =	vcvt.s32.f32 v20  }
0x17c: {  	v8 =	vld [tilespmem:s11+$0xFFFFFFE0];
	[tilespmem:s12+$0xFFFFFFE0] =	vst v4;
	v4 =	vmul.f32 $1.000000000e+06, v22;
	v14 =	vtrunc.f32 v14  }
0x17d: {  	[tilespmem:s12+$0x30] =	vst v3;
	v3 =	vld [tilespmem:s11+$0xFFFFFFF0];
	v12 =	vtrunc.f32 v12;
	v5 =	vsub.f32 v7, v13;
	v13 =	vcvt.f32.s32 v14  }
0x17e: {  	v7 =	vcvt.s32.f32 v15;
	v14 =	vcvt.s32.f32 v6  }
0x17f: {  	s8 =	simm.s32 $0x7D40;
	[tilespmem:s12+$0xFFFFFFC0] =	vst v15;
	v12 =	vcvt.f32.s32 v12;
	v15 =	vld [tilespmem:s11+$0x10];
	v26 =	vcvt.s32.f32 v21  }
0x180: {  	v17 =	vld [tilespmem:s11+$0x20];
	[tilespmem:s8+$0x30] =	vst v5;
	v10 =	vsub.f32 v10, v7;
	v5 =	vmul.f32 $1.000000000e+06, v18;
	v9 =	vsub.f32 v9, v14  }
0x181: {  	[tilespmem:s12+$0xFFFFFFD0] =	vst v6;
	v7 =	vcvt.s32.f32 v12;
	v14 =	vld [tilespmem:s11+$0xFFFFFFC0];
	v18 =	vadd.f32 $-9.999999740e-06, v25;
	v6 =	vmul.f32 $1.000000000e+06, v8  }
0x182: {  	[tilespmem:s12+$0xFFFFFFF0] =	vst v20;
	v11 =	vsub.f32 v11, v23;
	v8 =	vcvt.s32.f32 v13;
	v3 =	vmul.f32 $1.000000000e+06, v3  }
0x183: {  	[tilespmem:s8+$0xFFFFFFC0] =	vst v10;
	v10 =	vadd.f32 $-9.999999740e-06, v5;
	v18 =	vtrunc.f32 v18;
	v23 =	vadd.f32 $-9.999999740e-06, v6  }
0x184: {  	[tilespmem:s8+$0xFFFFFFD0] =	vst v9;
	v20 =	vadd.f32 $-9.999999740e-06, v3;
	v9 =	vmul.f32 $1.000000000e+06, v15;
	v18 =	vcvt.f32.s32 v18  }
0x185: {  	[tilespmem:s12+$0x0] =	vst v21;
	v15 =	vadd.f32 $-9.999999740e-06, v4;
	v22 =	vtrunc.f32 v10;
	v10 =	vmul.f32 $1.000000000e+06, v17  }
0x186: {  	[tilespmem:s8+$0xFFFFFFE0] =	vst v11;
	v11 =	vmul.f32 $1.000000000e+06, v14;
	v14 =	vadd.f32 $-9.999999740e-06, v9;
	v21 =	vcvt.s32.f32 v18  }
0x187: {  	[tilespmem:s12+$0x10] =	vst v12;
	v17 =	vtrunc.f32 v23;
	v12 =	vtrunc.f32 v20;
	v20 =	vadd.f32 $-9.999999740e-06, v10  }
0x188: {  	s10 =	simm.s32 $0x4BC0;
	[tilespmem:s12+$0x20] =	vst v13;
	v15 =	vtrunc.f32 v15;
	v23 =	vadd.f32 $-9.999999740e-06, v11;
	v21 =	vsub.f32 v25, v21  }
0x189: {  	s9 =	simm.s32 $0x7DC0;
	[tilespmem:s10+$0x30] =	vst v18;
	v18 =	vsub.f32 v16, v24;
	v16 =	vcvt.f32.s32 v22;
	v14 =	vtrunc.f32 v14  }
0x18a: {  	s11 =	simm.s32 $0x80;
	s12 =	simm.s32 $0x1A40;
	v19 =	vsub.f32 v19, v26;
	v13 =	vtrunc.f32 v20;
	v20 =	vtrunc.f32 v23;
	[tilespmem:s9+$0x30] =	vst v21  }
.LBB2_12:
0x18b: {  	v21 =	vld [tilespmem:s12+$0x30];
	s11 =	sadd.s32 $0x80, s11;
	v20 =	vcvt.f32.s32 v20;
	v17 =	vcvt.f32.s32 v17;
	[tilespmem:s8+$0xFFFFFFF0] =	vst v18;
	v7 =	vsub.f32 v1, v7;
	v1 =	vmovc v9  }
0x18c: {  	v12 =	vcvt.f32.s32 v12;
	v15 =	vcvt.f32.s32 v15;
	v8 =	vsub.f32 v2, v8;
	v2 =	vmovc v10;
	v9 =	vld [tilespmem:s12+$0xFFFFFFD0];
	p0 =	slt.u32 s11, $0x1880;
	[tilespmem:s8+$0x0] =	vst v19  }
0x18d: {  	v14 =	vcvt.f32.s32 v14;
	v13 =	vcvt.f32.s32 v13;
	v10 =	vld [tilespmem:s12+$0xFFFFFFE0];
	[tilespmem:s8+$0x10] =	vst v7  }
0x18e: {  	v19 =	vcvt.s32.f32 v16;
	v7 =	vcvt.s32.f32 v20;
	v18 =	vld [tilespmem:s12+$0xFFFFFFF0];
	[tilespmem:s8+$0x20] =	vst v8;
	s8 =	smov.u32 s9  }
0x18f: {  	v23 =	vcvt.s32.f32 v12;
	v22 =	vld [tilespmem:s12+$0x0];
	[tilespmem:s10+$0xFFFFFFC0] =	vst v20;
	v20 =	vcvt.s32.f32 v17  }
0x190: {  	v25 =	vcvt.s32.f32 v15;
	v8 =	vsub.f32 v11, v7;
	v24 =	vld [tilespmem:s12+$0x10];
	v21 =	vmul.f32 $1.000000000e+06, v21;
	[tilespmem:s10+$0xFFFFFFD0] =	vst v16  }
0x191: {  	v7 =	vcvt.s32.f32 v14;
	v16 =	vsub.f32 v5, v19;
	v11 =	vld [tilespmem:s12+$0x20];
	v5 =	vmul.f32 $1.000000000e+06, v9;
	[tilespmem:s10+$0xFFFFFFE0] =	vst v17  }
0x192: {  	v17 =	vld [tilespmem:s12+$0xFFFFFFC0];
	v9 =	vmul.f32 $1.000000000e+06, v10  }
0x193: {  	v10 =	vadd.f32 $-9.999999740e-06, v21;
	[tilespmem:s9+$0xFFFFFFC0] =	vst v8;
	v8 =	vcvt.s32.f32 v13;
	v19 =	vadd.f32 $-9.999999740e-06, v5  }
0x194: {  	v26 =	vmul.f32 $1.000000000e+06, v18;
	[tilespmem:s9+$0xFFFFFFD0] =	vst v16;
	v16 =	vsub.f32 v6, v20;
	v22 =	vmul.f32 $1.000000000e+06, v22  }
0x195: {  	v18 =	vadd.f32 $-9.999999740e-06, v9;
	v10 =	vtrunc.f32 v10;
	[tilespmem:s10+$0xFFFFFFF0] =	vst v12;
	v6 =	vmovc v9;
	v9 =	vmul.f32 $1.000000000e+06, v24  }
0x196: {  	v12 =	vadd.f32 $-9.999999740e-06, v26;
	v20 =	vcvt.f32.s32 v10;
	[tilespmem:s9+$0xFFFFFFE0] =	vst v16;
	v16 =	vtrunc.f32 v19  }
0x197: {  	v19 =	vadd.f32 $-9.999999740e-06, v22;
	v10 =	vmul.f32 $1.000000000e+06, v11;
	[tilespmem:s10+$0x0] =	vst v15;
	v11 =	vmul.f32 $1.000000000e+06, v17  }
.Ltmp5:
0x198: {  	v24 =	vadd.f32 $-9.999999740e-06, v9;
	v27 =	vcvt.s32.f32 v20;
	[tilespmem:s10+$0x10] =	vst v14;
	(pc) =	sbr.rel @p0 .LBB2_12-.Ltmp5, $4  }
0x199: {  	v17 =	vtrunc.f32 v18;
	v12 =	vtrunc.f32 v12;
	v18 =	vadd.f32 $-9.999999740e-06, v10;
	[tilespmem:s10+$0x20] =	vst v13  }
0x19a: {  	v15 =	vtrunc.f32 v19;
	s10 =	sadd.s32 $0x80, s10;
	v28 =	vadd.f32 $-9.999999740e-06, v11;
	v19 =	vsub.f32 v21, v27  }
0x19b: {  	s9 =	sadd.s32 $0x80, s9;
	v14 =	vtrunc.f32 v24;
	v13 =	vtrunc.f32 v18;
	[tilespmem:s10+$0x30] =	vst v20;
	v18 =	vsub.f32 v3, v23;
	v3 =	vmovc v26  }
0x19c: {  	s12 =	sadd.s32 $0x80, s12;
	v16 =	vcvt.f32.s32 v16;
	v20 =	vtrunc.f32 v28;
	[tilespmem:s9+$0x30] =	vst v19;
	v19 =	vsub.f32 v4, v25;
	v4 =	vmovc v22  }
0x19d: {  	[tilespmem:s8+$0xFFFFFFF0] =	vst v18  }
0x19e: {  	v1 =	vsub.f32 v1, v7;
	[tilespmem:s8+$0x0] =	vst v19  }
0x19f: {  	v7 =	vcvt.f32.s32 v20;
	v2 =	vsub.f32 v2, v8;
	[tilespmem:s10+$0xFFFFFFD0] =	vst v16  }
0x1a0: {  	v8 =	vcvt.s32.f32 v16;
	[tilespmem:s8+$0x10] =	vst v1  }
0x1a1: {  	v1 =	vcvt.s32.f32 v7;
	[tilespmem:s8+$0x20] =	vst v2;
	v2 =	vcvt.f32.s32 v17  }
0x1a2: {  	[tilespmem:s10+$0xFFFFFFC0] =	vst v7;
	v5 =	vsub.f32 v5, v8  }
0x1a3: {  	v1 =	vsub.f32 v11, v1;
	[tilespmem:s10+$0xFFFFFFE0] =	vst v2  }
0x1a4: {  	v7 =	vcvt.s32.f32 v2;
	v2 =	vcvt.f32.s32 v12;
	[tilespmem:s9+$0xFFFFFFD0] =	vst v5  }
0x1a5: {  	v5 =	vcvt.f32.s32 v15;
	[tilespmem:s9+$0xFFFFFFC0] =	vst v1  }
0x1a6: {  	v1 =	vsub.f32 v6, v7;
	[tilespmem:s10+$0xFFFFFFF0] =	vst v2  }
0x1a7: {  	v6 =	vcvt.f32.s32 v14;
	v2 =	vcvt.s32.f32 v2;
	[tilespmem:s10+$0x0] =	vst v5  }
0x1a8: {  	v7 =	vcvt.s32.f32 v5;
	[tilespmem:s9+$0xFFFFFFE0] =	vst v1;
	v1 =	vcvt.f32.s32 v13  }
0x1a9: {  	v5 =	vcvt.s32.f32 v6;
	[tilespmem:s10+$0x10] =	vst v6;
	v2 =	vsub.f32 v3, v2  }
0x1aa: {  	v3 =	vcvt.s32.f32 v1;
	[tilespmem:s10+$0x20] =	vst v1;
	v1 =	vsub.f32 v4, v7  }
0x1ab: {  	[tilespmem:s9+$0xFFFFFFF0] =	vst v2;
	v2 =	vsub.f32 v9, v5  }
0x1ac: {  	[tilespmem:s9+$0x0] =	vst v1;
	v1 =	vsub.f32 v10, v3  }
0x1ad: {  	[tilespmem:s9+$0x10] =	vst v2  }
0x1ae: {  	[tilespmem:s9+$0x20] =	vst v1  }
0x1af: {  	_ =	swait.ge [sflag:s30], $0x1900  }
0x1b0: {  	[sflag:s30] =	ssyncset.done $0x0  }
0x1b1: {  	[sflag:s30] =	ssyncadd.s32 $0xFFFFE700  }
0x1b2: {  	[tilespmem:s1], [sflag:$0x4] =	stream.indirect.gather [hbm4b:s3+s25], $0x1, s31, s25, $0xb8;
	[tilespmem:$0xFA80] =	vst v63  }
0x1b3: {  	s11 =	rddreg [dreg:$0xa]  }
0x1b4: {  	[tilespmem:s2], [sflag:$0x1] =	stream.linear.gather [hbm4b:s11+s2], $0x1900, $0x38;
	[tilespmem:$0xFA80] =	vst v63  }
0x1b5: {  	_ =	swait.ge [sflag:s5], $0x1900  }
0x1b6: {  	[sflag:s5] =	ssyncset.done $0x0  }
0x1b7: {  	s12 =	simm.s32 $0x9640;
	[sflag:s5] =	ssyncadd.s32 $0xFFFFE700  }
0x1b8: {  	s8 =	simm.s32 $0x6440;
	v2 =	vld [tilespmem:s12+$0x30]  }
0x1b9: {  	v1 =	vld [tilespmem:s8+$0x30]  }
0x1ba: {  	v3 =	vld [tilespmem:s12+$0xFFFFFFD0]  }
0x1bb: {  	v4 =	vld [tilespmem:s12+$0xFFFFFFE0]  }
0x1bc: {  	v5 =	vld [tilespmem:s12+$0xFFFFFFF0]  }
0x1bd: {  	v8 =	vld [tilespmem:s12+$0x0]  }
0x1be: {  	v15 =	vld [tilespmem:s12+$0xFFFFFFC0]  }
0x1bf: {  	v18 =	vld [tilespmem:s8+$0xFFFFFFC0]  }
0x1c0: {  	v21 =	vld [tilespmem:s8+$0xFFFFFFD0];
	v6 =	vshll.u32 v2, $0x10  }
0x1c1: {  	v11 =	vld [tilespmem:s12+$0x20];
	v20 =	vshll.u32 v3, $0x10;
	v6 =	vmul.f32 v6, v1  }
0x1c2: {  	v10 =	vld [tilespmem:s12+$0x10];
	v2 =	vand.u32 $0xFFFF0000, v2;
	v7 =	vshll.u32 v4, $0x10;
	v9 =	vshll.u32 v5, $0x10  }
0x1c3: {  	v12 =	vld [tilespmem:s8+$0xFFFFFFE0];
	v19 =	vshll.u32 v15, $0x10;
	v1 =	vand.u32 $0xFFFF0000, v3;
	v2 =	vadd.f32 v2, v6  }
0x1c4: {  	v13 =	vld [tilespmem:s8+$0xFFFFFFF0];
	v3 =	vand.u32 $0xFFFF0000, v4;
	v4 =	vand.u32 $0xFFFF0000, v8;
	v19 =	vmul.f32 v19, v18  }
0x1c5: {  	v14 =	vld [tilespmem:s8+$0x0];
	v8 =	vshll.u32 v8, $0x10;
	v18 =	vmul.f32 v20, v21;
	v17 =	vmul.f32 v2, v0  }
0x1c6: {  	s9 =	simm.s32 $0xC840;
	v16 =	vld [tilespmem:s8+$0x10];
	v6 =	vand.u32 $0xFFFF0000, v5;
	v5 =	vand.u32 $0xFFFF0000, v11;
	v11 =	vshll.u32 v11, $0x10  }
0x1c7: {  	s10 =	simm.s32 $0xC840;
	s11 =	simm.s32 $0x0;
	s12 =	simm.s32 $0x96C0;
	v2 =	vand.u32 $0xFFFF0000, v10;
	v10 =	vshll.u32 v10, $0x10;
	[tilespmem:s9+$0x30] =	vst v17;
	v17 =	vand.u32 $0xFFFF0000, v15;
	v15 =	vld [tilespmem:s8+$0x20]  }
.LBB2_14:
0x1c8: {  	v20 =	vld [tilespmem:s12+$0x30];
	s11 =	sadd.s32 $0x80, s11;
	v17 =	vadd.f32 v17, v19;
	v7 =	vmul.f32 v7, v12;
	s8 =	sadd.s32 $0x80, s8  }
0x1c9: {  	v12 =	vld [tilespmem:s8+$0x30];
	p0 =	slt.u32 s11, $0x1880;
	v1 =	vadd.f32 v1, v18;
	v9 =	vmul.f32 v9, v13  }
0x1ca: {  	v13 =	vld [tilespmem:s12+$0xFFFFFFD0];
	v17 =	vmul.f32 v17, v0;
	v3 =	vadd.f32 v3, v7;
	v7 =	vmul.f32 v8, v14  }
0x1cb: {  	v8 =	vld [tilespmem:s12+$0xFFFFFFE0];
	v1 =	vmul.f32 v1, v0;
	v6 =	vadd.f32 v6, v9;
	v9 =	vmul.f32 v10, v16  }
0x1cc: {  	v10 =	vld [tilespmem:s12+$0xFFFFFFF0];
	[tilespmem:s9+$0xFFFFFFC0] =	vst v17;
	v3 =	vmul.f32 v3, v0;
	v4 =	vadd.f32 v4, v7;
	v7 =	vmul.f32 v11, v15  }
0x1cd: {  	v11 =	vld [tilespmem:s12+$0x0];
	v14 =	vshll.u32 v20, $0x10;
	[tilespmem:s9+$0xFFFFFFD0] =	vst v1;
	v6 =	vmul.f32 v6, v0;
	v2 =	vadd.f32 v2, v9  }
0x1ce: {  	v15 =	vld [tilespmem:s12+$0x10];
	v9 =	vmul.f32 v14, v12;
	[tilespmem:s9+$0xFFFFFFE0] =	vst v3;
	v4 =	vmul.f32 v4, v0;
	v5 =	vadd.f32 v5, v7  }
0x1cf: {  	v12 =	vand.u32 $0xFFFF0000, v20;
	v1 =	vand.u32 $0xFFFF0000, v13;
	v18 =	vshll.u32 v13, $0x10;
	v14 =	vld [tilespmem:s12+$0x20];
	[tilespmem:s9+$0xFFFFFFF0] =	vst v6  }
0x1d0: {  	v16 =	vld [tilespmem:s12+$0xFFFFFFC0];
	v3 =	vand.u32 $0xFFFF0000, v8;
	v7 =	vshll.u32 v8, $0x10;
	v12 =	vadd.f32 v12, v9;
	[tilespmem:s9+$0x0] =	vst v4  }
0x1d1: {  	v13 =	vmul.f32 v2, v0;
	v19 =	vld [tilespmem:s8+$0xFFFFFFC0];
	v6 =	vand.u32 $0xFFFF0000, v10;
	v9 =	vshll.u32 v10, $0x10  }
0x1d2: {  	v20 =	vld [tilespmem:s8+$0xFFFFFFD0];
	v4 =	vand.u32 $0xFFFF0000, v11;
	v8 =	vshll.u32 v11, $0x10;
	v17 =	vmul.f32 v12, v0  }
.Ltmp6:
0x1d3: {  	s9 =	sadd.s32 $0x80, s9;
	v12 =	vld [tilespmem:s8+$0xFFFFFFE0];
	v2 =	vand.u32 $0xFFFF0000, v15;
	v10 =	vshll.u32 v15, $0x10;
	[tilespmem:s10+$0x10] =	vst v13;
	v15 =	vmul.f32 v5, v0;
	(pc) =	sbr.rel @p0 .LBB2_14-.Ltmp6, $4  }
0x1d4: {  	v13 =	vld [tilespmem:s8+$0xFFFFFFF0];
	v5 =	vand.u32 $0xFFFF0000, v14;
	v11 =	vshll.u32 v14, $0x10;
	[tilespmem:s9+$0x30] =	vst v17  }
0x1d5: {  	v17 =	vand.u32 $0xFFFF0000, v16;
	v16 =	vshll.u32 v16, $0x10;
	v14 =	vld [tilespmem:s8+$0x0];
	[tilespmem:s10+$0x20] =	vst v15;
	s10 =	smov.u32 s9  }
0x1d6: {  	v19 =	vmul.f32 v16, v19;
	v16 =	vld [tilespmem:s8+$0x10]  }
0x1d7: {  	s12 =	sadd.s32 $0x80, s12;
	v18 =	vmul.f32 v18, v20;
	v15 =	vld [tilespmem:s8+$0x20]  }
0x1d8: {  	v17 =	vadd.f32 v17, v19;
	v7 =	vmul.f32 v7, v12  }
0x1d9: {  	v1 =	vadd.f32 v1, v18;
	v9 =	vmul.f32 v9, v13  }
0x1da: {  	v12 =	vmul.f32 v17, v0;
	v3 =	vadd.f32 v3, v7;
	v7 =	vmul.f32 v8, v14  }
0x1db: {  	v1 =	vmul.f32 v1, v0;
	v6 =	vadd.f32 v6, v9;
	v8 =	vmul.f32 v10, v16  }
0x1dc: {  	[tilespmem:s9+$0xFFFFFFC0] =	vst v12;
	v3 =	vmul.f32 v3, v0;
	v4 =	vadd.f32 v4, v7;
	v7 =	vmul.f32 v11, v15  }
0x1dd: {  	[tilespmem:s9+$0xFFFFFFD0] =	vst v1;
	v1 =	vmul.f32 v6, v0;
	v2 =	vadd.f32 v2, v8  }
0x1de: {  	[tilespmem:s9+$0xFFFFFFE0] =	vst v3;
	v3 =	vmul.f32 v4, v0;
	v4 =	vadd.f32 v5, v7  }
0x1df: {  	[tilespmem:s9+$0xFFFFFFF0] =	vst v1;
	v1 =	vmul.f32 v2, v0  }
0x1e0: {  	[tilespmem:s9+$0x0] =	vst v3;
	v2 =	vmul.f32 v4, v0  }
0x1e1: {  	[tilespmem:s10+$0x10] =	vst v1  }
0x1e2: {  	[tilespmem:s10+$0x20] =	vst v2  }
0x1e3: {  	s8 =	rddreg [dreg:$0xb]  }
0x1e4: {  	[hbm4b:s8+s2] =	stream.linear.scatter [tilespmem:s0], [sflag:$0x5], $0x1900, $0x38;
	[tilespmem:$0xFA80] =	vst v63  }
0x1e5: {  	_ =	swait.ge [sflag:s24], $0x1900  }
0x1e6: {  	[sflag:s24] =	ssyncset.done $0x0  }
0x1e7: {  	s10 =	simm.s32 $0x40;
	[sflag:s24] =	ssyncadd.s32 $0xFFFFE700  }
0x1e8: {  	v1 =	vld [tilespmem:s10+$0x30]  }
0x1e9: {  	v2 =	vld [tilespmem:s10+$0xFFFFFFD0]  }
0x1ea: {  	v3 =	vld [tilespmem:s10+$0xFFFFFFE0]  }
0x1eb: {  	v4 =	vld [tilespmem:s10+$0xFFFFFFF0]  }
0x1ec: {  	v5 =	vld [tilespmem:s10+$0x0]  }
0x1ed: {  	s11 =	simm.s32 $0xC0;
	v10 =	vld [tilespmem:s10+$0xFFFFFFC0]  }
0x1ee: {  	v17 =	vld [tilespmem:s11+$0x30];
	_ =	sdelay $0x1  }
0x1ef: {  	v6 =	vld [tilespmem:s10+$0x10];
	v7 =	vmul.f32 $1.000000000e+06, v1  }
0x1f0: {  	v8 =	vld [tilespmem:s10+$0x20];
	v9 =	vmul.f32 $1.000000000e+06, v2;
	v11 =	vmul.f32 $1.000000000e+06, v3  }
0x1f1: {  	v16 =	vmul.f32 $1.000000000e+06, v4;
	v19 =	vmul.f32 $1.000000000e+06, v5;
	v1 =	vadd.f32 $-9.999999740e-06, v7  }
0x1f2: {  	v10 =	vmul.f32 $1.000000000e+06, v10;
	v25 =	vmul.f32 $1.000000000e+06, v17;
	v2 =	vadd.f32 $-9.999999740e-06, v9  }
0x1f3: {  	v4 =	vadd.f32 $-9.999999740e-06, v11;
	v5 =	vadd.f32 $-9.999999740e-06, v16;
	v3 =	vtrunc.f32 v1  }
0x1f4: {  	v15 =	vadd.f32 $-9.999999740e-06, v10;
	v1 =	vmul.f32 $1.000000000e+06, v6;
	v6 =	vtrunc.f32 v2  }
0x1f5: {  	v2 =	vmul.f32 $1.000000000e+06, v8;
	v4 =	vtrunc.f32 v4  }
0x1f6: {  	v5 =	vtrunc.f32 v5;
	v15 =	vtrunc.f32 v15  }
0x1f7: {  	v22 =	vld [tilespmem:s11+$0x0];
	v8 =	vadd.f32 $-9.999999740e-06, v19;
	v3 =	vcvt.f32.s32 v3;
	v6 =	vcvt.f32.s32 v6  }
0x1f8: {  	v15 =	vcvt.f32.s32 v15;
	v4 =	vcvt.f32.s32 v4  }
0x1f9: {  	v20 =	vcvt.f32.s32 v5;
	v8 =	vtrunc.f32 v8  }
0x1fa: {  	v14 =	vadd.f32 $-9.999999740e-06, v2;
	v13 =	vcvt.s32.f32 v3;
	v21 =	vcvt.f32.s32 v8  }
0x1fb: {  	s12 =	simm.s32 $0x3240;
	v18 =	vld [tilespmem:s11+$0xFFFFFFD0];
	v12 =	vadd.f32 $-9.999999740e-06, v1;
	v23 =	vcvt.s32.f32 v4;
	v24 =	vcvt.s32.f32 v20  }
0x1fc: {  	v8 =	vld [tilespmem:s11+$0xFFFFFFE0];
	[tilespmem:s12+$0xFFFFFFE0] =	vst v4;
	v4 =	vmul.f32 $1.000000000e+06, v22;
	v14 =	vtrunc.f32 v14  }
0x1fd: {  	[tilespmem:s12+$0x30] =	vst v3;
	v3 =	vld [tilespmem:s11+$0xFFFFFFF0];
	v12 =	vtrunc.f32 v12;
	v5 =	vsub.f32 v7, v13;
	v13 =	vcvt.f32.s32 v14  }
0x1fe: {  	v7 =	vcvt.s32.f32 v15;
	v14 =	vcvt.s32.f32 v6  }
0x1ff: {  	s8 =	simm.s32 $0x6440;
	[tilespmem:s12+$0xFFFFFFC0] =	vst v15;
	v12 =	vcvt.f32.s32 v12;
	v15 =	vld [tilespmem:s11+$0x10];
	v26 =	vcvt.s32.f32 v21  }
0x200: {  	v17 =	vld [tilespmem:s11+$0x20];
	[tilespmem:s8+$0x30] =	vst v5;
	v10 =	vsub.f32 v10, v7;
	v5 =	vmul.f32 $1.000000000e+06, v18;
	v9 =	vsub.f32 v9, v14  }
0x201: {  	[tilespmem:s12+$0xFFFFFFD0] =	vst v6;
	v7 =	vcvt.s32.f32 v12;
	v14 =	vld [tilespmem:s11+$0xFFFFFFC0];
	v18 =	vadd.f32 $-9.999999740e-06, v25;
	v6 =	vmul.f32 $1.000000000e+06, v8  }
0x202: {  	[tilespmem:s12+$0xFFFFFFF0] =	vst v20;
	v11 =	vsub.f32 v11, v23;
	v8 =	vcvt.s32.f32 v13;
	v3 =	vmul.f32 $1.000000000e+06, v3  }
0x203: {  	[tilespmem:s8+$0xFFFFFFC0] =	vst v10;
	v10 =	vadd.f32 $-9.999999740e-06, v5;
	v18 =	vtrunc.f32 v18;
	v23 =	vadd.f32 $-9.999999740e-06, v6  }
0x204: {  	[tilespmem:s8+$0xFFFFFFD0] =	vst v9;
	v20 =	vadd.f32 $-9.999999740e-06, v3;
	v9 =	vmul.f32 $1.000000000e+06, v15;
	v18 =	vcvt.f32.s32 v18  }
0x205: {  	[tilespmem:s12+$0x0] =	vst v21;
	v15 =	vadd.f32 $-9.999999740e-06, v4;
	v22 =	vtrunc.f32 v10;
	v10 =	vmul.f32 $1.000000000e+06, v17  }
0x206: {  	[tilespmem:s8+$0xFFFFFFE0] =	vst v11;
	v11 =	vmul.f32 $1.000000000e+06, v14;
	v14 =	vadd.f32 $-9.999999740e-06, v9;
	v21 =	vcvt.s32.f32 v18  }
0x207: {  	[tilespmem:s12+$0x10] =	vst v12;
	v17 =	vtrunc.f32 v23;
	v12 =	vtrunc.f32 v20;
	v20 =	vadd.f32 $-9.999999740e-06, v10  }
0x208: {  	s10 =	simm.s32 $0x32C0;
	[tilespmem:s12+$0x20] =	vst v13;
	v15 =	vtrunc.f32 v15;
	v23 =	vadd.f32 $-9.999999740e-06, v11;
	v21 =	vsub.f32 v25, v21  }
0x209: {  	s9 =	simm.s32 $0x64C0;
	[tilespmem:s10+$0x30] =	vst v18;
	v18 =	vsub.f32 v16, v24;
	v16 =	vcvt.f32.s32 v22;
	v14 =	vtrunc.f32 v14  }
0x20a: {  	s11 =	simm.s32 $0x80;
	s12 =	simm.s32 $0x140;
	v19 =	vsub.f32 v19, v26;
	v13 =	vtrunc.f32 v20;
	v20 =	vtrunc.f32 v23;
	[tilespmem:s9+$0x30] =	vst v21  }
.LBB2_16:
0x20b: {  	v21 =	vld [tilespmem:s12+$0x30];
	s11 =	sadd.s32 $0x80, s11;
	v20 =	vcvt.f32.s32 v20;
	v17 =	vcvt.f32.s32 v17;
	[tilespmem:s8+$0xFFFFFFF0] =	vst v18;
	v7 =	vsub.f32 v1, v7;
	v1 =	vmovc v9  }
0x20c: {  	v12 =	vcvt.f32.s32 v12;
	v15 =	vcvt.f32.s32 v15;
	v8 =	vsub.f32 v2, v8;
	v2 =	vmovc v10;
	v9 =	vld [tilespmem:s12+$0xFFFFFFD0];
	p0 =	slt.u32 s11, $0x1880;
	[tilespmem:s8+$0x0] =	vst v19  }
0x20d: {  	v14 =	vcvt.f32.s32 v14;
	v13 =	vcvt.f32.s32 v13;
	v10 =	vld [tilespmem:s12+$0xFFFFFFE0];
	[tilespmem:s8+$0x10] =	vst v7  }
0x20e: {  	v19 =	vcvt.s32.f32 v16;
	v7 =	vcvt.s32.f32 v20;
	v18 =	vld [tilespmem:s12+$0xFFFFFFF0];
	[tilespmem:s8+$0x20] =	vst v8;
	s8 =	smov.u32 s9  }
0x20f: {  	v23 =	vcvt.s32.f32 v12;
	v22 =	vld [tilespmem:s12+$0x0];
	[tilespmem:s10+$0xFFFFFFC0] =	vst v20;
	v20 =	vcvt.s32.f32 v17  }
0x210: {  	v25 =	vcvt.s32.f32 v15;
	v8 =	vsub.f32 v11, v7;
	v24 =	vld [tilespmem:s12+$0x10];
	v21 =	vmul.f32 $1.000000000e+06, v21;
	[tilespmem:s10+$0xFFFFFFD0] =	vst v16  }
0x211: {  	v7 =	vcvt.s32.f32 v14;
	v16 =	vsub.f32 v5, v19;
	v11 =	vld [tilespmem:s12+$0x20];
	v5 =	vmul.f32 $1.000000000e+06, v9;
	[tilespmem:s10+$0xFFFFFFE0] =	vst v17  }
0x212: {  	v17 =	vld [tilespmem:s12+$0xFFFFFFC0];
	v9 =	vmul.f32 $1.000000000e+06, v10  }
0x213: {  	v10 =	vadd.f32 $-9.999999740e-06, v21;
	[tilespmem:s9+$0xFFFFFFC0] =	vst v8;
	v8 =	vcvt.s32.f32 v13;
	v19 =	vadd.f32 $-9.999999740e-06, v5  }
0x214: {  	v26 =	vmul.f32 $1.000000000e+06, v18;
	[tilespmem:s9+$0xFFFFFFD0] =	vst v16;
	v16 =	vsub.f32 v6, v20;
	v22 =	vmul.f32 $1.000000000e+06, v22  }
0x215: {  	v18 =	vadd.f32 $-9.999999740e-06, v9;
	v10 =	vtrunc.f32 v10;
	[tilespmem:s10+$0xFFFFFFF0] =	vst v12;
	v6 =	vmovc v9;
	v9 =	vmul.f32 $1.000000000e+06, v24  }
0x216: {  	v12 =	vadd.f32 $-9.999999740e-06, v26;
	v20 =	vcvt.f32.s32 v10;
	[tilespmem:s9+$0xFFFFFFE0] =	vst v16;
	v16 =	vtrunc.f32 v19  }
0x217: {  	v19 =	vadd.f32 $-9.999999740e-06, v22;
	v10 =	vmul.f32 $1.000000000e+06, v11;
	[tilespmem:s10+$0x0] =	vst v15;
	v11 =	vmul.f32 $1.000000000e+06, v17  }
.Ltmp7:
0x218: {  	v24 =	vadd.f32 $-9.999999740e-06, v9;
	v27 =	vcvt.s32.f32 v20;
	[tilespmem:s10+$0x10] =	vst v14;
	(pc) =	sbr.rel @p0 .LBB2_16-.Ltmp7, $4  }
0x219: {  	v17 =	vtrunc.f32 v18;
	v12 =	vtrunc.f32 v12;
	v18 =	vadd.f32 $-9.999999740e-06, v10;
	[tilespmem:s10+$0x20] =	vst v13  }
0x21a: {  	v15 =	vtrunc.f32 v19;
	s10 =	sadd.s32 $0x80, s10;
	v28 =	vadd.f32 $-9.999999740e-06, v11;
	v19 =	vsub.f32 v21, v27  }
0x21b: {  	s9 =	sadd.s32 $0x80, s9;
	v14 =	vtrunc.f32 v24;
	v13 =	vtrunc.f32 v18;
	[tilespmem:s10+$0x30] =	vst v20;
	v18 =	vsub.f32 v3, v23;
	v3 =	vmovc v26  }
0x21c: {  	s12 =	sadd.s32 $0x80, s12;
	v16 =	vcvt.f32.s32 v16;
	v20 =	vtrunc.f32 v28;
	[tilespmem:s9+$0x30] =	vst v19;
	v19 =	vsub.f32 v4, v25;
	v4 =	vmovc v22  }
0x21d: {  	[tilespmem:s8+$0xFFFFFFF0] =	vst v18  }
0x21e: {  	v1 =	vsub.f32 v1, v7;
	[tilespmem:s8+$0x0] =	vst v19  }
0x21f: {  	v7 =	vcvt.f32.s32 v20;
	v2 =	vsub.f32 v2, v8;
	[tilespmem:s10+$0xFFFFFFD0] =	vst v16  }
0x220: {  	v8 =	vcvt.s32.f32 v16;
	[tilespmem:s8+$0x10] =	vst v1  }
0x221: {  	v1 =	vcvt.s32.f32 v7;
	[tilespmem:s8+$0x20] =	vst v2;
	v2 =	vcvt.f32.s32 v17  }
0x222: {  	[tilespmem:s10+$0xFFFFFFC0] =	vst v7;
	v5 =	vsub.f32 v5, v8  }
0x223: {  	v1 =	vsub.f32 v11, v1;
	[tilespmem:s10+$0xFFFFFFE0] =	vst v2  }
0x224: {  	v7 =	vcvt.s32.f32 v2;
	v2 =	vcvt.f32.s32 v12;
	[tilespmem:s9+$0xFFFFFFD0] =	vst v5  }
0x225: {  	v5 =	vcvt.f32.s32 v15;
	[tilespmem:s9+$0xFFFFFFC0] =	vst v1  }
0x226: {  	v1 =	vsub.f32 v6, v7;
	[tilespmem:s10+$0xFFFFFFF0] =	vst v2  }
0x227: {  	v6 =	vcvt.f32.s32 v14;
	v2 =	vcvt.s32.f32 v2;
	[tilespmem:s10+$0x0] =	vst v5  }
0x228: {  	v7 =	vcvt.s32.f32 v5;
	[tilespmem:s9+$0xFFFFFFE0] =	vst v1;
	v1 =	vcvt.f32.s32 v13  }
0x229: {  	v5 =	vcvt.s32.f32 v6;
	[tilespmem:s10+$0x10] =	vst v6;
	v2 =	vsub.f32 v3, v2  }
0x22a: {  	v3 =	vcvt.s32.f32 v1;
	[tilespmem:s10+$0x20] =	vst v1;
	v1 =	vsub.f32 v4, v7  }
0x22b: {  	[tilespmem:s9+$0xFFFFFFF0] =	vst v2;
	v2 =	vsub.f32 v9, v5  }
0x22c: {  	[tilespmem:s9+$0x0] =	vst v1;
	v1 =	vsub.f32 v10, v3  }
0x22d: {  	[tilespmem:s9+$0x10] =	vst v2  }
0x22e: {  	[tilespmem:s9+$0x20] =	vst v1  }
0x22f: {  	_ =	swait.ge [sflag:s22], $0x1900  }
0x230: {  	[sflag:s22] =	ssyncset.done $0x0  }
0x231: {  	[sflag:s22] =	ssyncadd.s32 $0xFFFFE700  }
0x232: {  	[tilespmem:s28], [sflag:$0x3] =	stream.indirect.gather [hbm4b:s3+s25], $0x1, s26, s25, $0xb8;
	[tilespmem:$0xFA80] =	vst v63  }
0x233: {  	_ = 	snop  }
0x234: {  	[tilespmem:s25], [sflag:$0x2] =	stream.linear.gather [hbm4b:s13+s2], $0x1900, $0x38;
	[tilespmem:$0xFA80] =	vst v63  }
0x235: {  	_ =	swait.ge [sflag:s6], $0x1900  }
0x236: {  	[sflag:s6] =	ssyncset.done $0x0  }
0x237: {  	s12 =	simm.s32 $0xAF40;
	[sflag:s6] =	ssyncadd.s32 $0xFFFFE700  }
0x238: {  	s8 =	simm.s32 $0x7D40;
	v2 =	vld [tilespmem:s12+$0x30]  }
0x239: {  	v1 =	vld [tilespmem:s8+$0x30]  }
0x23a: {  	v3 =	vld [tilespmem:s12+$0xFFFFFFD0]  }
0x23b: {  	v4 =	vld [tilespmem:s12+$0xFFFFFFE0]  }
0x23c: {  	v5 =	vld [tilespmem:s12+$0xFFFFFFF0]  }
0x23d: {  	v8 =	vld [tilespmem:s12+$0x0]  }
0x23e: {  	v15 =	vld [tilespmem:s12+$0xFFFFFFC0]  }
0x23f: {  	v18 =	vld [tilespmem:s8+$0xFFFFFFC0]  }
0x240: {  	v21 =	vld [tilespmem:s8+$0xFFFFFFD0];
	v6 =	vshll.u32 v2, $0x10  }
0x241: {  	v11 =	vld [tilespmem:s12+$0x20];
	v20 =	vshll.u32 v3, $0x10;
	v6 =	vmul.f32 v6, v1  }
0x242: {  	v10 =	vld [tilespmem:s12+$0x10];
	v2 =	vand.u32 $0xFFFF0000, v2;
	v7 =	vshll.u32 v4, $0x10;
	v9 =	vshll.u32 v5, $0x10  }
0x243: {  	v12 =	vld [tilespmem:s8+$0xFFFFFFE0];
	v19 =	vshll.u32 v15, $0x10;
	v1 =	vand.u32 $0xFFFF0000, v3;
	v2 =	vadd.f32 v2, v6  }
0x244: {  	v13 =	vld [tilespmem:s8+$0xFFFFFFF0];
	v3 =	vand.u32 $0xFFFF0000, v4;
	v4 =	vand.u32 $0xFFFF0000, v8;
	v19 =	vmul.f32 v19, v18  }
0x245: {  	v14 =	vld [tilespmem:s8+$0x0];
	v8 =	vshll.u32 v8, $0x10;
	v18 =	vmul.f32 v20, v21;
	v17 =	vmul.f32 v2, v0  }
0x246: {  	s9 =	simm.s32 $0xE140;
	v16 =	vld [tilespmem:s8+$0x10];
	v6 =	vand.u32 $0xFFFF0000, v5;
	v5 =	vand.u32 $0xFFFF0000, v11;
	v11 =	vshll.u32 v11, $0x10  }
0x247: {  	s11 =	simm.s32 $0x0;
	s10 =	simm.s32 $0xE140;
	s12 =	simm.s32 $0xAFC0;
	v2 =	vand.u32 $0xFFFF0000, v10;
	v10 =	vshll.u32 v10, $0x10;
	[tilespmem:s9+$0x30] =	vst v17;
	v17 =	vand.u32 $0xFFFF0000, v15;
	v15 =	vld [tilespmem:s8+$0x20]  }
.LBB2_18:
0x248: {  	v20 =	vld [tilespmem:s12+$0x30];
	s11 =	sadd.s32 $0x80, s11;
	v17 =	vadd.f32 v17, v19;
	v7 =	vmul.f32 v7, v12;
	s8 =	sadd.s32 $0x80, s8  }
0x249: {  	v12 =	vld [tilespmem:s8+$0x30];
	p0 =	slt.u32 s11, $0x1880;
	v1 =	vadd.f32 v1, v18;
	v9 =	vmul.f32 v9, v13  }
0x24a: {  	v13 =	vld [tilespmem:s12+$0xFFFFFFD0];
	v17 =	vmul.f32 v17, v0;
	v3 =	vadd.f32 v3, v7;
	v7 =	vmul.f32 v8, v14  }
0x24b: {  	v8 =	vld [tilespmem:s12+$0xFFFFFFE0];
	v1 =	vmul.f32 v1, v0;
	v6 =	vadd.f32 v6, v9;
	v9 =	vmul.f32 v10, v16  }
0x24c: {  	v10 =	vld [tilespmem:s12+$0xFFFFFFF0];
	[tilespmem:s9+$0xFFFFFFC0] =	vst v17;
	v3 =	vmul.f32 v3, v0;
	v4 =	vadd.f32 v4, v7;
	v7 =	vmul.f32 v11, v15  }
0x24d: {  	v11 =	vld [tilespmem:s12+$0x0];
	v14 =	vshll.u32 v20, $0x10;
	[tilespmem:s9+$0xFFFFFFD0] =	vst v1;
	v6 =	vmul.f32 v6, v0;
	v2 =	vadd.f32 v2, v9  }
0x24e: {  	v15 =	vld [tilespmem:s12+$0x10];
	v9 =	vmul.f32 v14, v12;
	[tilespmem:s9+$0xFFFFFFE0] =	vst v3;
	v4 =	vmul.f32 v4, v0;
	v5 =	vadd.f32 v5, v7  }
0x24f: {  	v12 =	vand.u32 $0xFFFF0000, v20;
	v1 =	vand.u32 $0xFFFF0000, v13;
	v18 =	vshll.u32 v13, $0x10;
	v14 =	vld [tilespmem:s12+$0x20];
	[tilespmem:s9+$0xFFFFFFF0] =	vst v6  }
0x250: {  	v16 =	vld [tilespmem:s12+$0xFFFFFFC0];
	v3 =	vand.u32 $0xFFFF0000, v8;
	v7 =	vshll.u32 v8, $0x10;
	v12 =	vadd.f32 v12, v9;
	[tilespmem:s9+$0x0] =	vst v4  }
0x251: {  	v13 =	vmul.f32 v2, v0;
	v19 =	vld [tilespmem:s8+$0xFFFFFFC0];
	v6 =	vand.u32 $0xFFFF0000, v10;
	v9 =	vshll.u32 v10, $0x10  }
0x252: {  	v20 =	vld [tilespmem:s8+$0xFFFFFFD0];
	v4 =	vand.u32 $0xFFFF0000, v11;
	v8 =	vshll.u32 v11, $0x10;
	v17 =	vmul.f32 v12, v0  }
.Ltmp8:
0x253: {  	s9 =	sadd.s32 $0x80, s9;
	v12 =	vld [tilespmem:s8+$0xFFFFFFE0];
	v2 =	vand.u32 $0xFFFF0000, v15;
	v10 =	vshll.u32 v15, $0x10;
	[tilespmem:s10+$0x10] =	vst v13;
	v15 =	vmul.f32 v5, v0;
	(pc) =	sbr.rel @p0 .LBB2_18-.Ltmp8, $4  }
0x254: {  	v13 =	vld [tilespmem:s8+$0xFFFFFFF0];
	v5 =	vand.u32 $0xFFFF0000, v14;
	v11 =	vshll.u32 v14, $0x10;
	[tilespmem:s9+$0x30] =	vst v17  }
0x255: {  	v17 =	vand.u32 $0xFFFF0000, v16;
	v16 =	vshll.u32 v16, $0x10;
	v14 =	vld [tilespmem:s8+$0x0];
	[tilespmem:s10+$0x20] =	vst v15;
	s10 =	smov.u32 s9  }
0x256: {  	v19 =	vmul.f32 v16, v19;
	v16 =	vld [tilespmem:s8+$0x10]  }
0x257: {  	s12 =	sadd.s32 $0x80, s12;
	v18 =	vmul.f32 v18, v20;
	v15 =	vld [tilespmem:s8+$0x20]  }
0x258: {  	v17 =	vadd.f32 v17, v19;
	v7 =	vmul.f32 v7, v12  }
0x259: {  	v1 =	vadd.f32 v1, v18;
	v9 =	vmul.f32 v9, v13  }
0x25a: {  	v12 =	vmul.f32 v17, v0;
	v3 =	vadd.f32 v3, v7;
	v7 =	vmul.f32 v8, v14  }
0x25b: {  	v1 =	vmul.f32 v1, v0;
	v6 =	vadd.f32 v6, v9;
	v8 =	vmul.f32 v10, v16  }
0x25c: {  	[tilespmem:s9+$0xFFFFFFC0] =	vst v12;
	v3 =	vmul.f32 v3, v0;
	v4 =	vadd.f32 v4, v7;
	v7 =	vmul.f32 v11, v15  }
0x25d: {  	[tilespmem:s9+$0xFFFFFFD0] =	vst v1;
	v1 =	vmul.f32 v6, v0;
	v2 =	vadd.f32 v2, v8  }
0x25e: {  	[tilespmem:s9+$0xFFFFFFE0] =	vst v3;
	v3 =	vmul.f32 v4, v0;
	v4 =	vadd.f32 v5, v7  }
0x25f: {  	[tilespmem:s9+$0xFFFFFFF0] =	vst v1;
	v1 =	vmul.f32 v2, v0  }
0x260: {  	[tilespmem:s9+$0x0] =	vst v3;
	v2 =	vmul.f32 v4, v0  }
0x261: {  	[tilespmem:s10+$0x10] =	vst v1  }
0x262: {  	[tilespmem:s10+$0x20] =	vst v2  }
0x263: {  	[hbm4b:s14+s2] =	stream.linear.scatter [tilespmem:s4], [sflag:$0x6], $0x1900, $0x38;
	[tilespmem:$0xFA80] =	vst v63  }
0x264: {  	_ =	swait.ge [sflag:s29], $0x1900  }
0x265: {  	[sflag:s29] =	ssyncset.done $0x0  }
0x266: {  	s8 =	simm.s32 $0x1940;
	[sflag:s29] =	ssyncadd.s32 $0xFFFFE700  }
0x267: {  	v1 =	vld [tilespmem:s8+$0x30]  }
0x268: {  	v2 =	vld [tilespmem:s8+$0xFFFFFFD0]  }
0x269: {  	v3 =	vld [tilespmem:s8+$0xFFFFFFE0]  }
0x26a: {  	v4 =	vld [tilespmem:s8+$0xFFFFFFF0]  }
0x26b: {  	v5 =	vld [tilespmem:s8+$0x0]  }
0x26c: {  	s11 =	simm.s32 $0x19C0;
	v10 =	vld [tilespmem:s8+$0xFFFFFFC0]  }
0x26d: {  	v17 =	vld [tilespmem:s11+$0x30];
	_ =	sdelay $0x1  }
0x26e: {  	v6 =	vld [tilespmem:s8+$0x10];
	v7 =	vmul.f32 $1.000000000e+06, v1  }
0x26f: {  	v8 =	vld [tilespmem:s8+$0x20];
	v9 =	vmul.f32 $1.000000000e+06, v2;
	v11 =	vmul.f32 $1.000000000e+06, v3  }
0x270: {  	v16 =	vmul.f32 $1.000000000e+06, v4;
	v19 =	vmul.f32 $1.000000000e+06, v5;
	v1 =	vadd.f32 $-9.999999740e-06, v7  }
0x271: {  	v10 =	vmul.f32 $1.000000000e+06, v10;
	v25 =	vmul.f32 $1.000000000e+06, v17;
	v2 =	vadd.f32 $-9.999999740e-06, v9  }
0x272: {  	v4 =	vadd.f32 $-9.999999740e-06, v11;
	v5 =	vadd.f32 $-9.999999740e-06, v16;
	v3 =	vtrunc.f32 v1  }
0x273: {  	v15 =	vadd.f32 $-9.999999740e-06, v10;
	v1 =	vmul.f32 $1.000000000e+06, v6;
	v6 =	vtrunc.f32 v2  }
0x274: {  	v2 =	vmul.f32 $1.000000000e+06, v8;
	v4 =	vtrunc.f32 v4  }
0x275: {  	v5 =	vtrunc.f32 v5;
	v15 =	vtrunc.f32 v15  }
0x276: {  	v22 =	vld [tilespmem:s11+$0x0];
	v8 =	vadd.f32 $-9.999999740e-06, v19;
	v3 =	vcvt.f32.s32 v3;
	v6 =	vcvt.f32.s32 v6  }
0x277: {  	v15 =	vcvt.f32.s32 v15;
	v4 =	vcvt.f32.s32 v4  }
0x278: {  	v20 =	vcvt.f32.s32 v5;
	v8 =	vtrunc.f32 v8  }
0x279: {  	v14 =	vadd.f32 $-9.999999740e-06, v2;
	v13 =	vcvt.s32.f32 v3;
	v21 =	vcvt.f32.s32 v8  }
0x27a: {  	s12 =	simm.s32 $0x4B40;
	v18 =	vld [tilespmem:s11+$0xFFFFFFD0];
	v12 =	vadd.f32 $-9.999999740e-06, v1;
	v23 =	vcvt.s32.f32 v4;
	v24 =	vcvt.s32.f32 v20  }
0x27b: {  	v8 =	vld [tilespmem:s11+$0xFFFFFFE0];
	[tilespmem:s12+$0xFFFFFFE0] =	vst v4;
	v4 =	vmul.f32 $1.000000000e+06, v22;
	v14 =	vtrunc.f32 v14  }
0x27c: {  	[tilespmem:s12+$0x30] =	vst v3;
	v3 =	vld [tilespmem:s11+$0xFFFFFFF0];
	v12 =	vtrunc.f32 v12;
	v5 =	vsub.f32 v7, v13;
	v13 =	vcvt.f32.s32 v14  }
0x27d: {  	v7 =	vcvt.s32.f32 v15;
	v14 =	vcvt.s32.f32 v6  }
0x27e: {  	s8 =	simm.s32 $0x7D40;
	[tilespmem:s12+$0xFFFFFFC0] =	vst v15;
	v12 =	vcvt.f32.s32 v12;
	v15 =	vld [tilespmem:s11+$0x10];
	v26 =	vcvt.s32.f32 v21  }
0x27f: {  	v17 =	vld [tilespmem:s11+$0x20];
	[tilespmem:s8+$0x30] =	vst v5;
	v10 =	vsub.f32 v10, v7;
	v5 =	vmul.f32 $1.000000000e+06, v18;
	v9 =	vsub.f32 v9, v14  }
0x280: {  	[tilespmem:s12+$0xFFFFFFD0] =	vst v6;
	v7 =	vcvt.s32.f32 v12;
	v14 =	vld [tilespmem:s11+$0xFFFFFFC0];
	v18 =	vadd.f32 $-9.999999740e-06, v25;
	v6 =	vmul.f32 $1.000000000e+06, v8  }
0x281: {  	[tilespmem:s12+$0xFFFFFFF0] =	vst v20;
	v11 =	vsub.f32 v11, v23;
	v8 =	vcvt.s32.f32 v13;
	v3 =	vmul.f32 $1.000000000e+06, v3  }
0x282: {  	[tilespmem:s8+$0xFFFFFFC0] =	vst v10;
	v10 =	vadd.f32 $-9.999999740e-06, v5;
	v18 =	vtrunc.f32 v18;
	v23 =	vadd.f32 $-9.999999740e-06, v6  }
0x283: {  	[tilespmem:s8+$0xFFFFFFD0] =	vst v9;
	v20 =	vadd.f32 $-9.999999740e-06, v3;
	v9 =	vmul.f32 $1.000000000e+06, v15;
	v18 =	vcvt.f32.s32 v18  }
0x284: {  	[tilespmem:s12+$0x0] =	vst v21;
	v15 =	vadd.f32 $-9.999999740e-06, v4;
	v22 =	vtrunc.f32 v10;
	v10 =	vmul.f32 $1.000000000e+06, v17  }
0x285: {  	[tilespmem:s8+$0xFFFFFFE0] =	vst v11;
	v11 =	vmul.f32 $1.000000000e+06, v14;
	v14 =	vadd.f32 $-9.999999740e-06, v9;
	v21 =	vcvt.s32.f32 v18  }
0x286: {  	[tilespmem:s12+$0x10] =	vst v12;
	v17 =	vtrunc.f32 v23;
	v12 =	vtrunc.f32 v20;
	v20 =	vadd.f32 $-9.999999740e-06, v10  }
0x287: {  	s10 =	simm.s32 $0x4BC0;
	[tilespmem:s12+$0x20] =	vst v13;
	v15 =	vtrunc.f32 v15;
	v23 =	vadd.f32 $-9.999999740e-06, v11;
	v21 =	vsub.f32 v25, v21  }
0x288: {  	s9 =	simm.s32 $0x7DC0;
	[tilespmem:s10+$0x30] =	vst v18;
	v18 =	vsub.f32 v16, v24;
	v16 =	vcvt.f32.s32 v22;
	v14 =	vtrunc.f32 v14  }
0x289: {  	s11 =	simm.s32 $0x80;
	s12 =	simm.s32 $0x1A40;
	v19 =	vsub.f32 v19, v26;
	v13 =	vtrunc.f32 v20;
	v20 =	vtrunc.f32 v23;
	[tilespmem:s9+$0x30] =	vst v21  }
.LBB2_20:
0x28a: {  	v21 =	vld [tilespmem:s12+$0x30];
	s11 =	sadd.s32 $0x80, s11;
	v20 =	vcvt.f32.s32 v20;
	v17 =	vcvt.f32.s32 v17;
	[tilespmem:s8+$0xFFFFFFF0] =	vst v18;
	v7 =	vsub.f32 v1, v7;
	v1 =	vmovc v9  }
0x28b: {  	v12 =	vcvt.f32.s32 v12;
	v15 =	vcvt.f32.s32 v15;
	v8 =	vsub.f32 v2, v8;
	v2 =	vmovc v10;
	v9 =	vld [tilespmem:s12+$0xFFFFFFD0];
	p0 =	slt.u32 s11, $0x1880;
	[tilespmem:s8+$0x0] =	vst v19  }
0x28c: {  	v14 =	vcvt.f32.s32 v14;
	v13 =	vcvt.f32.s32 v13;
	v10 =	vld [tilespmem:s12+$0xFFFFFFE0];
	[tilespmem:s8+$0x10] =	vst v7  }
0x28d: {  	v19 =	vcvt.s32.f32 v16;
	v7 =	vcvt.s32.f32 v20;
	v18 =	vld [tilespmem:s12+$0xFFFFFFF0];
	[tilespmem:s8+$0x20] =	vst v8;
	s8 =	smov.u32 s9  }
0x28e: {  	v23 =	vcvt.s32.f32 v12;
	v22 =	vld [tilespmem:s12+$0x0];
	[tilespmem:s10+$0xFFFFFFC0] =	vst v20;
	v20 =	vcvt.s32.f32 v17  }
0x28f: {  	v25 =	vcvt.s32.f32 v15;
	v8 =	vsub.f32 v11, v7;
	v24 =	vld [tilespmem:s12+$0x10];
	v21 =	vmul.f32 $1.000000000e+06, v21;
	[tilespmem:s10+$0xFFFFFFD0] =	vst v16  }
0x290: {  	v7 =	vcvt.s32.f32 v14;
	v16 =	vsub.f32 v5, v19;
	v11 =	vld [tilespmem:s12+$0x20];
	v5 =	vmul.f32 $1.000000000e+06, v9;
	[tilespmem:s10+$0xFFFFFFE0] =	vst v17  }
0x291: {  	v17 =	vld [tilespmem:s12+$0xFFFFFFC0];
	v9 =	vmul.f32 $1.000000000e+06, v10  }
0x292: {  	v10 =	vadd.f32 $-9.999999740e-06, v21;
	[tilespmem:s9+$0xFFFFFFC0] =	vst v8;
	v8 =	vcvt.s32.f32 v13;
	v19 =	vadd.f32 $-9.999999740e-06, v5  }
0x293: {  	v26 =	vmul.f32 $1.000000000e+06, v18;
	[tilespmem:s9+$0xFFFFFFD0] =	vst v16;
	v16 =	vsub.f32 v6, v20;
	v22 =	vmul.f32 $1.000000000e+06, v22  }
0x294: {  	v18 =	vadd.f32 $-9.999999740e-06, v9;
	v10 =	vtrunc.f32 v10;
	[tilespmem:s10+$0xFFFFFFF0] =	vst v12;
	v6 =	vmovc v9;
	v9 =	vmul.f32 $1.000000000e+06, v24  }
0x295: {  	v12 =	vadd.f32 $-9.999999740e-06, v26;
	v20 =	vcvt.f32.s32 v10;
	[tilespmem:s9+$0xFFFFFFE0] =	vst v16;
	v16 =	vtrunc.f32 v19  }
0x296: {  	v19 =	vadd.f32 $-9.999999740e-06, v22;
	v10 =	vmul.f32 $1.000000000e+06, v11;
	[tilespmem:s10+$0x0] =	vst v15;
	v11 =	vmul.f32 $1.000000000e+06, v17  }
.Ltmp9:
0x297: {  	v24 =	vadd.f32 $-9.999999740e-06, v9;
	v27 =	vcvt.s32.f32 v20;
	[tilespmem:s10+$0x10] =	vst v14;
	(pc) =	sbr.rel @p0 .LBB2_20-.Ltmp9, $4  }
0x298: {  	v17 =	vtrunc.f32 v18;
	v12 =	vtrunc.f32 v12;
	v18 =	vadd.f32 $-9.999999740e-06, v10;
	[tilespmem:s10+$0x20] =	vst v13  }
0x299: {  	v15 =	vtrunc.f32 v19;
	s10 =	sadd.s32 $0x80, s10;
	v28 =	vadd.f32 $-9.999999740e-06, v11;
	v19 =	vsub.f32 v21, v27  }
0x29a: {  	s9 =	sadd.s32 $0x80, s9;
	v14 =	vtrunc.f32 v24;
	v13 =	vtrunc.f32 v18;
	[tilespmem:s10+$0x30] =	vst v20;
	v18 =	vsub.f32 v3, v23;
	v3 =	vmovc v26  }
0x29b: {  	s12 =	sadd.s32 $0x80, s12;
	v16 =	vcvt.f32.s32 v16;
	v20 =	vtrunc.f32 v28;
	[tilespmem:s9+$0x30] =	vst v19;
	v19 =	vsub.f32 v4, v25;
	v4 =	vmovc v22  }
0x29c: {  	[tilespmem:s8+$0xFFFFFFF0] =	vst v18  }
0x29d: {  	v1 =	vsub.f32 v1, v7;
	[tilespmem:s8+$0x0] =	vst v19  }
0x29e: {  	v7 =	vcvt.f32.s32 v20;
	v2 =	vsub.f32 v2, v8;
	[tilespmem:s10+$0xFFFFFFD0] =	vst v16  }
0x29f: {  	v8 =	vcvt.s32.f32 v16;
	[tilespmem:s8+$0x10] =	vst v1  }
0x2a0: {  	v1 =	vcvt.s32.f32 v7;
	[tilespmem:s8+$0x20] =	vst v2;
	v2 =	vcvt.f32.s32 v17  }
0x2a1: {  	[tilespmem:s10+$0xFFFFFFC0] =	vst v7;
	v5 =	vsub.f32 v5, v8  }
0x2a2: {  	v1 =	vsub.f32 v11, v1;
	[tilespmem:s10+$0xFFFFFFE0] =	vst v2  }
0x2a3: {  	v7 =	vcvt.s32.f32 v2;
	v2 =	vcvt.f32.s32 v12;
	[tilespmem:s9+$0xFFFFFFD0] =	vst v5  }
0x2a4: {  	v5 =	vcvt.f32.s32 v15;
	[tilespmem:s9+$0xFFFFFFC0] =	vst v1  }
0x2a5: {  	v1 =	vsub.f32 v6, v7;
	[tilespmem:s10+$0xFFFFFFF0] =	vst v2  }
0x2a6: {  	v6 =	vcvt.f32.s32 v14;
	v2 =	vcvt.s32.f32 v2;
	[tilespmem:s10+$0x0] =	vst v5  }
0x2a7: {  	v7 =	vcvt.s32.f32 v5;
	[tilespmem:s9+$0xFFFFFFE0] =	vst v1;
	v1 =	vcvt.f32.s32 v13  }
0x2a8: {  	v5 =	vcvt.s32.f32 v6;
	[tilespmem:s10+$0x10] =	vst v6;
	v2 =	vsub.f32 v3, v2  }
0x2a9: {  	v3 =	vcvt.s32.f32 v1;
	[tilespmem:s10+$0x20] =	vst v1;
	v1 =	vsub.f32 v4, v7  }
0x2aa: {  	[tilespmem:s9+$0xFFFFFFF0] =	vst v2;
	v2 =	vsub.f32 v9, v5  }
0x2ab: {  	[tilespmem:s9+$0x0] =	vst v1;
	v1 =	vsub.f32 v10, v3  }
0x2ac: {  	[tilespmem:s9+$0x10] =	vst v2  }
0x2ad: {  	[tilespmem:s9+$0x20] =	vst v1  }
0x2ae: {  	_ =	swait.ge [sflag:s30], $0x1900  }
0x2af: {  	[sflag:s30] =	ssyncset.done $0x0  }
0x2b0: {  	[sflag:s30] =	ssyncadd.s32 $0xFFFFE700  }
0x2b1: {  	[tilespmem:s1], [sflag:$0x4] =	stream.indirect.gather [hbm4b:s3+s25], $0x1, s31, s25, $0xb8;
	[tilespmem:$0xFA80] =	vst v63  }
0x2b2: {  	_ = 	snop  }
0x2b3: {  	[tilespmem:s2], [sflag:$0x1] =	stream.linear.gather [hbm4b:s15+s2], $0x1900, $0x38;
	[tilespmem:$0xFA80] =	vst v63  }
0x2b4: {  	_ =	swait.ge [sflag:s5], $0x1900  }
0x2b5: {  	[sflag:s5] =	ssyncset.done $0x0  }
0x2b6: {  	s12 =	simm.s32 $0x9640;
	[sflag:s5] =	ssyncadd.s32 $0xFFFFE700  }
0x2b7: {  	s8 =	simm.s32 $0x6440;
	v2 =	vld [tilespmem:s12+$0x30]  }
0x2b8: {  	v1 =	vld [tilespmem:s8+$0x30]  }
0x2b9: {  	v3 =	vld [tilespmem:s12+$0xFFFFFFD0]  }
0x2ba: {  	v4 =	vld [tilespmem:s12+$0xFFFFFFE0]  }
0x2bb: {  	v5 =	vld [tilespmem:s12+$0xFFFFFFF0]  }
0x2bc: {  	v8 =	vld [tilespmem:s12+$0x0]  }
0x2bd: {  	v15 =	vld [tilespmem:s12+$0xFFFFFFC0]  }
0x2be: {  	v18 =	vld [tilespmem:s8+$0xFFFFFFC0]  }
0x2bf: {  	v21 =	vld [tilespmem:s8+$0xFFFFFFD0];
	v6 =	vshll.u32 v2, $0x10  }
0x2c0: {  	v11 =	vld [tilespmem:s12+$0x20];
	v20 =	vshll.u32 v3, $0x10;
	v6 =	vmul.f32 v6, v1  }
0x2c1: {  	v10 =	vld [tilespmem:s12+$0x10];
	v2 =	vand.u32 $0xFFFF0000, v2;
	v7 =	vshll.u32 v4, $0x10;
	v9 =	vshll.u32 v5, $0x10  }
0x2c2: {  	v12 =	vld [tilespmem:s8+$0xFFFFFFE0];
	v19 =	vshll.u32 v15, $0x10;
	v1 =	vand.u32 $0xFFFF0000, v3;
	v2 =	vadd.f32 v2, v6  }
0x2c3: {  	v13 =	vld [tilespmem:s8+$0xFFFFFFF0];
	v3 =	vand.u32 $0xFFFF0000, v4;
	v4 =	vand.u32 $0xFFFF0000, v8;
	v19 =	vmul.f32 v19, v18  }
0x2c4: {  	v14 =	vld [tilespmem:s8+$0x0];
	v8 =	vshll.u32 v8, $0x10;
	v18 =	vmul.f32 v20, v21;
	v17 =	vmul.f32 v2, v0  }
0x2c5: {  	s9 =	simm.s32 $0xC840;
	v16 =	vld [tilespmem:s8+$0x10];
	v6 =	vand.u32 $0xFFFF0000, v5;
	v5 =	vand.u32 $0xFFFF0000, v11;
	v11 =	vshll.u32 v11, $0x10  }
0x2c6: {  	s11 =	simm.s32 $0x0;
	s10 =	simm.s32 $0xC840;
	s12 =	simm.s32 $0x96C0;
	v2 =	vand.u32 $0xFFFF0000, v10;
	v10 =	vshll.u32 v10, $0x10;
	[tilespmem:s9+$0x30] =	vst v17;
	v17 =	vand.u32 $0xFFFF0000, v15;
	v15 =	vld [tilespmem:s8+$0x20]  }
.LBB2_22:
0x2c7: {  	v20 =	vld [tilespmem:s12+$0x30];
	s11 =	sadd.s32 $0x80, s11;
	v17 =	vadd.f32 v17, v19;
	v7 =	vmul.f32 v7, v12;
	s8 =	sadd.s32 $0x80, s8  }
0x2c8: {  	v12 =	vld [tilespmem:s8+$0x30];
	p0 =	slt.u32 s11, $0x1880;
	v1 =	vadd.f32 v1, v18;
	v9 =	vmul.f32 v9, v13  }
0x2c9: {  	v13 =	vld [tilespmem:s12+$0xFFFFFFD0];
	v17 =	vmul.f32 v17, v0;
	v3 =	vadd.f32 v3, v7;
	v7 =	vmul.f32 v8, v14  }
0x2ca: {  	v8 =	vld [tilespmem:s12+$0xFFFFFFE0];
	v1 =	vmul.f32 v1, v0;
	v6 =	vadd.f32 v6, v9;
	v9 =	vmul.f32 v10, v16  }
0x2cb: {  	v10 =	vld [tilespmem:s12+$0xFFFFFFF0];
	[tilespmem:s9+$0xFFFFFFC0] =	vst v17;
	v3 =	vmul.f32 v3, v0;
	v4 =	vadd.f32 v4, v7;
	v7 =	vmul.f32 v11, v15  }
0x2cc: {  	v11 =	vld [tilespmem:s12+$0x0];
	v14 =	vshll.u32 v20, $0x10;
	[tilespmem:s9+$0xFFFFFFD0] =	vst v1;
	v6 =	vmul.f32 v6, v0;
	v2 =	vadd.f32 v2, v9  }
0x2cd: {  	v15 =	vld [tilespmem:s12+$0x10];
	v9 =	vmul.f32 v14, v12;
	[tilespmem:s9+$0xFFFFFFE0] =	vst v3;
	v4 =	vmul.f32 v4, v0;
	v5 =	vadd.f32 v5, v7  }
0x2ce: {  	v12 =	vand.u32 $0xFFFF0000, v20;
	v1 =	vand.u32 $0xFFFF0000, v13;
	v18 =	vshll.u32 v13, $0x10;
	v14 =	vld [tilespmem:s12+$0x20];
	[tilespmem:s9+$0xFFFFFFF0] =	vst v6  }
0x2cf: {  	v16 =	vld [tilespmem:s12+$0xFFFFFFC0];
	v3 =	vand.u32 $0xFFFF0000, v8;
	v7 =	vshll.u32 v8, $0x10;
	v12 =	vadd.f32 v12, v9;
	[tilespmem:s9+$0x0] =	vst v4  }
0x2d0: {  	v13 =	vmul.f32 v2, v0;
	v19 =	vld [tilespmem:s8+$0xFFFFFFC0];
	v6 =	vand.u32 $0xFFFF0000, v10;
	v9 =	vshll.u32 v10, $0x10  }
0x2d1: {  	v20 =	vld [tilespmem:s8+$0xFFFFFFD0];
	v4 =	vand.u32 $0xFFFF0000, v11;
	v8 =	vshll.u32 v11, $0x10;
	v17 =	vmul.f32 v12, v0  }
.Ltmp10:
0x2d2: {  	s9 =	sadd.s32 $0x80, s9;
	v12 =	vld [tilespmem:s8+$0xFFFFFFE0];
	v2 =	vand.u32 $0xFFFF0000, v15;
	v10 =	vshll.u32 v15, $0x10;
	[tilespmem:s10+$0x10] =	vst v13;
	v15 =	vmul.f32 v5, v0;
	(pc) =	sbr.rel @p0 .LBB2_22-.Ltmp10, $4  }
0x2d3: {  	v13 =	vld [tilespmem:s8+$0xFFFFFFF0];
	v5 =	vand.u32 $0xFFFF0000, v14;
	v11 =	vshll.u32 v14, $0x10;
	[tilespmem:s9+$0x30] =	vst v17  }
0x2d4: {  	v17 =	vand.u32 $0xFFFF0000, v16;
	v16 =	vshll.u32 v16, $0x10;
	v14 =	vld [tilespmem:s8+$0x0];
	[tilespmem:s10+$0x20] =	vst v15;
	s10 =	smov.u32 s9  }
0x2d5: {  	v19 =	vmul.f32 v16, v19;
	v16 =	vld [tilespmem:s8+$0x10]  }
0x2d6: {  	s12 =	sadd.s32 $0x80, s12;
	v18 =	vmul.f32 v18, v20;
	v15 =	vld [tilespmem:s8+$0x20]  }
0x2d7: {  	v17 =	vadd.f32 v17, v19;
	v7 =	vmul.f32 v7, v12  }
0x2d8: {  	v1 =	vadd.f32 v1, v18;
	v9 =	vmul.f32 v9, v13  }
0x2d9: {  	v12 =	vmul.f32 v17, v0;
	v3 =	vadd.f32 v3, v7;
	v7 =	vmul.f32 v8, v14  }
0x2da: {  	v1 =	vmul.f32 v1, v0;
	v6 =	vadd.f32 v6, v9;
	v8 =	vmul.f32 v10, v16  }
0x2db: {  	[tilespmem:s9+$0xFFFFFFC0] =	vst v12;
	v3 =	vmul.f32 v3, v0;
	v4 =	vadd.f32 v4, v7;
	v7 =	vmul.f32 v11, v15  }
0x2dc: {  	[tilespmem:s9+$0xFFFFFFD0] =	vst v1;
	v1 =	vmul.f32 v6, v0;
	v2 =	vadd.f32 v2, v8  }
0x2dd: {  	[tilespmem:s9+$0xFFFFFFE0] =	vst v3;
	v3 =	vmul.f32 v4, v0;
	v4 =	vadd.f32 v5, v7  }
0x2de: {  	[tilespmem:s9+$0xFFFFFFF0] =	vst v1;
	v1 =	vmul.f32 v2, v0  }
0x2df: {  	[tilespmem:s9+$0x0] =	vst v3;
	v2 =	vmul.f32 v4, v0  }
0x2e0: {  	[tilespmem:s10+$0x10] =	vst v1  }
0x2e1: {  	[tilespmem:s10+$0x20] =	vst v2  }
0x2e2: {  	[hbm4b:s16+s2] =	stream.linear.scatter [tilespmem:s0], [sflag:$0x5], $0x1900, $0x38;
	[tilespmem:$0xFA80] =	vst v63  }
0x2e3: {  	_ =	swait.ge [sflag:s24], $0x1900  }
0x2e4: {  	[sflag:s24] =	ssyncset.done $0x0  }
0x2e5: {  	s8 =	simm.s32 $0x40;
	[sflag:s24] =	ssyncadd.s32 $0xFFFFE700  }
0x2e6: {  	v1 =	vld [tilespmem:s8+$0x30]  }
0x2e7: {  	v2 =	vld [tilespmem:s8+$0xFFFFFFD0]  }
0x2e8: {  	v3 =	vld [tilespmem:s8+$0xFFFFFFE0]  }
0x2e9: {  	v4 =	vld [tilespmem:s8+$0xFFFFFFF0]  }
0x2ea: {  	v5 =	vld [tilespmem:s8+$0x0]  }
0x2eb: {  	s11 =	simm.s32 $0xC0;
	v10 =	vld [tilespmem:s8+$0xFFFFFFC0]  }
0x2ec: {  	v17 =	vld [tilespmem:s11+$0x30];
	_ =	sdelay $0x1  }
0x2ed: {  	v6 =	vld [tilespmem:s8+$0x10];
	v7 =	vmul.f32 $1.000000000e+06, v1  }
0x2ee: {  	v8 =	vld [tilespmem:s8+$0x20];
	v9 =	vmul.f32 $1.000000000e+06, v2;
	v11 =	vmul.f32 $1.000000000e+06, v3  }
0x2ef: {  	v16 =	vmul.f32 $1.000000000e+06, v4;
	v19 =	vmul.f32 $1.000000000e+06, v5;
	v1 =	vadd.f32 $-9.999999740e-06, v7  }
0x2f0: {  	v10 =	vmul.f32 $1.000000000e+06, v10;
	v25 =	vmul.f32 $1.000000000e+06, v17;
	v2 =	vadd.f32 $-9.999999740e-06, v9  }
0x2f1: {  	v4 =	vadd.f32 $-9.999999740e-06, v11;
	v5 =	vadd.f32 $-9.999999740e-06, v16;
	v3 =	vtrunc.f32 v1  }
0x2f2: {  	v15 =	vadd.f32 $-9.999999740e-06, v10;
	v1 =	vmul.f32 $1.000000000e+06, v6;
	v6 =	vtrunc.f32 v2  }
0x2f3: {  	v2 =	vmul.f32 $1.000000000e+06, v8;
	v4 =	vtrunc.f32 v4  }
0x2f4: {  	v5 =	vtrunc.f32 v5;
	v15 =	vtrunc.f32 v15  }
0x2f5: {  	v22 =	vld [tilespmem:s11+$0x0];
	v8 =	vadd.f32 $-9.999999740e-06, v19;
	v3 =	vcvt.f32.s32 v3;
	v6 =	vcvt.f32.s32 v6  }
0x2f6: {  	v15 =	vcvt.f32.s32 v15;
	v4 =	vcvt.f32.s32 v4  }
0x2f7: {  	v20 =	vcvt.f32.s32 v5;
	v8 =	vtrunc.f32 v8  }
0x2f8: {  	v14 =	vadd.f32 $-9.999999740e-06, v2;
	v13 =	vcvt.s32.f32 v3;
	v21 =	vcvt.f32.s32 v8  }
0x2f9: {  	s12 =	simm.s32 $0x3240;
	v18 =	vld [tilespmem:s11+$0xFFFFFFD0];
	v12 =	vadd.f32 $-9.999999740e-06, v1;
	v23 =	vcvt.s32.f32 v4;
	v24 =	vcvt.s32.f32 v20  }
0x2fa: {  	v8 =	vld [tilespmem:s11+$0xFFFFFFE0];
	[tilespmem:s12+$0xFFFFFFE0] =	vst v4;
	v4 =	vmul.f32 $1.000000000e+06, v22;
	v14 =	vtrunc.f32 v14  }
0x2fb: {  	[tilespmem:s12+$0x30] =	vst v3;
	v3 =	vld [tilespmem:s11+$0xFFFFFFF0];
	v12 =	vtrunc.f32 v12;
	v5 =	vsub.f32 v7, v13;
	v13 =	vcvt.f32.s32 v14  }
0x2fc: {  	v7 =	vcvt.s32.f32 v15;
	v14 =	vcvt.s32.f32 v6  }
0x2fd: {  	s8 =	simm.s32 $0x6440;
	[tilespmem:s12+$0xFFFFFFC0] =	vst v15;
	v12 =	vcvt.f32.s32 v12;
	v15 =	vld [tilespmem:s11+$0x10];
	v26 =	vcvt.s32.f32 v21  }
0x2fe: {  	v17 =	vld [tilespmem:s11+$0x20];
	[tilespmem:s8+$0x30] =	vst v5;
	v10 =	vsub.f32 v10, v7;
	v5 =	vmul.f32 $1.000000000e+06, v18;
	v9 =	vsub.f32 v9, v14  }
0x2ff: {  	[tilespmem:s12+$0xFFFFFFD0] =	vst v6;
	v7 =	vcvt.s32.f32 v12;
	v14 =	vld [tilespmem:s11+$0xFFFFFFC0];
	v18 =	vadd.f32 $-9.999999740e-06, v25;
	v6 =	vmul.f32 $1.000000000e+06, v8  }
0x300: {  	[tilespmem:s12+$0xFFFFFFF0] =	vst v20;
	v11 =	vsub.f32 v11, v23;
	v8 =	vcvt.s32.f32 v13;
	v3 =	vmul.f32 $1.000000000e+06, v3  }
0x301: {  	[tilespmem:s8+$0xFFFFFFC0] =	vst v10;
	v10 =	vadd.f32 $-9.999999740e-06, v5;
	v18 =	vtrunc.f32 v18;
	v23 =	vadd.f32 $-9.999999740e-06, v6  }
0x302: {  	[tilespmem:s8+$0xFFFFFFD0] =	vst v9;
	v20 =	vadd.f32 $-9.999999740e-06, v3;
	v9 =	vmul.f32 $1.000000000e+06, v15;
	v18 =	vcvt.f32.s32 v18  }
0x303: {  	[tilespmem:s12+$0x0] =	vst v21;
	v15 =	vadd.f32 $-9.999999740e-06, v4;
	v22 =	vtrunc.f32 v10;
	v10 =	vmul.f32 $1.000000000e+06, v17  }
0x304: {  	[tilespmem:s8+$0xFFFFFFE0] =	vst v11;
	v11 =	vmul.f32 $1.000000000e+06, v14;
	v14 =	vadd.f32 $-9.999999740e-06, v9;
	v21 =	vcvt.s32.f32 v18  }
0x305: {  	[tilespmem:s12+$0x10] =	vst v12;
	v17 =	vtrunc.f32 v23;
	v12 =	vtrunc.f32 v20;
	v20 =	vadd.f32 $-9.999999740e-06, v10  }
0x306: {  	s10 =	simm.s32 $0x32C0;
	[tilespmem:s12+$0x20] =	vst v13;
	v15 =	vtrunc.f32 v15;
	v23 =	vadd.f32 $-9.999999740e-06, v11;
	v21 =	vsub.f32 v25, v21  }
0x307: {  	s9 =	simm.s32 $0x64C0;
	[tilespmem:s10+$0x30] =	vst v18;
	v18 =	vsub.f32 v16, v24;
	v16 =	vcvt.f32.s32 v22;
	v14 =	vtrunc.f32 v14  }
0x308: {  	s11 =	simm.s32 $0x80;
	s12 =	simm.s32 $0x140;
	v19 =	vsub.f32 v19, v26;
	v13 =	vtrunc.f32 v20;
	v20 =	vtrunc.f32 v23;
	[tilespmem:s9+$0x30] =	vst v21  }
.LBB2_24:
0x309: {  	v21 =	vld [tilespmem:s12+$0x30];
	s11 =	sadd.s32 $0x80, s11;
	v20 =	vcvt.f32.s32 v20;
	v17 =	vcvt.f32.s32 v17;
	[tilespmem:s8+$0xFFFFFFF0] =	vst v18;
	v7 =	vsub.f32 v1, v7;
	v1 =	vmovc v9  }
0x30a: {  	v12 =	vcvt.f32.s32 v12;
	v15 =	vcvt.f32.s32 v15;
	v8 =	vsub.f32 v2, v8;
	v2 =	vmovc v10;
	v9 =	vld [tilespmem:s12+$0xFFFFFFD0];
	p0 =	slt.u32 s11, $0x1880;
	[tilespmem:s8+$0x0] =	vst v19  }
0x30b: {  	v14 =	vcvt.f32.s32 v14;
	v13 =	vcvt.f32.s32 v13;
	v10 =	vld [tilespmem:s12+$0xFFFFFFE0];
	[tilespmem:s8+$0x10] =	vst v7  }
0x30c: {  	v19 =	vcvt.s32.f32 v16;
	v7 =	vcvt.s32.f32 v20;
	v18 =	vld [tilespmem:s12+$0xFFFFFFF0];
	[tilespmem:s8+$0x20] =	vst v8;
	s8 =	smov.u32 s9  }
0x30d: {  	v23 =	vcvt.s32.f32 v12;
	v22 =	vld [tilespmem:s12+$0x0];
	[tilespmem:s10+$0xFFFFFFC0] =	vst v20;
	v20 =	vcvt.s32.f32 v17  }
0x30e: {  	v25 =	vcvt.s32.f32 v15;
	v8 =	vsub.f32 v11, v7;
	v24 =	vld [tilespmem:s12+$0x10];
	v21 =	vmul.f32 $1.000000000e+06, v21;
	[tilespmem:s10+$0xFFFFFFD0] =	vst v16  }
0x30f: {  	v7 =	vcvt.s32.f32 v14;
	v16 =	vsub.f32 v5, v19;
	v11 =	vld [tilespmem:s12+$0x20];
	v5 =	vmul.f32 $1.000000000e+06, v9;
	[tilespmem:s10+$0xFFFFFFE0] =	vst v17  }
0x310: {  	v17 =	vld [tilespmem:s12+$0xFFFFFFC0];
	v9 =	vmul.f32 $1.000000000e+06, v10  }
0x311: {  	v10 =	vadd.f32 $-9.999999740e-06, v21;
	[tilespmem:s9+$0xFFFFFFC0] =	vst v8;
	v8 =	vcvt.s32.f32 v13;
	v19 =	vadd.f32 $-9.999999740e-06, v5  }
0x312: {  	v26 =	vmul.f32 $1.000000000e+06, v18;
	[tilespmem:s9+$0xFFFFFFD0] =	vst v16;
	v16 =	vsub.f32 v6, v20;
	v22 =	vmul.f32 $1.000000000e+06, v22  }
0x313: {  	v18 =	vadd.f32 $-9.999999740e-06, v9;
	v10 =	vtrunc.f32 v10;
	[tilespmem:s10+$0xFFFFFFF0] =	vst v12;
	v6 =	vmovc v9;
	v9 =	vmul.f32 $1.000000000e+06, v24  }
0x314: {  	v12 =	vadd.f32 $-9.999999740e-06, v26;
	v20 =	vcvt.f32.s32 v10;
	[tilespmem:s9+$0xFFFFFFE0] =	vst v16;
	v16 =	vtrunc.f32 v19  }
0x315: {  	v19 =	vadd.f32 $-9.999999740e-06, v22;
	v10 =	vmul.f32 $1.000000000e+06, v11;
	[tilespmem:s10+$0x0] =	vst v15;
	v11 =	vmul.f32 $1.000000000e+06, v17  }
.Ltmp11:
0x316: {  	v24 =	vadd.f32 $-9.999999740e-06, v9;
	v27 =	vcvt.s32.f32 v20;
	[tilespmem:s10+$0x10] =	vst v14;
	(pc) =	sbr.rel @p0 .LBB2_24-.Ltmp11, $4  }
0x317: {  	v17 =	vtrunc.f32 v18;
	v12 =	vtrunc.f32 v12;
	v18 =	vadd.f32 $-9.999999740e-06, v10;
	[tilespmem:s10+$0x20] =	vst v13  }
0x318: {  	v15 =	vtrunc.f32 v19;
	s10 =	sadd.s32 $0x80, s10;
	v28 =	vadd.f32 $-9.999999740e-06, v11;
	v19 =	vsub.f32 v21, v27  }
0x319: {  	s9 =	sadd.s32 $0x80, s9;
	v14 =	vtrunc.f32 v24;
	v13 =	vtrunc.f32 v18;
	[tilespmem:s10+$0x30] =	vst v20;
	v18 =	vsub.f32 v3, v23;
	v3 =	vmovc v26  }
0x31a: {  	s12 =	sadd.s32 $0x80, s12;
	v16 =	vcvt.f32.s32 v16;
	v20 =	vtrunc.f32 v28;
	[tilespmem:s9+$0x30] =	vst v19;
	v19 =	vsub.f32 v4, v25;
	v4 =	vmovc v22  }
0x31b: {  	[tilespmem:s8+$0xFFFFFFF0] =	vst v18  }
0x31c: {  	v1 =	vsub.f32 v1, v7;
	[tilespmem:s8+$0x0] =	vst v19  }
0x31d: {  	v7 =	vcvt.f32.s32 v20;
	v2 =	vsub.f32 v2, v8;
	[tilespmem:s10+$0xFFFFFFD0] =	vst v16  }
0x31e: {  	v8 =	vcvt.s32.f32 v16;
	[tilespmem:s8+$0x10] =	vst v1  }
0x31f: {  	v1 =	vcvt.s32.f32 v7;
	[tilespmem:s8+$0x20] =	vst v2;
	v2 =	vcvt.f32.s32 v17  }
0x320: {  	[tilespmem:s10+$0xFFFFFFC0] =	vst v7;
	v5 =	vsub.f32 v5, v8  }
0x321: {  	v1 =	vsub.f32 v11, v1;
	[tilespmem:s10+$0xFFFFFFE0] =	vst v2  }
0x322: {  	v7 =	vcvt.s32.f32 v2;
	v2 =	vcvt.f32.s32 v12;
	[tilespmem:s9+$0xFFFFFFD0] =	vst v5  }
0x323: {  	v5 =	vcvt.f32.s32 v15;
	[tilespmem:s9+$0xFFFFFFC0] =	vst v1  }
0x324: {  	v1 =	vsub.f32 v6, v7;
	[tilespmem:s10+$0xFFFFFFF0] =	vst v2  }
0x325: {  	v6 =	vcvt.f32.s32 v14;
	v2 =	vcvt.s32.f32 v2;
	[tilespmem:s10+$0x0] =	vst v5  }
0x326: {  	v7 =	vcvt.s32.f32 v5;
	[tilespmem:s9+$0xFFFFFFE0] =	vst v1;
	v1 =	vcvt.f32.s32 v13  }
0x327: {  	v5 =	vcvt.s32.f32 v6;
	[tilespmem:s10+$0x10] =	vst v6;
	v2 =	vsub.f32 v3, v2  }
0x328: {  	v3 =	vcvt.s32.f32 v1;
	[tilespmem:s10+$0x20] =	vst v1;
	v1 =	vsub.f32 v4, v7  }
0x329: {  	[tilespmem:s9+$0xFFFFFFF0] =	vst v2;
	v2 =	vsub.f32 v9, v5  }
0x32a: {  	[tilespmem:s9+$0x0] =	vst v1;
	v1 =	vsub.f32 v10, v3  }
0x32b: {  	[tilespmem:s9+$0x10] =	vst v2  }
0x32c: {  	[tilespmem:s9+$0x20] =	vst v1  }
0x32d: {  	_ =	swait.ge [sflag:s22], $0x1900  }
0x32e: {  	[sflag:s22] =	ssyncset.done $0x0  }
0x32f: {  	[sflag:s22] =	ssyncadd.s32 $0xFFFFE700  }
0x330: {  	[tilespmem:s28], [sflag:$0x3] =	stream.indirect.gather [hbm4b:s3+s25], $0x1, s26, s25, $0xb8;
	[tilespmem:$0xFA80] =	vst v63  }
0x331: {  	_ = 	snop  }
0x332: {  	[tilespmem:s25], [sflag:$0x2] =	stream.linear.gather [hbm4b:s17+s2], $0x1900, $0x38;
	[tilespmem:$0xFA80] =	vst v63  }
0x333: {  	_ =	swait.ge [sflag:s6], $0x1900  }
0x334: {  	[sflag:s6] =	ssyncset.done $0x0  }
0x335: {  	s12 =	simm.s32 $0xAF40;
	[sflag:s6] =	ssyncadd.s32 $0xFFFFE700  }
0x336: {  	s8 =	simm.s32 $0x7D40;
	v2 =	vld [tilespmem:s12+$0x30]  }
0x337: {  	v1 =	vld [tilespmem:s8+$0x30]  }
0x338: {  	v3 =	vld [tilespmem:s12+$0xFFFFFFD0]  }
0x339: {  	v4 =	vld [tilespmem:s12+$0xFFFFFFE0]  }
0x33a: {  	v5 =	vld [tilespmem:s12+$0xFFFFFFF0]  }
0x33b: {  	v8 =	vld [tilespmem:s12+$0x0]  }
0x33c: {  	v15 =	vld [tilespmem:s12+$0xFFFFFFC0]  }
0x33d: {  	v18 =	vld [tilespmem:s8+$0xFFFFFFC0]  }
0x33e: {  	v21 =	vld [tilespmem:s8+$0xFFFFFFD0];
	v6 =	vshll.u32 v2, $0x10  }
0x33f: {  	v11 =	vld [tilespmem:s12+$0x20];
	v20 =	vshll.u32 v3, $0x10;
	v6 =	vmul.f32 v6, v1  }
0x340: {  	v10 =	vld [tilespmem:s12+$0x10];
	v2 =	vand.u32 $0xFFFF0000, v2;
	v7 =	vshll.u32 v4, $0x10;
	v9 =	vshll.u32 v5, $0x10  }
0x341: {  	v12 =	vld [tilespmem:s8+$0xFFFFFFE0];
	v19 =	vshll.u32 v15, $0x10;
	v1 =	vand.u32 $0xFFFF0000, v3;
	v2 =	vadd.f32 v2, v6  }
0x342: {  	v13 =	vld [tilespmem:s8+$0xFFFFFFF0];
	v3 =	vand.u32 $0xFFFF0000, v4;
	v4 =	vand.u32 $0xFFFF0000, v8;
	v19 =	vmul.f32 v19, v18  }
0x343: {  	v14 =	vld [tilespmem:s8+$0x0];
	v8 =	vshll.u32 v8, $0x10;
	v18 =	vmul.f32 v20, v21;
	v17 =	vmul.f32 v2, v0  }
0x344: {  	s9 =	simm.s32 $0xE140;
	v16 =	vld [tilespmem:s8+$0x10];
	v6 =	vand.u32 $0xFFFF0000, v5;
	v5 =	vand.u32 $0xFFFF0000, v11;
	v11 =	vshll.u32 v11, $0x10  }
0x345: {  	s11 =	simm.s32 $0x0;
	s10 =	simm.s32 $0xE140;
	s12 =	simm.s32 $0xAFC0;
	v2 =	vand.u32 $0xFFFF0000, v10;
	v10 =	vshll.u32 v10, $0x10;
	[tilespmem:s9+$0x30] =	vst v17;
	v17 =	vand.u32 $0xFFFF0000, v15;
	v15 =	vld [tilespmem:s8+$0x20]  }
.LBB2_26:
0x346: {  	v20 =	vld [tilespmem:s12+$0x30];
	s11 =	sadd.s32 $0x80, s11;
	v17 =	vadd.f32 v17, v19;
	v7 =	vmul.f32 v7, v12;
	s8 =	sadd.s32 $0x80, s8  }
0x347: {  	v12 =	vld [tilespmem:s8+$0x30];
	p0 =	slt.u32 s11, $0x1880;
	v1 =	vadd.f32 v1, v18;
	v9 =	vmul.f32 v9, v13  }
0x348: {  	v13 =	vld [tilespmem:s12+$0xFFFFFFD0];
	v17 =	vmul.f32 v17, v0;
	v3 =	vadd.f32 v3, v7;
	v7 =	vmul.f32 v8, v14  }
0x349: {  	v8 =	vld [tilespmem:s12+$0xFFFFFFE0];
	v1 =	vmul.f32 v1, v0;
	v6 =	vadd.f32 v6, v9;
	v9 =	vmul.f32 v10, v16  }
0x34a: {  	v10 =	vld [tilespmem:s12+$0xFFFFFFF0];
	[tilespmem:s9+$0xFFFFFFC0] =	vst v17;
	v3 =	vmul.f32 v3, v0;
	v4 =	vadd.f32 v4, v7;
	v7 =	vmul.f32 v11, v15  }
0x34b: {  	v11 =	vld [tilespmem:s12+$0x0];
	v14 =	vshll.u32 v20, $0x10;
	[tilespmem:s9+$0xFFFFFFD0] =	vst v1;
	v6 =	vmul.f32 v6, v0;
	v2 =	vadd.f32 v2, v9  }
0x34c: {  	v15 =	vld [tilespmem:s12+$0x10];
	v9 =	vmul.f32 v14, v12;
	[tilespmem:s9+$0xFFFFFFE0] =	vst v3;
	v4 =	vmul.f32 v4, v0;
	v5 =	vadd.f32 v5, v7  }
0x34d: {  	v12 =	vand.u32 $0xFFFF0000, v20;
	v1 =	vand.u32 $0xFFFF0000, v13;
	v18 =	vshll.u32 v13, $0x10;
	v14 =	vld [tilespmem:s12+$0x20];
	[tilespmem:s9+$0xFFFFFFF0] =	vst v6  }
0x34e: {  	v16 =	vld [tilespmem:s12+$0xFFFFFFC0];
	v3 =	vand.u32 $0xFFFF0000, v8;
	v7 =	vshll.u32 v8, $0x10;
	v12 =	vadd.f32 v12, v9;
	[tilespmem:s9+$0x0] =	vst v4  }
0x34f: {  	v13 =	vmul.f32 v2, v0;
	v19 =	vld [tilespmem:s8+$0xFFFFFFC0];
	v6 =	vand.u32 $0xFFFF0000, v10;
	v9 =	vshll.u32 v10, $0x10  }
0x350: {  	v20 =	vld [tilespmem:s8+$0xFFFFFFD0];
	v4 =	vand.u32 $0xFFFF0000, v11;
	v8 =	vshll.u32 v11, $0x10;
	v17 =	vmul.f32 v12, v0  }
.Ltmp12:
0x351: {  	s9 =	sadd.s32 $0x80, s9;
	v12 =	vld [tilespmem:s8+$0xFFFFFFE0];
	v2 =	vand.u32 $0xFFFF0000, v15;
	v10 =	vshll.u32 v15, $0x10;
	[tilespmem:s10+$0x10] =	vst v13;
	v15 =	vmul.f32 v5, v0;
	(pc) =	sbr.rel @p0 .LBB2_26-.Ltmp12, $4  }
0x352: {  	v13 =	vld [tilespmem:s8+$0xFFFFFFF0];
	v5 =	vand.u32 $0xFFFF0000, v14;
	v11 =	vshll.u32 v14, $0x10;
	[tilespmem:s9+$0x30] =	vst v17  }
0x353: {  	v17 =	vand.u32 $0xFFFF0000, v16;
	v16 =	vshll.u32 v16, $0x10;
	v14 =	vld [tilespmem:s8+$0x0];
	[tilespmem:s10+$0x20] =	vst v15;
	s10 =	smov.u32 s9  }
0x354: {  	v19 =	vmul.f32 v16, v19;
	v16 =	vld [tilespmem:s8+$0x10]  }
0x355: {  	s12 =	sadd.s32 $0x80, s12;
	v18 =	vmul.f32 v18, v20;
	v15 =	vld [tilespmem:s8+$0x20]  }
0x356: {  	v17 =	vadd.f32 v17, v19;
	v7 =	vmul.f32 v7, v12  }
0x357: {  	v1 =	vadd.f32 v1, v18;
	v9 =	vmul.f32 v9, v13  }
0x358: {  	v12 =	vmul.f32 v17, v0;
	v3 =	vadd.f32 v3, v7;
	v7 =	vmul.f32 v8, v14  }
0x359: {  	v1 =	vmul.f32 v1, v0;
	v6 =	vadd.f32 v6, v9;
	v8 =	vmul.f32 v10, v16  }
0x35a: {  	[tilespmem:s9+$0xFFFFFFC0] =	vst v12;
	v3 =	vmul.f32 v3, v0;
	v4 =	vadd.f32 v4, v7;
	v7 =	vmul.f32 v11, v15  }
0x35b: {  	[tilespmem:s9+$0xFFFFFFD0] =	vst v1;
	v1 =	vmul.f32 v6, v0;
	v2 =	vadd.f32 v2, v8  }
0x35c: {  	[tilespmem:s9+$0xFFFFFFE0] =	vst v3;
	v3 =	vmul.f32 v4, v0;
	v4 =	vadd.f32 v5, v7  }
0x35d: {  	[tilespmem:s9+$0xFFFFFFF0] =	vst v1;
	v1 =	vmul.f32 v2, v0  }
0x35e: {  	[tilespmem:s9+$0x0] =	vst v3;
	v2 =	vmul.f32 v4, v0  }
0x35f: {  	[tilespmem:s10+$0x10] =	vst v1  }
0x360: {  	[tilespmem:s10+$0x20] =	vst v2  }
0x361: {  	[hbm4b:s18+s2] =	stream.linear.scatter [tilespmem:s4], [sflag:$0x6], $0x1900, $0x38;
	[tilespmem:$0xFA80] =	vst v63  }
0x362: {  	_ =	swait.ge [sflag:s29], $0x1900  }
0x363: {  	[sflag:s29] =	ssyncset.done $0x0  }
0x364: {  	s8 =	simm.s32 $0x1940;
	[sflag:s29] =	ssyncadd.s32 $0xFFFFE700  }
0x365: {  	v1 =	vld [tilespmem:s8+$0x30]  }
0x366: {  	v2 =	vld [tilespmem:s8+$0xFFFFFFD0]  }
0x367: {  	v3 =	vld [tilespmem:s8+$0xFFFFFFE0]  }
0x368: {  	v4 =	vld [tilespmem:s8+$0xFFFFFFF0]  }
0x369: {  	v5 =	vld [tilespmem:s8+$0x0]  }
0x36a: {  	s11 =	simm.s32 $0x19C0;
	v10 =	vld [tilespmem:s8+$0xFFFFFFC0]  }
0x36b: {  	v17 =	vld [tilespmem:s11+$0x30];
	_ =	sdelay $0x1  }
0x36c: {  	v6 =	vld [tilespmem:s8+$0x10];
	v7 =	vmul.f32 $1.000000000e+06, v1  }
0x36d: {  	v8 =	vld [tilespmem:s8+$0x20];
	v9 =	vmul.f32 $1.000000000e+06, v2;
	v11 =	vmul.f32 $1.000000000e+06, v3  }
0x36e: {  	v16 =	vmul.f32 $1.000000000e+06, v4;
	v19 =	vmul.f32 $1.000000000e+06, v5;
	v1 =	vadd.f32 $-9.999999740e-06, v7  }
0x36f: {  	v10 =	vmul.f32 $1.000000000e+06, v10;
	v25 =	vmul.f32 $1.000000000e+06, v17;
	v2 =	vadd.f32 $-9.999999740e-06, v9  }
0x370: {  	v4 =	vadd.f32 $-9.999999740e-06, v11;
	v5 =	vadd.f32 $-9.999999740e-06, v16;
	v3 =	vtrunc.f32 v1  }
0x371: {  	v15 =	vadd.f32 $-9.999999740e-06, v10;
	v1 =	vmul.f32 $1.000000000e+06, v6;
	v6 =	vtrunc.f32 v2  }
0x372: {  	v2 =	vmul.f32 $1.000000000e+06, v8;
	v4 =	vtrunc.f32 v4  }
0x373: {  	v5 =	vtrunc.f32 v5;
	v15 =	vtrunc.f32 v15  }
0x374: {  	v22 =	vld [tilespmem:s11+$0x0];
	v8 =	vadd.f32 $-9.999999740e-06, v19;
	v3 =	vcvt.f32.s32 v3;
	v6 =	vcvt.f32.s32 v6  }
0x375: {  	v15 =	vcvt.f32.s32 v15;
	v4 =	vcvt.f32.s32 v4  }
0x376: {  	v20 =	vcvt.f32.s32 v5;
	v8 =	vtrunc.f32 v8  }
0x377: {  	v14 =	vadd.f32 $-9.999999740e-06, v2;
	v13 =	vcvt.s32.f32 v3;
	v21 =	vcvt.f32.s32 v8  }
0x378: {  	s12 =	simm.s32 $0x4B40;
	v18 =	vld [tilespmem:s11+$0xFFFFFFD0];
	v12 =	vadd.f32 $-9.999999740e-06, v1;
	v23 =	vcvt.s32.f32 v4;
	v24 =	vcvt.s32.f32 v20  }
0x379: {  	v8 =	vld [tilespmem:s11+$0xFFFFFFE0];
	[tilespmem:s12+$0xFFFFFFE0] =	vst v4;
	v4 =	vmul.f32 $1.000000000e+06, v22;
	v14 =	vtrunc.f32 v14  }
0x37a: {  	[tilespmem:s12+$0x30] =	vst v3;
	v3 =	vld [tilespmem:s11+$0xFFFFFFF0];
	v12 =	vtrunc.f32 v12;
	v5 =	vsub.f32 v7, v13;
	v13 =	vcvt.f32.s32 v14  }
0x37b: {  	v7 =	vcvt.s32.f32 v15;
	v14 =	vcvt.s32.f32 v6  }
0x37c: {  	s8 =	simm.s32 $0x7D40;
	[tilespmem:s12+$0xFFFFFFC0] =	vst v15;
	v12 =	vcvt.f32.s32 v12;
	v15 =	vld [tilespmem:s11+$0x10];
	v26 =	vcvt.s32.f32 v21  }
0x37d: {  	v17 =	vld [tilespmem:s11+$0x20];
	[tilespmem:s8+$0x30] =	vst v5;
	v10 =	vsub.f32 v10, v7;
	v5 =	vmul.f32 $1.000000000e+06, v18;
	v9 =	vsub.f32 v9, v14  }
0x37e: {  	[tilespmem:s12+$0xFFFFFFD0] =	vst v6;
	v7 =	vcvt.s32.f32 v12;
	v14 =	vld [tilespmem:s11+$0xFFFFFFC0];
	v18 =	vadd.f32 $-9.999999740e-06, v25;
	v6 =	vmul.f32 $1.000000000e+06, v8  }
0x37f: {  	[tilespmem:s12+$0xFFFFFFF0] =	vst v20;
	v11 =	vsub.f32 v11, v23;
	v8 =	vcvt.s32.f32 v13;
	v3 =	vmul.f32 $1.000000000e+06, v3  }
0x380: {  	[tilespmem:s8+$0xFFFFFFC0] =	vst v10;
	v10 =	vadd.f32 $-9.999999740e-06, v5;
	v18 =	vtrunc.f32 v18;
	v23 =	vadd.f32 $-9.999999740e-06, v6  }
0x381: {  	[tilespmem:s8+$0xFFFFFFD0] =	vst v9;
	v20 =	vadd.f32 $-9.999999740e-06, v3;
	v9 =	vmul.f32 $1.000000000e+06, v15;
	v18 =	vcvt.f32.s32 v18  }
0x382: {  	[tilespmem:s12+$0x0] =	vst v21;
	v15 =	vadd.f32 $-9.999999740e-06, v4;
	v22 =	vtrunc.f32 v10;
	v10 =	vmul.f32 $1.000000000e+06, v17  }
0x383: {  	[tilespmem:s8+$0xFFFFFFE0] =	vst v11;
	v11 =	vmul.f32 $1.000000000e+06, v14;
	v14 =	vadd.f32 $-9.999999740e-06, v9;
	v21 =	vcvt.s32.f32 v18  }
0x384: {  	[tilespmem:s12+$0x10] =	vst v12;
	v17 =	vtrunc.f32 v23;
	v12 =	vtrunc.f32 v20;
	v20 =	vadd.f32 $-9.999999740e-06, v10  }
0x385: {  	s10 =	simm.s32 $0x4BC0;
	[tilespmem:s12+$0x20] =	vst v13;
	v15 =	vtrunc.f32 v15;
	v23 =	vadd.f32 $-9.999999740e-06, v11;
	v21 =	vsub.f32 v25, v21  }
0x386: {  	s9 =	simm.s32 $0x7DC0;
	[tilespmem:s10+$0x30] =	vst v18;
	v18 =	vsub.f32 v16, v24;
	v16 =	vcvt.f32.s32 v22;
	v14 =	vtrunc.f32 v14  }
0x387: {  	s11 =	simm.s32 $0x80;
	s12 =	simm.s32 $0x1A40;
	v19 =	vsub.f32 v19, v26;
	v13 =	vtrunc.f32 v20;
	v20 =	vtrunc.f32 v23;
	[tilespmem:s9+$0x30] =	vst v21  }
.LBB2_28:
0x388: {  	v21 =	vld [tilespmem:s12+$0x30];
	s11 =	sadd.s32 $0x80, s11;
	v20 =	vcvt.f32.s32 v20;
	v17 =	vcvt.f32.s32 v17;
	[tilespmem:s8+$0xFFFFFFF0] =	vst v18;
	v7 =	vsub.f32 v1, v7;
	v1 =	vmovc v9  }
0x389: {  	v12 =	vcvt.f32.s32 v12;
	v15 =	vcvt.f32.s32 v15;
	v8 =	vsub.f32 v2, v8;
	v2 =	vmovc v10;
	v9 =	vld [tilespmem:s12+$0xFFFFFFD0];
	p0 =	slt.u32 s11, $0x1880;
	[tilespmem:s8+$0x0] =	vst v19  }
0x38a: {  	v14 =	vcvt.f32.s32 v14;
	v13 =	vcvt.f32.s32 v13;
	v10 =	vld [tilespmem:s12+$0xFFFFFFE0];
	[tilespmem:s8+$0x10] =	vst v7  }
0x38b: {  	v19 =	vcvt.s32.f32 v16;
	v7 =	vcvt.s32.f32 v20;
	v18 =	vld [tilespmem:s12+$0xFFFFFFF0];
	[tilespmem:s8+$0x20] =	vst v8;
	s8 =	smov.u32 s9  }
0x38c: {  	v23 =	vcvt.s32.f32 v12;
	v22 =	vld [tilespmem:s12+$0x0];
	[tilespmem:s10+$0xFFFFFFC0] =	vst v20;
	v20 =	vcvt.s32.f32 v17  }
0x38d: {  	v25 =	vcvt.s32.f32 v15;
	v8 =	vsub.f32 v11, v7;
	v24 =	vld [tilespmem:s12+$0x10];
	v21 =	vmul.f32 $1.000000000e+06, v21;
	[tilespmem:s10+$0xFFFFFFD0] =	vst v16  }
0x38e: {  	v7 =	vcvt.s32.f32 v14;
	v16 =	vsub.f32 v5, v19;
	v11 =	vld [tilespmem:s12+$0x20];
	v5 =	vmul.f32 $1.000000000e+06, v9;
	[tilespmem:s10+$0xFFFFFFE0] =	vst v17  }
0x38f: {  	v17 =	vld [tilespmem:s12+$0xFFFFFFC0];
	v9 =	vmul.f32 $1.000000000e+06, v10  }
0x390: {  	v10 =	vadd.f32 $-9.999999740e-06, v21;
	[tilespmem:s9+$0xFFFFFFC0] =	vst v8;
	v8 =	vcvt.s32.f32 v13;
	v19 =	vadd.f32 $-9.999999740e-06, v5  }
0x391: {  	v26 =	vmul.f32 $1.000000000e+06, v18;
	[tilespmem:s9+$0xFFFFFFD0] =	vst v16;
	v16 =	vsub.f32 v6, v20;
	v22 =	vmul.f32 $1.000000000e+06, v22  }
0x392: {  	v18 =	vadd.f32 $-9.999999740e-06, v9;
	v10 =	vtrunc.f32 v10;
	[tilespmem:s10+$0xFFFFFFF0] =	vst v12;
	v6 =	vmovc v9;
	v9 =	vmul.f32 $1.000000000e+06, v24  }
0x393: {  	v12 =	vadd.f32 $-9.999999740e-06, v26;
	v20 =	vcvt.f32.s32 v10;
	[tilespmem:s9+$0xFFFFFFE0] =	vst v16;
	v16 =	vtrunc.f32 v19  }
0x394: {  	v19 =	vadd.f32 $-9.999999740e-06, v22;
	v10 =	vmul.f32 $1.000000000e+06, v11;
	[tilespmem:s10+$0x0] =	vst v15;
	v11 =	vmul.f32 $1.000000000e+06, v17  }
.Ltmp13:
0x395: {  	v24 =	vadd.f32 $-9.999999740e-06, v9;
	v27 =	vcvt.s32.f32 v20;
	[tilespmem:s10+$0x10] =	vst v14;
	(pc) =	sbr.rel @p0 .LBB2_28-.Ltmp13, $4  }
0x396: {  	v17 =	vtrunc.f32 v18;
	v12 =	vtrunc.f32 v12;
	v18 =	vadd.f32 $-9.999999740e-06, v10;
	[tilespmem:s10+$0x20] =	vst v13  }
0x397: {  	v15 =	vtrunc.f32 v19;
	s10 =	sadd.s32 $0x80, s10;
	v28 =	vadd.f32 $-9.999999740e-06, v11;
	v19 =	vsub.f32 v21, v27  }
0x398: {  	s9 =	sadd.s32 $0x80, s9;
	v14 =	vtrunc.f32 v24;
	v13 =	vtrunc.f32 v18;
	[tilespmem:s10+$0x30] =	vst v20;
	v18 =	vsub.f32 v3, v23;
	v3 =	vmovc v26  }
0x399: {  	s12 =	sadd.s32 $0x80, s12;
	v16 =	vcvt.f32.s32 v16;
	v20 =	vtrunc.f32 v28;
	[tilespmem:s9+$0x30] =	vst v19;
	v19 =	vsub.f32 v4, v25;
	v4 =	vmovc v22  }
0x39a: {  	[tilespmem:s8+$0xFFFFFFF0] =	vst v18  }
0x39b: {  	v1 =	vsub.f32 v1, v7;
	[tilespmem:s8+$0x0] =	vst v19  }
0x39c: {  	v7 =	vcvt.f32.s32 v20;
	v2 =	vsub.f32 v2, v8;
	[tilespmem:s10+$0xFFFFFFD0] =	vst v16  }
0x39d: {  	v8 =	vcvt.s32.f32 v16;
	[tilespmem:s8+$0x10] =	vst v1  }
0x39e: {  	v1 =	vcvt.s32.f32 v7;
	[tilespmem:s8+$0x20] =	vst v2;
	v2 =	vcvt.f32.s32 v17  }
0x39f: {  	[tilespmem:s10+$0xFFFFFFC0] =	vst v7;
	v5 =	vsub.f32 v5, v8  }
0x3a0: {  	v1 =	vsub.f32 v11, v1;
	[tilespmem:s10+$0xFFFFFFE0] =	vst v2  }
0x3a1: {  	v7 =	vcvt.s32.f32 v2;
	v2 =	vcvt.f32.s32 v12;
	[tilespmem:s9+$0xFFFFFFD0] =	vst v5  }
0x3a2: {  	v5 =	vcvt.f32.s32 v15;
	[tilespmem:s9+$0xFFFFFFC0] =	vst v1  }
0x3a3: {  	v1 =	vsub.f32 v6, v7;
	[tilespmem:s10+$0xFFFFFFF0] =	vst v2  }
0x3a4: {  	v6 =	vcvt.f32.s32 v14;
	v2 =	vcvt.s32.f32 v2;
	[tilespmem:s10+$0x0] =	vst v5  }
0x3a5: {  	v7 =	vcvt.s32.f32 v5;
	[tilespmem:s9+$0xFFFFFFE0] =	vst v1;
	v1 =	vcvt.f32.s32 v13  }
0x3a6: {  	v5 =	vcvt.s32.f32 v6;
	[tilespmem:s10+$0x10] =	vst v6;
	v2 =	vsub.f32 v3, v2  }
0x3a7: {  	v3 =	vcvt.s32.f32 v1;
	[tilespmem:s10+$0x20] =	vst v1;
	v1 =	vsub.f32 v4, v7  }
0x3a8: {  	[tilespmem:s9+$0xFFFFFFF0] =	vst v2;
	v2 =	vsub.f32 v9, v5  }
0x3a9: {  	[tilespmem:s9+$0x0] =	vst v1;
	v1 =	vsub.f32 v10, v3  }
0x3aa: {  	[tilespmem:s9+$0x10] =	vst v2  }
0x3ab: {  	[tilespmem:s9+$0x20] =	vst v1  }
0x3ac: {  	_ =	swait.ge [sflag:s30], $0x1900  }
0x3ad: {  	[sflag:s30] =	ssyncset.done $0x0  }
0x3ae: {  	[sflag:s30] =	ssyncadd.s32 $0xFFFFE700  }
0x3af: {  	[tilespmem:s1], [sflag:$0x4] =	stream.indirect.gather [hbm4b:s3+s25], $0x1, s31, s25, $0xb8;
	[tilespmem:$0xFA80] =	vst v63  }
0x3b0: {  	_ =	swait.ge [sflag:s5], $0x1900  }
0x3b1: {  	[sflag:s5] =	ssyncset.done $0x0  }
0x3b2: {  	s12 =	simm.s32 $0x9640;
	[sflag:s5] =	ssyncadd.s32 $0xFFFFE700  }
0x3b3: {  	s8 =	simm.s32 $0x6440;
	v2 =	vld [tilespmem:s12+$0x30]  }
0x3b4: {  	v1 =	vld [tilespmem:s8+$0x30]  }
0x3b5: {  	v3 =	vld [tilespmem:s12+$0xFFFFFFD0]  }
0x3b6: {  	v4 =	vld [tilespmem:s12+$0xFFFFFFE0]  }
0x3b7: {  	v5 =	vld [tilespmem:s12+$0xFFFFFFF0]  }
0x3b8: {  	v8 =	vld [tilespmem:s12+$0x0]  }
0x3b9: {  	v15 =	vld [tilespmem:s12+$0xFFFFFFC0]  }
0x3ba: {  	v18 =	vld [tilespmem:s8+$0xFFFFFFC0]  }
0x3bb: {  	v21 =	vld [tilespmem:s8+$0xFFFFFFD0];
	v6 =	vshll.u32 v2, $0x10  }
0x3bc: {  	v11 =	vld [tilespmem:s12+$0x20];
	v20 =	vshll.u32 v3, $0x10;
	v6 =	vmul.f32 v6, v1  }
0x3bd: {  	v10 =	vld [tilespmem:s12+$0x10];
	v2 =	vand.u32 $0xFFFF0000, v2;
	v7 =	vshll.u32 v4, $0x10;
	v9 =	vshll.u32 v5, $0x10  }
0x3be: {  	v12 =	vld [tilespmem:s8+$0xFFFFFFE0];
	v19 =	vshll.u32 v15, $0x10;
	v1 =	vand.u32 $0xFFFF0000, v3;
	v2 =	vadd.f32 v2, v6  }
0x3bf: {  	v13 =	vld [tilespmem:s8+$0xFFFFFFF0];
	v3 =	vand.u32 $0xFFFF0000, v4;
	v4 =	vand.u32 $0xFFFF0000, v8;
	v19 =	vmul.f32 v19, v18  }
0x3c0: {  	v14 =	vld [tilespmem:s8+$0x0];
	v8 =	vshll.u32 v8, $0x10;
	v18 =	vmul.f32 v20, v21;
	v17 =	vmul.f32 v2, v0  }
0x3c1: {  	s9 =	simm.s32 $0xC840;
	v16 =	vld [tilespmem:s8+$0x10];
	v6 =	vand.u32 $0xFFFF0000, v5;
	v5 =	vand.u32 $0xFFFF0000, v11;
	v11 =	vshll.u32 v11, $0x10  }
0x3c2: {  	s11 =	simm.s32 $0x0;
	s10 =	simm.s32 $0xC840;
	s12 =	simm.s32 $0x96C0;
	v2 =	vand.u32 $0xFFFF0000, v10;
	v10 =	vshll.u32 v10, $0x10;
	[tilespmem:s9+$0x30] =	vst v17;
	v17 =	vand.u32 $0xFFFF0000, v15;
	v15 =	vld [tilespmem:s8+$0x20]  }
.LBB2_30:
0x3c3: {  	v20 =	vld [tilespmem:s12+$0x30];
	s11 =	sadd.s32 $0x80, s11;
	v17 =	vadd.f32 v17, v19;
	v7 =	vmul.f32 v7, v12;
	s8 =	sadd.s32 $0x80, s8  }
0x3c4: {  	v12 =	vld [tilespmem:s8+$0x30];
	p0 =	slt.u32 s11, $0x1880;
	v1 =	vadd.f32 v1, v18;
	v9 =	vmul.f32 v9, v13  }
0x3c5: {  	v13 =	vld [tilespmem:s12+$0xFFFFFFD0];
	v17 =	vmul.f32 v17, v0;
	v3 =	vadd.f32 v3, v7;
	v7 =	vmul.f32 v8, v14  }
0x3c6: {  	v8 =	vld [tilespmem:s12+$0xFFFFFFE0];
	v1 =	vmul.f32 v1, v0;
	v6 =	vadd.f32 v6, v9;
	v9 =	vmul.f32 v10, v16  }
0x3c7: {  	v10 =	vld [tilespmem:s12+$0xFFFFFFF0];
	[tilespmem:s9+$0xFFFFFFC0] =	vst v17;
	v3 =	vmul.f32 v3, v0;
	v4 =	vadd.f32 v4, v7;
	v7 =	vmul.f32 v11, v15  }
0x3c8: {  	v11 =	vld [tilespmem:s12+$0x0];
	v14 =	vshll.u32 v20, $0x10;
	[tilespmem:s9+$0xFFFFFFD0] =	vst v1;
	v6 =	vmul.f32 v6, v0;
	v2 =	vadd.f32 v2, v9  }
0x3c9: {  	v15 =	vld [tilespmem:s12+$0x10];
	v9 =	vmul.f32 v14, v12;
	[tilespmem:s9+$0xFFFFFFE0] =	vst v3;
	v4 =	vmul.f32 v4, v0;
	v5 =	vadd.f32 v5, v7  }
0x3ca: {  	v12 =	vand.u32 $0xFFFF0000, v20;
	v1 =	vand.u32 $0xFFFF0000, v13;
	v18 =	vshll.u32 v13, $0x10;
	v14 =	vld [tilespmem:s12+$0x20];
	[tilespmem:s9+$0xFFFFFFF0] =	vst v6  }
0x3cb: {  	v16 =	vld [tilespmem:s12+$0xFFFFFFC0];
	v3 =	vand.u32 $0xFFFF0000, v8;
	v7 =	vshll.u32 v8, $0x10;
	v12 =	vadd.f32 v12, v9;
	[tilespmem:s9+$0x0] =	vst v4  }
0x3cc: {  	v13 =	vmul.f32 v2, v0;
	v19 =	vld [tilespmem:s8+$0xFFFFFFC0];
	v6 =	vand.u32 $0xFFFF0000, v10;
	v9 =	vshll.u32 v10, $0x10  }
0x3cd: {  	v20 =	vld [tilespmem:s8+$0xFFFFFFD0];
	v4 =	vand.u32 $0xFFFF0000, v11;
	v8 =	vshll.u32 v11, $0x10;
	v17 =	vmul.f32 v12, v0  }
.Ltmp14:
0x3ce: {  	s9 =	sadd.s32 $0x80, s9;
	v12 =	vld [tilespmem:s8+$0xFFFFFFE0];
	v2 =	vand.u32 $0xFFFF0000, v15;
	v10 =	vshll.u32 v15, $0x10;
	[tilespmem:s10+$0x10] =	vst v13;
	v15 =	vmul.f32 v5, v0;
	(pc) =	sbr.rel @p0 .LBB2_30-.Ltmp14, $4  }
0x3cf: {  	v13 =	vld [tilespmem:s8+$0xFFFFFFF0];
	v5 =	vand.u32 $0xFFFF0000, v14;
	v11 =	vshll.u32 v14, $0x10;
	[tilespmem:s9+$0x30] =	vst v17  }
0x3d0: {  	v17 =	vand.u32 $0xFFFF0000, v16;
	v16 =	vshll.u32 v16, $0x10;
	v14 =	vld [tilespmem:s8+$0x0];
	[tilespmem:s10+$0x20] =	vst v15;
	s10 =	smov.u32 s9  }
0x3d1: {  	v19 =	vmul.f32 v16, v19;
	v16 =	vld [tilespmem:s8+$0x10]  }
0x3d2: {  	s12 =	sadd.s32 $0x80, s12;
	v18 =	vmul.f32 v18, v20;
	v15 =	vld [tilespmem:s8+$0x20]  }
0x3d3: {  	v17 =	vadd.f32 v17, v19;
	v7 =	vmul.f32 v7, v12  }
0x3d4: {  	v1 =	vadd.f32 v1, v18;
	v9 =	vmul.f32 v9, v13  }
0x3d5: {  	v12 =	vmul.f32 v17, v0;
	v3 =	vadd.f32 v3, v7;
	v7 =	vmul.f32 v8, v14  }
0x3d6: {  	v1 =	vmul.f32 v1, v0;
	v6 =	vadd.f32 v6, v9;
	v8 =	vmul.f32 v10, v16  }
0x3d7: {  	[tilespmem:s9+$0xFFFFFFC0] =	vst v12;
	v3 =	vmul.f32 v3, v0;
	v4 =	vadd.f32 v4, v7;
	v7 =	vmul.f32 v11, v15  }
0x3d8: {  	[tilespmem:s9+$0xFFFFFFD0] =	vst v1;
	v1 =	vmul.f32 v6, v0;
	v2 =	vadd.f32 v2, v8  }
0x3d9: {  	[tilespmem:s9+$0xFFFFFFE0] =	vst v3;
	v3 =	vmul.f32 v4, v0;
	v4 =	vadd.f32 v5, v7  }
0x3da: {  	[tilespmem:s9+$0xFFFFFFF0] =	vst v1;
	v1 =	vmul.f32 v2, v0  }
0x3db: {  	[tilespmem:s9+$0x0] =	vst v3;
	v2 =	vmul.f32 v4, v0  }
0x3dc: {  	[tilespmem:s10+$0x10] =	vst v1  }
0x3dd: {  	[tilespmem:s10+$0x20] =	vst v2  }
0x3de: {  	[hbm4b:s19+s2] =	stream.linear.scatter [tilespmem:s0], [sflag:$0x5], $0x1900, $0x38;
	[tilespmem:$0xFA80] =	vst v63  }
0x3df: {  	_ =	swait.ge [sflag:s22], $0x1900  }
0x3e0: {  	[sflag:s22] =	ssyncset.done $0x0  }
0x3e1: {  	[sflag:s22] =	ssyncadd.s32 $0xFFFFE700  }
0x3e2: {  	_ =	swait.ge [sflag:s6], $0x1900  }
0x3e3: {  	[sflag:s6] =	ssyncset.done $0x0  }
0x3e4: {  	s12 =	simm.s32 $0xAF40;
	[sflag:s6] =	ssyncadd.s32 $0xFFFFE700  }
0x3e5: {  	s8 =	simm.s32 $0x7D40;
	v2 =	vld [tilespmem:s12+$0x30]  }
0x3e6: {  	v1 =	vld [tilespmem:s8+$0x30]  }
0x3e7: {  	v3 =	vld [tilespmem:s12+$0xFFFFFFD0]  }
0x3e8: {  	v4 =	vld [tilespmem:s12+$0xFFFFFFE0]  }
0x3e9: {  	v5 =	vld [tilespmem:s12+$0xFFFFFFF0]  }
0x3ea: {  	v8 =	vld [tilespmem:s12+$0x0]  }
0x3eb: {  	v15 =	vld [tilespmem:s12+$0xFFFFFFC0]  }
0x3ec: {  	v16 =	vld [tilespmem:s8+$0xFFFFFFC0]  }
0x3ed: {  	v20 =	vld [tilespmem:s8+$0xFFFFFFD0];
	v6 =	vshll.u32 v2, $0x10  }
0x3ee: {  	v11 =	vld [tilespmem:s12+$0x20];
	v19 =	vshll.u32 v3, $0x10;
	v6 =	vmul.f32 v6, v1  }
0x3ef: {  	v10 =	vld [tilespmem:s12+$0x10];
	v2 =	vand.u32 $0xFFFF0000, v2;
	v7 =	vshll.u32 v4, $0x10;
	v9 =	vshll.u32 v5, $0x10  }
0x3f0: {  	v12 =	vld [tilespmem:s8+$0xFFFFFFE0];
	v18 =	vshll.u32 v15, $0x10;
	v1 =	vand.u32 $0xFFFF0000, v3;
	v2 =	vadd.f32 v2, v6  }
0x3f1: {  	v13 =	vld [tilespmem:s8+$0xFFFFFFF0];
	v3 =	vand.u32 $0xFFFF0000, v4;
	v4 =	vand.u32 $0xFFFF0000, v8;
	v18 =	vmul.f32 v18, v16  }
0x3f2: {  	v14 =	vld [tilespmem:s8+$0x0];
	v8 =	vshll.u32 v8, $0x10;
	v19 =	vmul.f32 v19, v20;
	v17 =	vmul.f32 v2, v0  }
0x3f3: {  	s9 =	simm.s32 $0xE140;
	v16 =	vld [tilespmem:s8+$0x10];
	v6 =	vand.u32 $0xFFFF0000, v5;
	v5 =	vand.u32 $0xFFFF0000, v11;
	v11 =	vshll.u32 v11, $0x10  }
0x3f4: {  	s11 =	simm.s32 $0x0;
	s10 =	simm.s32 $0xE140;
	s12 =	simm.s32 $0xAFC0;
	v2 =	vand.u32 $0xFFFF0000, v10;
	v10 =	vshll.u32 v10, $0x10;
	[tilespmem:s9+$0x30] =	vst v17;
	v17 =	vand.u32 $0xFFFF0000, v15;
	v15 =	vld [tilespmem:s8+$0x20]  }
.LBB2_32:
0x3f5: {  	v20 =	vld [tilespmem:s12+$0x30];
	s11 =	sadd.s32 $0x80, s11;
	v17 =	vadd.f32 v17, v18;
	v7 =	vmul.f32 v7, v12;
	s8 =	sadd.s32 $0x80, s8  }
0x3f6: {  	v12 =	vld [tilespmem:s8+$0x30];
	p0 =	slt.u32 s11, $0x1880;
	v1 =	vadd.f32 v1, v19;
	v9 =	vmul.f32 v9, v13  }
0x3f7: {  	v13 =	vld [tilespmem:s12+$0xFFFFFFD0];
	v17 =	vmul.f32 v17, v0;
	v3 =	vadd.f32 v3, v7;
	v7 =	vmul.f32 v8, v14  }
0x3f8: {  	v8 =	vld [tilespmem:s12+$0xFFFFFFE0];
	v1 =	vmul.f32 v1, v0;
	v6 =	vadd.f32 v6, v9;
	v9 =	vmul.f32 v10, v16  }
0x3f9: {  	v10 =	vld [tilespmem:s12+$0xFFFFFFF0];
	[tilespmem:s9+$0xFFFFFFC0] =	vst v17;
	v3 =	vmul.f32 v3, v0;
	v4 =	vadd.f32 v4, v7;
	v7 =	vmul.f32 v11, v15  }
0x3fa: {  	v11 =	vld [tilespmem:s12+$0x0];
	v14 =	vshll.u32 v20, $0x10;
	[tilespmem:s9+$0xFFFFFFD0] =	vst v1;
	v6 =	vmul.f32 v6, v0;
	v2 =	vadd.f32 v2, v9  }
0x3fb: {  	v15 =	vld [tilespmem:s12+$0x10];
	v9 =	vmul.f32 v14, v12;
	[tilespmem:s9+$0xFFFFFFE0] =	vst v3;
	v4 =	vmul.f32 v4, v0;
	v5 =	vadd.f32 v5, v7  }
0x3fc: {  	v12 =	vand.u32 $0xFFFF0000, v20;
	v1 =	vand.u32 $0xFFFF0000, v13;
	v19 =	vshll.u32 v13, $0x10;
	v14 =	vld [tilespmem:s12+$0x20];
	[tilespmem:s9+$0xFFFFFFF0] =	vst v6  }
0x3fd: {  	v16 =	vld [tilespmem:s12+$0xFFFFFFC0];
	v3 =	vand.u32 $0xFFFF0000, v8;
	v7 =	vshll.u32 v8, $0x10;
	v12 =	vadd.f32 v12, v9;
	[tilespmem:s9+$0x0] =	vst v4  }
0x3fe: {  	v13 =	vmul.f32 v2, v0;
	v18 =	vld [tilespmem:s8+$0xFFFFFFC0];
	v6 =	vand.u32 $0xFFFF0000, v10;
	v9 =	vshll.u32 v10, $0x10  }
0x3ff: {  	v20 =	vld [tilespmem:s8+$0xFFFFFFD0];
	v4 =	vand.u32 $0xFFFF0000, v11;
	v8 =	vshll.u32 v11, $0x10;
	v17 =	vmul.f32 v12, v0  }
.Ltmp15:
0x400: {  	s9 =	sadd.s32 $0x80, s9;
	v12 =	vld [tilespmem:s8+$0xFFFFFFE0];
	v2 =	vand.u32 $0xFFFF0000, v15;
	v10 =	vshll.u32 v15, $0x10;
	[tilespmem:s10+$0x10] =	vst v13;
	v15 =	vmul.f32 v5, v0;
	(pc) =	sbr.rel @p0 .LBB2_32-.Ltmp15, $4  }
0x401: {  	v13 =	vld [tilespmem:s8+$0xFFFFFFF0];
	v5 =	vand.u32 $0xFFFF0000, v14;
	v11 =	vshll.u32 v14, $0x10;
	[tilespmem:s9+$0x30] =	vst v17  }
0x402: {  	v17 =	vand.u32 $0xFFFF0000, v16;
	v16 =	vshll.u32 v16, $0x10;
	v14 =	vld [tilespmem:s8+$0x0];
	[tilespmem:s10+$0x20] =	vst v15;
	s10 =	smov.u32 s9  }
0x403: {  	v18 =	vmul.f32 v16, v18;
	v16 =	vld [tilespmem:s8+$0x10]  }
0x404: {  	s12 =	sadd.s32 $0x80, s12;
	v19 =	vmul.f32 v19, v20;
	v15 =	vld [tilespmem:s8+$0x20]  }
0x405: {  	v17 =	vadd.f32 v17, v18;
	v7 =	vmul.f32 v7, v12  }
0x406: {  	v1 =	vadd.f32 v1, v19;
	v9 =	vmul.f32 v9, v13  }
0x407: {  	v55 =	vmul.f32 v17, v0;
	v3 =	vadd.f32 v3, v7;
	v56 =	vmul.f32 v8, v14  }
0x408: {  	v1 =	vmul.f32 v1, v0;
	v6 =	vadd.f32 v6, v9;
	v57 =	vmul.f32 v10, v16  }
0x409: {  	[tilespmem:s9+$0xFFFFFFC0] =	vst v55;
	v3 =	vmul.f32 v3, v0;
	v4 =	vadd.f32 v4, v56;
	v58 =	vmul.f32 v11, v15  }
0x40a: {  	[tilespmem:s9+$0xFFFFFFD0] =	vst v1;
	v59 =	vmul.f32 v6, v0;
	v2 =	vadd.f32 v2, v57  }
0x40b: {  	[tilespmem:s9+$0xFFFFFFE0] =	vst v3;
	v60 =	vmul.f32 v4, v0;
	v61 =	vadd.f32 v5, v58  }
0x40c: {  	[tilespmem:s9+$0xFFFFFFF0] =	vst v59;
	v62 =	vmul.f32 v2, v0  }
0x40d: {  	[tilespmem:s9+$0x0] =	vst v60;
	v63 =	vmul.f32 v61, v0  }
0x40e: {  	[tilespmem:s10+$0x10] =	vst v62  }
0x40f: {  	s7 =	sadd.s32 $0x1, s7;
	[tilespmem:s10+$0x20] =	vst v63  }
0x410: {  	[hbm4b:s20+s2] =	stream.linear.scatter [tilespmem:s4], [sflag:$0x6], $0x1900, $0x38;
	[tilespmem:$0xFA80] =	vst v63  }
0x411: {  	p0 =	sne.s32 s7, s21;
	_ =	swait.ge [sflag:s5], $0x1900  }
.Ltmp16:
0x412: {  	[sflag:s5] =	ssyncset.done $0x0;
	(pc) =	sbr.rel @p0 .LBB2_1-.Ltmp16, $4  }
0x413: {  	[sflag:s5] =	ssyncadd.s32 $0xFFFFE700  }
0x414: {  	_ =	swait.ge [sflag:s6], $0x1900  }
0x415: {  	[sflag:s6] =	ssyncset.done $0x0  }
0x416: {  	[sflag:s6] =	ssyncadd.s32 $0xFFFFE700  }
0x417: {  	_ =	sfence.sel $0x180000  }
0x418: {  	[bflag:$0x0] =	sbarrier.arrive $0xFFFF  }
0x419: {  	_ =	strace $0x90000047  }
0x41a: {  	s0 =	stileid.u32;
	[bflag:$0x2] =	sbarrier.arrive $0xFFFF  }
0x41b: {  	p0 =	sne.s32 s0, $0x0;
	s0 =	rddreg [dreg:$0x2]  }
0x41c: {  	s0 =	sadd.s32 @!p0 $0x100000, s0  }
0x41d: {  	[sflag:s0] =	ssyncadd.tile.s32 @!p0 $0x1;
	_ =	shalt  }
.Lfunc_end2:
_tile_overlayer_lowered:
.L_overlay_start_2:
0x41e: {  	(tag) =	ssettag $0x2  }
0x41f: {  	s0 =	rddreg [dreg:$0x0];
	s2 =	stileid.u32  }
0x420: {  	s1 =	rddreg [dreg:$0x1];
	p0 =	sne.s32 s2, $0x0  }
0x421: {  	s3 =	rddreg [dreg:$0x2];
	[bflag:$0x3] =	sbarrier.arrive $0xFFFF;
	s2 =	simm.s32 @!p0 $0x1C07  }
0x422: {  	[timem:s3], [sflag:s2] =	dma.local @!p0 [hbm:s0], s1  }
0x423: {  	s0 =	simm.s32 @!p0 $0x7  }
0x424: {  	_ =	swait.ge @!p0 [sflag:s0], s1  }
0x425: {  	s1 =	ssub.s32 @!p0 $0x0, s1;
	[sflag:s0] =	ssyncset.done @!p0 $0x0  }
0x426: {  	[sflag:s0] =	ssyncadd.s32 @!p0 s1  }
0x427: {  	[bflag:$0x3] =	sbarrier.arrive $0xFFFF  }
0x428: {  	_ =	shalt  }

</sc_bundles>
